<compile_context>
chip_gen: v7x
topology: tpu7x:2x2x1
jax: 0.10.2.dev20260603
libtpu: 0.0.44.dev20260713+nightly
codegen_flags: <defaults>
</compile_context>

<pallas_src>
import functools

import jax
import jax.numpy as jnp
from jax import lax
from jax.experimental import pallas as pl
from jax.experimental.pallas import tpu as pltpu
from jax.experimental.pallas import tpu_sc as plsc

_BATCH = 8192
_HIDDEN = 2048
_HP = _HIDDEN // 2
_NUM_OPTIONS = 8
_NUM_ACTIONS = 512
_BT = 128
_NB = 72
_P = _NB * _BT
_CHUNK_CBS = (4, 20, 24, 24)
_NCHUNK = len(_CHUNK_CBS)

_NW = 32
_CH = 16
_NBUF = 2


def _make_sc_gather(base_block, cb):
    base_slot = base_block * _BT
    crows = cb * _BT
    rpw = crows // _NW
    nch = rpw // _CH

    @functools.partial(
        pl.kernel,
        out_type=jax.ShapeDtypeStruct((crows, _HIDDEN), jnp.float32),
        mesh=plsc.VectorSubcoreMesh(core_axis_name="c", subcore_axis_name="s"),
        scratch_types=[
            pltpu.VMEM((rpw,), jnp.int32),
        ] + [pltpu.VMEM((_CH, _HIDDEN), jnp.float32) for _ in range(_NBUF)]
          + [pltpu.SemaphoreType.DMA for _ in range(2 * _NBUF)],
    )
    def _sc_gather(states_hbm, idx_hbm, out_hbm, idx_v, *bufs_sems):
        bufs = bufs_sems[:_NBUF]
        rsems = bufs_sems[_NBUF:2 * _NBUF]
        wsems = bufs_sems[2 * _NBUF:]
        wid = lax.axis_index("s") * 2 + lax.axis_index("c")
        base = wid * rpw
        pltpu.sync_copy(idx_hbm.at[pl.ds(base_slot + base, rpw)], idx_v)

        rd, wr = {}, {}

        def start_read(c):
            rd[c] = pltpu.async_copy(
                states_hbm.at[idx_v.at[pl.ds(c * _CH, _CH)]],
                bufs[c % _NBUF], rsems[c % _NBUF])

        def start_write(c):
            wr[c] = pltpu.async_copy(
                bufs[c % _NBUF], out_hbm.at[pl.ds(base + c * _CH, _CH)],
                wsems[c % _NBUF])

        for c in range(min(_NBUF, nch)):
            start_read(c)
        for c in range(nch):
            rd[c].wait()
            start_write(c)
            if c + _NBUF < nch:
                wr[c].wait()
                start_read(c + _NBUF)
        for c in range(max(0, nch - _NBUF), nch):
            wr[c].wait()

    return _sc_gather


_CHUNK_STARTS = tuple(sum(_CHUNK_CBS[:k]) for k in range(_NCHUNK))
_SC_GATHERS = [_make_sc_gather(_CHUNK_STARTS[k], _CHUNK_CBS[k])
               for k in range(_NCHUNK)]


def _moe_body(be_ref, x_ref, w_ref, b_ref, a_ref, lp_ref, ent_ref):
    del be_ref
    x = x_ref[...]
    w = w_ref[0]
    logits = jax.lax.dot_general(
        x, w, (((1,), (0,)), ((), ())),
        preferred_element_type=jnp.float32,
    ) + b_ref[0, 0]
    s = logits
    es = jnp.exp(s)
    denom = jnp.sum(es, axis=-1, keepdims=True)
    ld = jnp.log(denom)
    ssum = jnp.sum(es * s, axis=-1, keepdims=True)
    ent = (ld - ssum / denom)[:, 0]
    a = a_ref[0, 0]
    sel = jax.lax.broadcasted_iota(jnp.int32, (_BT, _NUM_ACTIONS), 1) == a[:, None]
    lp_sel = jnp.sum(jnp.where(sel, s, 0.0), axis=-1) - ld[:, 0]
    lp_ref[0, 0] = lp_sel
    ent_ref[0, 0] = ent


def _moe_chunk(cb, block_expert_c, x_c, W_in, b3, a_c):
    grid_spec = pltpu.PrefetchScalarGridSpec(
        num_scalar_prefetch=1,
        grid=(cb,),
        in_specs=[
            pl.BlockSpec((_BT, _HIDDEN), lambda i, be: (i, 0)),
            pl.BlockSpec((1, _HIDDEN, _NUM_ACTIONS), lambda i, be: (be[i], 0, 0)),
            pl.BlockSpec((1, 1, _NUM_ACTIONS), lambda i, be: (be[i], 0, 0)),
            pl.BlockSpec((1, 1, _BT), lambda i, be: (i, 0, 0)),
        ],
        out_specs=[
            pl.BlockSpec((1, 1, _BT), lambda i, be: (i, 0, 0)),
            pl.BlockSpec((1, 1, _BT), lambda i, be: (i, 0, 0)),
        ],
    )
    return pl.pallas_call(
        _moe_body,
        grid_spec=grid_spec,
        out_shape=[
            jax.ShapeDtypeStruct((cb, 1, _BT), jnp.float32),
            jax.ShapeDtypeStruct((cb, 1, _BT), jnp.float32),
        ],
    )(block_expert_c, x_c, W_in, b3, a_c)


@jax.jit
def kernel(states, options, actions_old, W, b):
    opts = options.astype(jnp.int32)
    acts = actions_old.astype(jnp.int32)

    onehot = (opts[:, None] == jnp.arange(_NUM_OPTIONS, dtype=jnp.int32)[None, :])
    counts = jnp.sum(onehot, axis=0)
    blocks_per = (counts + _BT - 1) // _BT
    blk_end = jnp.cumsum(blocks_per)
    blk_start = blk_end - blocks_per
    padded_off = blk_start * _BT
    rank = jnp.cumsum(onehot, axis=0) - 1
    oh32 = onehot.astype(jnp.int32)
    my_rank = jnp.sum(oh32 * rank, axis=1)
    my_off = jnp.sum(oh32 * padded_off[None, :], axis=1)
    pos = my_off + my_rank
    block_expert = jnp.minimum(
        jnp.sum(jnp.arange(_NB, dtype=jnp.int32)[:, None] >= blk_end[None, :],
                axis=1),
        _NUM_OPTIONS - 1).astype(jnp.int32)

    b3 = b.reshape(_NUM_OPTIONS, 1, _NUM_ACTIONS)

    gidx = jnp.zeros((_P,), jnp.int32).at[pos].set(
        jnp.arange(_BATCH, dtype=jnp.int32))
    a_sorted = jnp.take(acts, gidx).reshape(_NB, 1, _BT)

    lp_chunks, ent_chunks = [], []
    for k in range(_NCHUNK):
        s0, cb = _CHUNK_STARTS[k], _CHUNK_CBS[k]
        x_c = _SC_GATHERS[k](states, gidx)
        lp_c, ent_c = _moe_chunk(
            cb, block_expert[s0:s0 + cb], x_c, W, b3,
            a_sorted[s0:s0 + cb])
        lp_chunks.append(lp_c)
        ent_chunks.append(ent_c)
    lp_s = jnp.concatenate(lp_chunks, axis=0)
    ent_s = jnp.concatenate(ent_chunks, axis=0)

    log_probs = lp_s.reshape(-1)[pos]
    entropy = ent_s.reshape(-1)[pos]
    return (log_probs, entropy)

# --- scband reference (transcript-rebuilt; emitter-appended) ---
"""Pipeline reference for scband-option-critic-agent-37512244363526 (READ-ONLY COPY).

The authoritative reference and input builder live on the scoring server;
editing this copy changes nothing except your own understanding.
"""

import jax, jax.numpy as jnp
import numpy as np

BATCH = 8192
HIDDEN = 2048
NUM_OPTIONS = 8
NUM_ACTIONS = 512


def setup_inputs(seed: int = 0) -> dict:
    key = jax.random.key(seed)
    k1, k2, k3, k4 = jax.random.split(key, 4)
    states = jax.random.normal(k1, (BATCH, HIDDEN), dtype=jnp.float32)
    options = jax.random.randint(k2, (BATCH,), 0, NUM_OPTIONS)
    actions_old = jax.random.randint(k3, (BATCH,), 0, NUM_ACTIONS)
    # per-option intra-option policy heads (ProcGenIntraActor.fc2), orthogonal-init approx
    W = jax.random.normal(k4, (NUM_OPTIONS, HIDDEN, NUM_ACTIONS), dtype=jnp.float32) * (np.sqrt(2.0) / np.sqrt(HIDDEN))
    b = jnp.zeros((NUM_OPTIONS, NUM_ACTIONS), dtype=jnp.float32)
    return {"states": states, "options": options, "actions_old": actions_old, "W": W, "b": b}


def reference(states, options, actions_old, W, b):
    # OptionCriticAgent.select_action: route each token (state rep) to the
    # intra-option policy (expert) selected by `options` (top-1 MoE routing).
    # Dense-compute-then-mask formulation (standard JAX MoE pattern): each
    # expert head is applied to all tokens, results combined with the routing mask.
    batch = states.shape[0]
    num_actions = W.shape[-1]
    action_logits = jnp.zeros((batch, num_actions), dtype=states.dtype)
    for option_idx in range(NUM_OPTIONS):
        mask = (options == option_idx)
        out_e = states @ W[option_idx] + b[option_idx]
        action_logits = jnp.where(mask[:, None], out_e, action_logits)
    # Categorical(logits=...).log_prob(actions_old) and .entropy()
    logp = jax.nn.log_softmax(action_logits, axis=-1)
    log_probs = jnp.take_along_axis(logp, actions_old[:, None], axis=-1)[:, 0]
    probs = jnp.exp(logp)
    entropy = -jnp.sum(probs * logp, axis=-1)
    # actions = actions_old (deterministic replay branch of select_action)
    return (log_probs, entropy)

if __name__ == "__main__":
    import jax
    _d = setup_inputs()
    print(jax.jit(kernel)(*tuple(_d.values())))

</pallas_src>

<mosaic_0001>
#map = affine_map<(d0, d1) -> (0, 0)>
#map1 = affine_map<(d0, d1) -> (0)>
module attributes {stable_mosaic.version = 14 : i64} {
  func.func @_sc_gather(%arg0: i32, %arg1: i32, %arg2: memref<8192x2048xf32, #tpu.memory_space<hbm>>, %arg3: memref<9216xi32, #tpu.memory_space<hbm>>, %arg4: memref<3072x2048xf32, #tpu.memory_space<hbm>>, %arg5: memref<96xi32, #tpu.memory_space<vmem>>, %arg6: memref<16x2048xf32, #tpu.memory_space<vmem>>, %arg7: memref<16x2048xf32, #tpu.memory_space<vmem>>, %arg8: memref<!tpu.dma_semaphore, #tpu.memory_space<semaphore_mem>>, %arg9: memref<!tpu.dma_semaphore, #tpu.memory_space<semaphore_mem>>, %arg10: memref<!tpu.dma_semaphore, #tpu.memory_space<semaphore_mem>>, %arg11: memref<!tpu.dma_semaphore, #tpu.memory_space<semaphore_mem>>) attributes {dimension_semantics = [#tpu.dimension_semantics<core_parallel>, #tpu.dimension_semantics<subcore_parallel>], iteration_bounds = array<i64: 2, 16>, scalar_prefetch = 0 : i64, scratch_operands = 7 : i64, tpu.core_type = #tpu.core_type<sc_vector_subcore>, window_params = [{transform_indices = #map}, {transform_indices = #map1}, {transform_indices = #map}]} {
    %mul3A = arith.constant 2 : i32
    %mul3A_0 = arith.muli %arg1, %mul3A : i32
    %add3A = arith.addi %mul3A_0, %arg0 : i32
    %mul3A_1 = arith.constant 96 : i32
    %mul3A_2 = arith.muli %add3A, %mul3A_1 : i32
    %add3A_3 = arith.constant 6144 : i32
    %add3A_4 = arith.addi %add3A_3, %mul3A_2 : i32
    "tpu.region"() ({
      %run_scoped3A = tpu.sem_alloc : memref<!tpu.dma_semaphore, #tpu.memory_space<semaphore_mem>>
      %dma_start3A_123 = tpu.memref_slice %arg3[%add3A_4] : memref<9216xi32, #tpu.memory_space<hbm>> -> memref<96xi32, #tpu.memory_space<hbm>>
      %dma_start3A_124 = tpu.memref_slice %arg3[%add3A_4] : memref<9216xi32, #tpu.memory_space<hbm>> -> memref<96xi32, #tpu.memory_space<hbm>>
      tpu.enqueue_dma source(%dma_start3A_124 : memref<96xi32, #tpu.memory_space<hbm>>) target(%arg5 : memref<96xi32, #tpu.memory_space<vmem>>) target_semaphore(%run_scoped3A : memref<!tpu.dma_semaphore, #tpu.memory_space<semaphore_mem>>)
      %dma_wait3A_125 = tpu.memref_slice %arg3[%add3A_4] : memref<9216xi32, #tpu.memory_space<hbm>> -> memref<96xi32, #tpu.memory_space<hbm>>
      %dma_wait3A_126 = tpu.memref_slice %arg3[%add3A_4] : memref<9216xi32, #tpu.memory_space<hbm>> -> memref<96xi32, #tpu.memory_space<hbm>>
      tpu.wait_dma2 semaphore(%run_scoped3A : memref<!tpu.dma_semaphore, #tpu.memory_space<semaphore_mem>>) src(%dma_wait3A_126 : memref<96xi32, #tpu.memory_space<hbm>>) dst(%arg5 : memref<96xi32, #tpu.memory_space<vmem>>)
      tpu.yield
    }) : () -> ()
    %dma_start3A = arith.constant 0 : i32
    %dma_start3A_5 = tpu.memref_slice %arg5[%dma_start3A] : memref<96xi32, #tpu.memory_space<vmem>> -> memref<16xi32, #tpu.memory_space<vmem>>
    %dma_start3A_6 = arith.constant 0 : i32
    %dma_start3A_7 = arith.constant 0 : i32
    %dma_start3A_8 = tpu.memref_slice %arg2[%dma_start3A_6, %dma_start3A_7] : memref<8192x2048xf32, #tpu.memory_space<hbm>> -> memref<8192x2048xf32, #tpu.memory_space<hbm>>
    tpu.enqueue_indirect_dma source(%dma_start3A_8 : memref<8192x2048xf32, #tpu.memory_space<hbm>>) target(%arg6 : memref<16x2048xf32, #tpu.memory_space<vmem>>) offsets(%dma_start3A_5 : memref<16xi32, #tpu.memory_space<vmem>>) semaphore(%arg8 : memref<!tpu.dma_semaphore, #tpu.memory_space<semaphore_mem>>)
    %dma_start3A_9 = arith.constant 16 : i32
    %dma_start3A_10 = tpu.memref_slice %arg5[%dma_start3A_9] : memref<96xi32, #tpu.memory_space<vmem>> -> memref<16xi32, #tpu.memory_space<vmem>>
    %dma_start3A_11 = arith.constant 0 : i32
    %dma_start3A_12 = arith.constant 0 : i32
    %dma_start3A_13 = tpu.memref_slice %arg2[%dma_start3A_11, %dma_start3A_12] : memref<8192x2048xf32, #tpu.memory_space<hbm>> -> memref<8192x2048xf32, #tpu.memory_space<hbm>>
    tpu.enqueue_indirect_dma source(%dma_start3A_13 : memref<8192x2048xf32, #tpu.memory_space<hbm>>) target(%arg7 : memref<16x2048xf32, #tpu.memory_space<vmem>>) offsets(%dma_start3A_10 : memref<16xi32, #tpu.memory_space<vmem>>) semaphore(%arg9 : memref<!tpu.dma_semaphore, #tpu.memory_space<semaphore_mem>>)
    %dma_wait3A = arith.constant 0 : i32
    %dma_wait3A_14 = tpu.memref_slice %arg5[%dma_wait3A] : memref<96xi32, #tpu.memory_space<vmem>> -> memref<16xi32, #tpu.memory_space<vmem>>
    %dma_wait3A_15 = arith.constant 0 : i32
    %dma_wait3A_16 = arith.constant 0 : i32
    %dma_wait3A_17 = tpu.memref_slice %arg2[%dma_wait3A_15, %dma_wait3A_16] : memref<8192x2048xf32, #tpu.memory_space<hbm>> -> memref<8192x2048xf32, #tpu.memory_space<hbm>>
    tpu.wait_indirect_dma semaphore(%arg8 : memref<!tpu.dma_semaphore, #tpu.memory_space<semaphore_mem>>) src(%dma_wait3A_17 : memref<8192x2048xf32, #tpu.memory_space<hbm>>) dst(%arg6 : memref<16x2048xf32, #tpu.memory_space<vmem>>)
    %add3A_18 = arith.constant 0 : i32
    %add3A_19 = arith.addi %mul3A_2, %add3A_18 : i32
    %dma_start3A_20 = arith.constant 0 : i32
    %dma_start3A_21 = tpu.memref_slice %arg4[%add3A_19, %dma_start3A_20] : memref<3072x2048xf32, #tpu.memory_space<hbm>> -> memref<16x2048xf32, #tpu.memory_space<hbm>>
    %dma_start3A_22 = arith.constant 0 : i32
    %dma_start3A_23 = tpu.memref_slice %arg4[%add3A_19, %dma_start3A_22] : memref<3072x2048xf32, #tpu.memory_space<hbm>> -> memref<16x2048xf32, #tpu.memory_space<hbm>>
    tpu.enqueue_dma source(%arg6 : memref<16x2048xf32, #tpu.memory_space<vmem>>) target(%dma_start3A_23 : memref<16x2048xf32, #tpu.memory_space<hbm>>) target_semaphore(%arg10 : memref<!tpu.dma_semaphore, #tpu.memory_space<semaphore_mem>>)
    %dma_wait3A_24 = arith.constant 0 : i32
    %dma_wait3A_25 = tpu.memref_slice %arg4[%add3A_19, %dma_wait3A_24] : memref<3072x2048xf32, #tpu.memory_space<hbm>> -> memref<16x2048xf32, #tpu.memory_space<hbm>>
    %dma_wait3A_26 = arith.constant 0 : i32
    %dma_wait3A_27 = tpu.memref_slice %arg4[%add3A_19, %dma_wait3A_26] : memref<3072x2048xf32, #tpu.memory_space<hbm>> -> memref<16x2048xf32, #tpu.memory_space<hbm>>
    tpu.wait_dma2 semaphore(%arg10 : memref<!tpu.dma_semaphore, #tpu.memory_space<semaphore_mem>>) src(%arg6 : memref<16x2048xf32, #tpu.memory_space<vmem>>) dst(%dma_wait3A_27 : memref<16x2048xf32, #tpu.memory_space<hbm>>)
    %dma_start3A_28 = arith.constant 32 : i32
    %dma_start3A_29 = tpu.memref_slice %arg5[%dma_start3A_28] : memref<96xi32, #tpu.memory_space<vmem>> -> memref<16xi32, #tpu.memory_space<vmem>>
    %dma_start3A_30 = arith.constant 0 : i32
    %dma_start3A_31 = arith.constant 0 : i32
    %dma_start3A_32 = tpu.memref_slice %arg2[%dma_start3A_30, %dma_start3A_31] : memref<8192x2048xf32, #tpu.memory_space<hbm>> -> memref<8192x2048xf32, #tpu.memory_space<hbm>>
    tpu.enqueue_indirect_dma source(%dma_start3A_32 : memref<8192x2048xf32, #tpu.memory_space<hbm>>) target(%arg6 : memref<16x2048xf32, #tpu.memory_space<vmem>>) offsets(%dma_start3A_29 : memref<16xi32, #tpu.memory_space<vmem>>) semaphore(%arg8 : memref<!tpu.dma_semaphore, #tpu.memory_space<semaphore_mem>>)
    %dma_wait3A_33 = arith.constant 16 : i32
    %dma_wait3A_34 = tpu.memref_slice %arg5[%dma_wait3A_33] : memref<96xi32, #tpu.memory_space<vmem>> -> memref<16xi32, #tpu.memory_space<vmem>>
    %dma_wait3A_35 = arith.constant 0 : i32
    %dma_wait3A_36 = arith.constant 0 : i32
    %dma_wait3A_37 = tpu.memref_slice %arg2[%dma_wait3A_35, %dma_wait3A_36] : memref<8192x2048xf32, #tpu.memory_space<hbm>> -> memref<8192x2048xf32, #tpu.memory_space<hbm>>
    tpu.wait_indirect_dma semaphore(%arg9 : memref<!tpu.dma_semaphore, #tpu.memory_space<semaphore_mem>>) src(%dma_wait3A_37 : memref<8192x2048xf32, #tpu.memory_space<hbm>>) dst(%arg7 : memref<16x2048xf32, #tpu.memory_space<vmem>>)
    %add3A_38 = arith.constant 16 : i32
    %add3A_39 = arith.addi %mul3A_2, %add3A_38 : i32
    %dma_start3A_40 = arith.constant 0 : i32
    %dma_start3A_41 = tpu.memref_slice %arg4[%add3A_39, %dma_start3A_40] : memref<3072x2048xf32, #tpu.memory_space<hbm>> -> memref<16x2048xf32, #tpu.memory_space<hbm>>
    %dma_start3A_42 = arith.constant 0 : i32
    %dma_start3A_43 = tpu.memref_slice %arg4[%add3A_39, %dma_start3A_42] : memref<3072x2048xf32, #tpu.memory_space<hbm>> -> memref<16x2048xf32, #tpu.memory_space<hbm>>
    tpu.enqueue_dma source(%arg7 : memref<16x2048xf32, #tpu.memory_space<vmem>>) target(%dma_start3A_43 : memref<16x2048xf32, #tpu.memory_space<hbm>>) target_semaphore(%arg11 : memref<!tpu.dma_semaphore, #tpu.memory_space<semaphore_mem>>)
    %dma_wait3A_44 = arith.constant 0 : i32
    %dma_wait3A_45 = tpu.memref_slice %arg4[%add3A_39, %dma_wait3A_44] : memref<3072x2048xf32, #tpu.memory_space<hbm>> -> memref<16x2048xf32, #tpu.memory_space<hbm>>
    %dma_wait3A_46 = arith.constant 0 : i32
    %dma_wait3A_47 = tpu.memref_slice %arg4[%add3A_39, %dma_wait3A_46] : memref<3072x2048xf32, #tpu.memory_space<hbm>> -> memref<16x2048xf32, #tpu.memory_space<hbm>>
    tpu.wait_dma2 semaphore(%arg11 : memref<!tpu.dma_semaphore, #tpu.memory_space<semaphore_mem>>) src(%arg7 : memref<16x2048xf32, #tpu.memory_space<vmem>>) dst(%dma_wait3A_47 : memref<16x2048xf32, #tpu.memory_space<hbm>>)
    %dma_start3A_48 = arith.constant 48 : i32
    %dma_start3A_49 = tpu.memref_slice %arg5[%dma_start3A_48] : memref<96xi32, #tpu.memory_space<vmem>> -> memref<16xi32, #tpu.memory_space<vmem>>
    %dma_start3A_50 = arith.constant 0 : i32
    %dma_start3A_51 = arith.constant 0 : i32
    %dma_start3A_52 = tpu.memref_slice %arg2[%dma_start3A_50, %dma_start3A_51] : memref<8192x2048xf32, #tpu.memory_space<hbm>> -> memref<8192x2048xf32, #tpu.memory_space<hbm>>
    tpu.enqueue_indirect_dma source(%dma_start3A_52 : memref<8192x2048xf32, #tpu.memory_space<hbm>>) target(%arg7 : memref<16x2048xf32, #tpu.memory_space<vmem>>) offsets(%dma_start3A_49 : memref<16xi32, #tpu.memory_space<vmem>>) semaphore(%arg9 : memref<!tpu.dma_semaphore, #tpu.memory_space<semaphore_mem>>)
    %dma_wait3A_53 = arith.constant 32 : i32
    %dma_wait3A_54 = tpu.memref_slice %arg5[%dma_wait3A_53] : memref<96xi32, #tpu.memory_space<vmem>> -> memref<16xi32, #tpu.memory_space<vmem>>
    %dma_wait3A_55 = arith.constant 0 : i32
    %dma_wait3A_56 = arith.constant 0 : i32
    %dma_wait3A_57 = tpu.memref_slice %arg2[%dma_wait3A_55, %dma_wait3A_56] : memref<8192x2048xf32, #tpu.memory_space<hbm>> -> memref<8192x2048xf32, #tpu.memory_space<hbm>>
    tpu.wait_indirect_dma semaphore(%arg8 : memref<!tpu.dma_semaphore, #tpu.memory_space<semaphore_mem>>) src(%dma_wait3A_57 : memref<8192x2048xf32, #tpu.memory_space<hbm>>) dst(%arg6 : memref<16x2048xf32, #tpu.memory_space<vmem>>)
    %add3A_58 = arith.constant 32 : i32
    %add3A_59 = arith.addi %mul3A_2, %add3A_58 : i32
    %dma_start3A_60 = arith.constant 0 : i32
    %dma_start3A_61 = tpu.memref_slice %arg4[%add3A_59, %dma_start3A_60] : memref<3072x2048xf32, #tpu.memory_space<hbm>> -> memref<16x2048xf32, #tpu.memory_space<hbm>>
    %dma_start3A_62 = arith.constant 0 : i32
    %dma_start3A_63 = tpu.memref_slice %arg4[%add3A_59, %dma_start3A_62] : memref<3072x2048xf32, #tpu.memory_space<hbm>> -> memref<16x2048xf32, #tpu.memory_space<hbm>>
    tpu.enqueue_dma source(%arg6 : memref<16x2048xf32, #tpu.memory_space<vmem>>) target(%dma_start3A_63 : memref<16x2048xf32, #tpu.memory_space<hbm>>) target_semaphore(%arg10 : memref<!tpu.dma_semaphore, #tpu.memory_space<semaphore_mem>>)
    %dma_wait3A_64 = arith.constant 0 : i32
    %dma_wait3A_65 = tpu.memref_slice %arg4[%add3A_59, %dma_wait3A_64] : memref<3072x2048xf32, #tpu.memory_space<hbm>> -> memref<16x2048xf32, #tpu.memory_space<hbm>>
    %dma_wait3A_66 = arith.constant 0 : i32
    %dma_wait3A_67 = tpu.memref_slice %arg4[%add3A_59, %dma_wait3A_66] : memref<3072x2048xf32, #tpu.memory_space<hbm>> -> memref<16x2048xf32, #tpu.memory_space<hbm>>
    tpu.wait_dma2 semaphore(%arg10 : memref<!tpu.dma_semaphore, #tpu.memory_space<semaphore_mem>>) src(%arg6 : memref<16x2048xf32, #tpu.memory_space<vmem>>) dst(%dma_wait3A_67 : memref<16x2048xf32, #tpu.memory_space<hbm>>)
    %dma_start3A_68 = arith.constant 64 : i32
    %dma_start3A_69 = tpu.memref_slice %arg5[%dma_start3A_68] : memref<96xi32, #tpu.memory_space<vmem>> -> memref<16xi32, #tpu.memory_space<vmem>>
    %dma_start3A_70 = arith.constant 0 : i32
    %dma_start3A_71 = arith.constant 0 : i32
    %dma_start3A_72 = tpu.memref_slice %arg2[%dma_start3A_70, %dma_start3A_71] : memref<8192x2048xf32, #tpu.memory_space<hbm>> -> memref<8192x2048xf32, #tpu.memory_space<hbm>>
    tpu.enqueue_indirect_dma source(%dma_start3A_72 : memref<8192x2048xf32, #tpu.memory_space<hbm>>) target(%arg6 : memref<16x2048xf32, #tpu.memory_space<vmem>>) offsets(%dma_start3A_69 : memref<16xi32, #tpu.memory_space<vmem>>) semaphore(%arg8 : memref<!tpu.dma_semaphore, #tpu.memory_space<semaphore_mem>>)
    %dma_wait3A_73 = arith.constant 48 : i32
    %dma_wait3A_74 = tpu.memref_slice %arg5[%dma_wait3A_73] : memref<96xi32, #tpu.memory_space<vmem>> -> memref<16xi32, #tpu.memory_space<vmem>>
    %dma_wait3A_75 = arith.constant 0 : i32
    %dma_wait3A_76 = arith.constant 0 : i32
    %dma_wait3A_77 = tpu.memref_slice %arg2[%dma_wait3A_75, %dma_wait3A_76] : memref<8192x2048xf32, #tpu.memory_space<hbm>> -> memref<8192x2048xf32, #tpu.memory_space<hbm>>
    tpu.wait_indirect_dma semaphore(%arg9 : memref<!tpu.dma_semaphore, #tpu.memory_space<semaphore_mem>>) src(%dma_wait3A_77 : memref<8192x2048xf32, #tpu.memory_space<hbm>>) dst(%arg7 : memref<16x2048xf32, #tpu.memory_space<vmem>>)
    %add3A_78 = arith.constant 48 : i32
    %add3A_79 = arith.addi %mul3A_2, %add3A_78 : i32
    %dma_start3A_80 = arith.constant 0 : i32
    %dma_start3A_81 = tpu.memref_slice %arg4[%add3A_79, %dma_start3A_80] : memref<3072x2048xf32, #tpu.memory_space<hbm>> -> memref<16x2048xf32, #tpu.memory_space<hbm>>
    %dma_start3A_82 = arith.constant 0 : i32
    %dma_start3A_83 = tpu.memref_slice %arg4[%add3A_79, %dma_start3A_82] : memref<3072x2048xf32, #tpu.memory_space<hbm>> -> memref<16x2048xf32, #tpu.memory_space<hbm>>
    tpu.enqueue_dma source(%arg7 : memref<16x2048xf32, #tpu.memory_space<vmem>>) target(%dma_start3A_83 : memref<16x2048xf32, #tpu.memory_space<hbm>>) target_semaphore(%arg11 : memref<!tpu.dma_semaphore, #tpu.memory_space<semaphore_mem>>)
    %dma_wait3A_84 = arith.constant 0 : i32
    %dma_wait3A_85 = tpu.memref_slice %arg4[%add3A_79, %dma_wait3A_84] : memref<3072x2048xf32, #tpu.memory_space<hbm>> -> memref<16x2048xf32, #tpu.memory_space<hbm>>
    %dma_wait3A_86 = arith.constant 0 : i32
    %dma_wait3A_87 = tpu.memref_slice %arg4[%add3A_79, %dma_wait3A_86] : memref<3072x2048xf32, #tpu.memory_space<hbm>> -> memref<16x2048xf32, #tpu.memory_space<hbm>>
    tpu.wait_dma2 semaphore(%arg11 : memref<!tpu.dma_semaphore, #tpu.memory_space<semaphore_mem>>) src(%arg7 : memref<16x2048xf32, #tpu.memory_space<vmem>>) dst(%dma_wait3A_87 : memref<16x2048xf32, #tpu.memory_space<hbm>>)
    %dma_start3A_88 = arith.constant 80 : i32
    %dma_start3A_89 = tpu.memref_slice %arg5[%dma_start3A_88] : memref<96xi32, #tpu.memory_space<vmem>> -> memref<16xi32, #tpu.memory_space<vmem>>
    %dma_start3A_90 = arith.constant 0 : i32
    %dma_start3A_91 = arith.constant 0 : i32
    %dma_start3A_92 = tpu.memref_slice %arg2[%dma_start3A_90, %dma_start3A_91] : memref<8192x2048xf32, #tpu.memory_space<hbm>> -> memref<8192x2048xf32, #tpu.memory_space<hbm>>
    tpu.enqueue_indirect_dma source(%dma_start3A_92 : memref<8192x2048xf32, #tpu.memory_space<hbm>>) target(%arg7 : memref<16x2048xf32, #tpu.memory_space<vmem>>) offsets(%dma_start3A_89 : memref<16xi32, #tpu.memory_space<vmem>>) semaphore(%arg9 : memref<!tpu.dma_semaphore, #tpu.memory_space<semaphore_mem>>)
    %dma_wait3A_93 = arith.constant 64 : i32
    %dma_wait3A_94 = tpu.memref_slice %arg5[%dma_wait3A_93] : memref<96xi32, #tpu.memory_space<vmem>> -> memref<16xi32, #tpu.memory_space<vmem>>
    %dma_wait3A_95 = arith.constant 0 : i32
    %dma_wait3A_96 = arith.constant 0 : i32
    %dma_wait3A_97 = tpu.memref_slice %arg2[%dma_wait3A_95, %dma_wait3A_96] : memref<8192x2048xf32, #tpu.memory_space<hbm>> -> memref<8192x2048xf32, #tpu.memory_space<hbm>>
    tpu.wait_indirect_dma semaphore(%arg8 : memref<!tpu.dma_semaphore, #tpu.memory_space<semaphore_mem>>) src(%dma_wait3A_97 : memref<8192x2048xf32, #tpu.memory_space<hbm>>) dst(%arg6 : memref<16x2048xf32, #tpu.memory_space<vmem>>)
    %add3A_98 = arith.constant 64 : i32
    %add3A_99 = arith.addi %mul3A_2, %add3A_98 : i32
    %dma_start3A_100 = arith.constant 0 : i32
    %dma_start3A_101 = tpu.memref_slice %arg4[%add3A_99, %dma_start3A_100] : memref<3072x2048xf32, #tpu.memory_space<hbm>> -> memref<16x2048xf32, #tpu.memory_space<hbm>>
    %dma_start3A_102 = arith.constant 0 : i32
    %dma_start3A_103 = tpu.memref_slice %arg4[%add3A_99, %dma_start3A_102] : memref<3072x2048xf32, #tpu.memory_space<hbm>> -> memref<16x2048xf32, #tpu.memory_space<hbm>>
    tpu.enqueue_dma source(%arg6 : memref<16x2048xf32, #tpu.memory_space<vmem>>) target(%dma_start3A_103 : memref<16x2048xf32, #tpu.memory_space<hbm>>) target_semaphore(%arg10 : memref<!tpu.dma_semaphore, #tpu.memory_space<semaphore_mem>>)
    %dma_wait3A_104 = arith.constant 80 : i32
    %dma_wait3A_105 = tpu.memref_slice %arg5[%dma_wait3A_104] : memref<96xi32, #tpu.memory_space<vmem>> -> memref<16xi32, #tpu.memory_space<vmem>>
    %dma_wait3A_106 = arith.constant 0 : i32
    %dma_wait3A_107 = arith.constant 0 : i32
    %dma_wait3A_108 = tpu.memref_slice %arg2[%dma_wait3A_106, %dma_wait3A_107] : memref<8192x2048xf32, #tpu.memory_space<hbm>> -> memref<8192x2048xf32, #tpu.memory_space<hbm>>
    tpu.wait_indirect_dma semaphore(%arg9 : memref<!tpu.dma_semaphore, #tpu.memory_space<semaphore_mem>>) src(%dma_wait3A_108 : memref<8192x2048xf32, #tpu.memory_space<hbm>>) dst(%arg7 : memref<16x2048xf32, #tpu.memory_space<vmem>>)
    %add3A_109 = arith.constant 80 : i32
    %add3A_110 = arith.addi %mul3A_2, %add3A_109 : i32
    %dma_start3A_111 = arith.constant 0 : i32
    %dma_start3A_112 = tpu.memref_slice %arg4[%add3A_110, %dma_start3A_111] : memref<3072x2048xf32, #tpu.memory_space<hbm>> -> memref<16x2048xf32, #tpu.memory_space<hbm>>
    %dma_start3A_113 = arith.constant 0 : i32
    %dma_start3A_114 = tpu.memref_slice %arg4[%add3A_110, %dma_start3A_113] : memref<3072x2048xf32, #tpu.memory_space<hbm>> -> memref<16x2048xf32, #tpu.memory_space<hbm>>
    tpu.enqueue_dma source(%arg7 : memref<16x2048xf32, #tpu.memory_space<vmem>>) target(%dma_start3A_114 : memref<16x2048xf32, #tpu.memory_space<hbm>>) target_semaphore(%arg11 : memref<!tpu.dma_semaphore, #tpu.memory_space<semaphore_mem>>)
    %dma_wait3A_115 = arith.constant 0 : i32
    %dma_wait3A_116 = tpu.memref_slice %arg4[%add3A_99, %dma_wait3A_115] : memref<3072x2048xf32, #tpu.memory_space<hbm>> -> memref<16x2048xf32, #tpu.memory_space<hbm>>
    %dma_wait3A_117 = arith.constant 0 : i32
    %dma_wait3A_118 = tpu.memref_slice %arg4[%add3A_99, %dma_wait3A_117] : memref<3072x2048xf32, #tpu.memory_space<hbm>> -> memref<16x2048xf32, #tpu.memory_space<hbm>>
    tpu.wait_dma2 semaphore(%arg10 : memref<!tpu.dma_semaphore, #tpu.memory_space<semaphore_mem>>) src(%arg6 : memref<16x2048xf32, #tpu.memory_space<vmem>>) dst(%dma_wait3A_118 : memref<16x2048xf32, #tpu.memory_space<hbm>>)
    %dma_wait3A_119 = arith.constant 0 : i32
    %dma_wait3A_120 = tpu.memref_slice %arg4[%add3A_110, %dma_wait3A_119] : memref<3072x2048xf32, #tpu.memory_space<hbm>> -> memref<16x2048xf32, #tpu.memory_space<hbm>>
    %dma_wait3A_121 = arith.constant 0 : i32
    %dma_wait3A_122 = tpu.memref_slice %arg4[%add3A_110, %dma_wait3A_121] : memref<3072x2048xf32, #tpu.memory_space<hbm>> -> memref<16x2048xf32, #tpu.memory_space<hbm>>
    tpu.wait_dma2 semaphore(%arg11 : memref<!tpu.dma_semaphore, #tpu.memory_space<semaphore_mem>>) src(%arg7 : memref<16x2048xf32, #tpu.memory_space<vmem>>) dst(%dma_wait3A_122 : memref<16x2048xf32, #tpu.memory_space<hbm>>)
    return
  }
}

#map = affine_map<(d0, d1) -> (0, 0)>
#map1 = affine_map<(d0, d1) -> (0)>
module attributes {stable_mosaic.version = 14 : i64} {
  func.func @_sc_gather(%arg0: i32, %arg1: i32, %arg2: memref<8192x2048xf32, #tpu.memory_space<hbm>>, %arg3: memref<9216xi32, #tpu.memory_space<hbm>>, %arg4: memref<512x2048xf32, #tpu.memory_space<hbm>>, %arg5: memref<16xi32, #tpu.memory_space<vmem>>, %arg6: memref<16x2048xf32, #tpu.memory_space<vmem>>, %arg7: memref<16x2048xf32, #tpu.memory_space<vmem>>, %arg8: memref<!tpu.dma_semaphore, #tpu.memory_space<semaphore_mem>>, %arg9: memref<!tpu.dma_semaphore, #tpu.memory_space<semaphore_mem>>, %arg10: memref<!tpu.dma_semaphore, #tpu.memory_space<semaphore_mem>>, %arg11: memref<!tpu.dma_semaphore, #tpu.memory_space<semaphore_mem>>) attributes {dimension_semantics = [#tpu.dimension_semantics<core_parallel>, #tpu.dimension_semantics<subcore_parallel>], iteration_bounds = array<i64: 2, 16>, scalar_prefetch = 0 : i64, scratch_operands = 7 : i64, tpu.core_type = #tpu.core_type<sc_vector_subcore>, window_params = [{transform_indices = #map}, {transform_indices = #map1}, {transform_indices = #map}]} {
    %mul3A = arith.constant 2 : i32
    %mul3A_0 = arith.muli %arg1, %mul3A : i32
    %add3A = arith.addi %mul3A_0, %arg0 : i32
    %mul3A_1 = arith.constant 16 : i32
    %mul3A_2 = arith.muli %add3A, %mul3A_1 : i32
    %add3A_3 = arith.constant 0 : i32
    %add3A_4 = arith.addi %add3A_3, %mul3A_2 : i32
    "tpu.region"() ({
      %run_scoped3A = tpu.sem_alloc : memref<!tpu.dma_semaphore, #tpu.memory_space<semaphore_mem>>
      %dma_start3A_23 = tpu.memref_slice %arg3[%add3A_4] : memref<9216xi32, #tpu.memory_space<hbm>> -> memref<16xi32, #tpu.memory_space<hbm>>
      %dma_start3A_24 = tpu.memref_slice %arg3[%add3A_4] : memref<9216xi32, #tpu.memory_space<hbm>> -> memref<16xi32, #tpu.memory_space<hbm>>
      tpu.enqueue_dma source(%dma_start3A_24 : memref<16xi32, #tpu.memory_space<hbm>>) target(%arg5 : memref<16xi32, #tpu.memory_space<vmem>>) target_semaphore(%run_scoped3A : memref<!tpu.dma_semaphore, #tpu.memory_space<semaphore_mem>>)
      %dma_wait3A_25 = tpu.memref_slice %arg3[%add3A_4] : memref<9216xi32, #tpu.memory_space<hbm>> -> memref<16xi32, #tpu.memory_space<hbm>>
      %dma_wait3A_26 = tpu.memref_slice %arg3[%add3A_4] : memref<9216xi32, #tpu.memory_space<hbm>> -> memref<16xi32, #tpu.memory_space<hbm>>
      tpu.wait_dma2 semaphore(%run_scoped3A : memref<!tpu.dma_semaphore, #tpu.memory_space<semaphore_mem>>) src(%dma_wait3A_26 : memref<16xi32, #tpu.memory_space<hbm>>) dst(%arg5 : memref<16xi32, #tpu.memory_space<vmem>>)
      tpu.yield
    }) : () -> ()
    %dma_start3A = arith.constant 0 : i32
    %dma_start3A_5 = tpu.memref_slice %arg5[%dma_start3A] : memref<16xi32, #tpu.memory_space<vmem>> -> memref<16xi32, #tpu.memory_space<vmem>>
    %dma_start3A_6 = arith.constant 0 : i32
    %dma_start3A_7 = arith.constant 0 : i32
    %dma_start3A_8 = tpu.memref_slice %arg2[%dma_start3A_6, %dma_start3A_7] : memref<8192x2048xf32, #tpu.memory_space<hbm>> -> memref<8192x2048xf32, #tpu.memory_space<hbm>>
    tpu.enqueue_indirect_dma source(%dma_start3A_8 : memref<8192x2048xf32, #tpu.memory_space<hbm>>) target(%arg6 : memref<16x2048xf32, #tpu.memory_space<vmem>>) offsets(%dma_start3A_5 : memref<16xi32, #tpu.memory_space<vmem>>) semaphore(%arg8 : memref<!tpu.dma_semaphore, #tpu.memory_space<semaphore_mem>>)
    %dma_wait3A = arith.constant 0 : i32
    %dma_wait3A_9 = tpu.memref_slice %arg5[%dma_wait3A] : memref<16xi32, #tpu.memory_space<vmem>> -> memref<16xi32, #tpu.memory_space<vmem>>
    %dma_wait3A_10 = arith.constant 0 : i32
    %dma_wait3A_11 = arith.constant 0 : i32
    %dma_wait3A_12 = tpu.memref_slice %arg2[%dma_wait3A_10, %dma_wait3A_11] : memref<8192x2048xf32, #tpu.memory_space<hbm>> -> memref<8192x2048xf32, #tpu.memory_space<hbm>>
    tpu.wait_indirect_dma semaphore(%arg8 : memref<!tpu.dma_semaphore, #tpu.memory_space<semaphore_mem>>) src(%dma_wait3A_12 : memref<8192x2048xf32, #tpu.memory_space<hbm>>) dst(%arg6 : memref<16x2048xf32, #tpu.memory_space<vmem>>)
    %add3A_13 = arith.constant 0 : i32
    %add3A_14 = arith.addi %mul3A_2, %add3A_13 : i32
    %dma_start3A_15 = arith.constant 0 : i32
    %dma_start3A_16 = tpu.memref_slice %arg4[%add3A_14, %dma_start3A_15] : memref<512x2048xf32, #tpu.memory_space<hbm>> -> memref<16x2048xf32, #tpu.memory_space<hbm>>
    %dma_start3A_17 = arith.constant 0 : i32
    %dma_start3A_18 = tpu.memref_slice %arg4[%add3A_14, %dma_start3A_17] : memref<512x2048xf32, #tpu.memory_space<hbm>> -> memref<16x2048xf32, #tpu.memory_space<hbm>>
    tpu.enqueue_dma source(%arg6 : memref<16x2048xf32, #tpu.memory_space<vmem>>) target(%dma_start3A_18 : memref<16x2048xf32, #tpu.memory_space<hbm>>) target_semaphore(%arg10 : memref<!tpu.dma_semaphore, #tpu.memory_space<semaphore_mem>>)
    %dma_wait3A_19 = arith.constant 0 : i32
    %dma_wait3A_20 = tpu.memref_slice %arg4[%add3A_14, %dma_wait3A_19] : memref<512x2048xf32, #tpu.memory_space<hbm>> -> memref<16x2048xf32, #tpu.memory_space<hbm>>
    %dma_wait3A_21 = arith.constant 0 : i32
    %dma_wait3A_22 = tpu.memref_slice %arg4[%add3A_14, %dma_wait3A_21] : memref<512x2048xf32, #tpu.memory_space<hbm>> -> memref<16x2048xf32, #tpu.memory_space<hbm>>
    tpu.wait_dma2 semaphore(%arg10 : memref<!tpu.dma_semaphore, #tpu.memory_space<semaphore_mem>>) src(%arg6 : memref<16x2048xf32, #tpu.memory_space<vmem>>) dst(%dma_wait3A_22 : memref<16x2048xf32, #tpu.memory_space<hbm>>)
    return
  }
}

#map = affine_map<(d0, d1) -> (0, 0)>
#map1 = affine_map<(d0, d1) -> (0)>
module attributes {stable_mosaic.version = 14 : i64} {
  func.func @_sc_gather(%arg0: i32, %arg1: i32, %arg2: memref<8192x2048xf32, #tpu.memory_space<hbm>>, %arg3: memref<9216xi32, #tpu.memory_space<hbm>>, %arg4: memref<2560x2048xf32, #tpu.memory_space<hbm>>, %arg5: memref<80xi32, #tpu.memory_space<vmem>>, %arg6: memref<16x2048xf32, #tpu.memory_space<vmem>>, %arg7: memref<16x2048xf32, #tpu.memory_space<vmem>>, %arg8: memref<!tpu.dma_semaphore, #tpu.memory_space<semaphore_mem>>, %arg9: memref<!tpu.dma_semaphore, #tpu.memory_space<semaphore_mem>>, %arg10: memref<!tpu.dma_semaphore, #tpu.memory_space<semaphore_mem>>, %arg11: memref<!tpu.dma_semaphore, #tpu.memory_space<semaphore_mem>>) attributes {dimension_semantics = [#tpu.dimension_semantics<core_parallel>, #tpu.dimension_semantics<subcore_parallel>], iteration_bounds = array<i64: 2, 16>, scalar_prefetch = 0 : i64, scratch_operands = 7 : i64, tpu.core_type = #tpu.core_type<sc_vector_subcore>, window_params = [{transform_indices = #map}, {transform_indices = #map1}, {transform_indices = #map}]} {
    %mul3A = arith.constant 2 : i32
    %mul3A_0 = arith.muli %arg1, %mul3A : i32
    %add3A = arith.addi %mul3A_0, %arg0 : i32
    %mul3A_1 = arith.constant 80 : i32
    %mul3A_2 = arith.muli %add3A, %mul3A_1 : i32
    %add3A_3 = arith.constant 512 : i32
    %add3A_4 = arith.addi %add3A_3, %mul3A_2 : i32
    "tpu.region"() ({
      %run_scoped3A = tpu.sem_alloc : memref<!tpu.dma_semaphore, #tpu.memory_space<semaphore_mem>>
      %dma_start3A_103 = tpu.memref_slice %arg3[%add3A_4] : memref<9216xi32, #tpu.memory_space<hbm>> -> memref<80xi32, #tpu.memory_space<hbm>>
      %dma_start3A_104 = tpu.memref_slice %arg3[%add3A_4] : memref<9216xi32, #tpu.memory_space<hbm>> -> memref<80xi32, #tpu.memory_space<hbm>>
      tpu.enqueue_dma source(%dma_start3A_104 : memref<80xi32, #tpu.memory_space<hbm>>) target(%arg5 : memref<80xi32, #tpu.memory_space<vmem>>) target_semaphore(%run_scoped3A : memref<!tpu.dma_semaphore, #tpu.memory_space<semaphore_mem>>)
      %dma_wait3A_105 = tpu.memref_slice %arg3[%add3A_4] : memref<9216xi32, #tpu.memory_space<hbm>> -> memref<80xi32, #tpu.memory_space<hbm>>
      %dma_wait3A_106 = tpu.memref_slice %arg3[%add3A_4] : memref<9216xi32, #tpu.memory_space<hbm>> -> memref<80xi32, #tpu.memory_space<hbm>>
      tpu.wait_dma2 semaphore(%run_scoped3A : memref<!tpu.dma_semaphore, #tpu.memory_space<semaphore_mem>>) src(%dma_wait3A_106 : memref<80xi32, #tpu.memory_space<hbm>>) dst(%arg5 : memref<80xi32, #tpu.memory_space<vmem>>)
      tpu.yield
    }) : () -> ()
    %dma_start3A = arith.constant 0 : i32
    %dma_start3A_5 = tpu.memref_slice %arg5[%dma_start3A] : memref<80xi32, #tpu.memory_space<vmem>> -> memref<16xi32, #tpu.memory_space<vmem>>
    %dma_start3A_6 = arith.constant 0 : i32
    %dma_start3A_7 = arith.constant 0 : i32
    %dma_start3A_8 = tpu.memref_slice %arg2[%dma_start3A_6, %dma_start3A_7] : memref<8192x2048xf32, #tpu.memory_space<hbm>> -> memref<8192x2048xf32, #tpu.memory_space<hbm>>
    tpu.enqueue_indirect_dma source(%dma_start3A_8 : memref<8192x2048xf32, #tpu.memory_space<hbm>>) target(%arg6 : memref<16x2048xf32, #tpu.memory_space<vmem>>) offsets(%dma_start3A_5 : memref<16xi32, #tpu.memory_space<vmem>>) semaphore(%arg8 : memref<!tpu.dma_semaphore, #tpu.memory_space<semaphore_mem>>)
    %dma_start3A_9 = arith.constant 16 : i32
    %dma_start3A_10 = tpu.memref_slice %arg5[%dma_start3A_9] : memref<80xi32, #tpu.memory_space<vmem>> -> memref<16xi32, #tpu.memory_space<vmem>>
    %dma_start3A_11 = arith.constant 0 : i32
    %dma_start3A_12 = arith.constant 0 : i32
    %dma_start3A_13 = tpu.memref_slice %arg2[%dma_start3A_11, %dma_start3A_12] : memref<8192x2048xf32, #tpu.memory_space<hbm>> -> memref<8192x2048xf32, #tpu.memory_space<hbm>>
    tpu.enqueue_indirect_dma source(%dma_start3A_13 : memref<8192x2048xf32, #tpu.memory_space<hbm>>) target(%arg7 : memref<16x2048xf32, #tpu.memory_space<vmem>>) offsets(%dma_start3A_10 : memref<16xi32, #tpu.memory_space<vmem>>) semaphore(%arg9 : memref<!tpu.dma_semaphore, #tpu.memory_space<semaphore_mem>>)
    %dma_wait3A = arith.constant 0 : i32
    %dma_wait3A_14 = tpu.memref_slice %arg5[%dma_wait3A] : memref<80xi32, #tpu.memory_space<vmem>> -> memref<16xi32, #tpu.memory_space<vmem>>
    %dma_wait3A_15 = arith.constant 0 : i32
    %dma_wait3A_16 = arith.constant 0 : i32
    %dma_wait3A_17 = tpu.memref_slice %arg2[%dma_wait3A_15, %dma_wait3A_16] : memref<8192x2048xf32, #tpu.memory_space<hbm>> -> memref<8192x2048xf32, #tpu.memory_space<hbm>>
    tpu.wait_indirect_dma semaphore(%arg8 : memref<!tpu.dma_semaphore, #tpu.memory_space<semaphore_mem>>) src(%dma_wait3A_17 : memref<8192x2048xf32, #tpu.memory_space<hbm>>) dst(%arg6 : memref<16x2048xf32, #tpu.memory_space<vmem>>)
    %add3A_18 = arith.constant 0 : i32
    %add3A_19 = arith.addi %mul3A_2, %add3A_18 : i32
    %dma_start3A_20 = arith.constant 0 : i32
    %dma_start3A_21 = tpu.memref_slice %arg4[%add3A_19, %dma_start3A_20] : memref<2560x2048xf32, #tpu.memory_space<hbm>> -> memref<16x2048xf32, #tpu.memory_space<hbm>>
    %dma_start3A_22 = arith.constant 0 : i32
    %dma_start3A_23 = tpu.memref_slice %arg4[%add3A_19, %dma_start3A_22] : memref<2560x2048xf32, #tpu.memory_space<hbm>> -> memref<16x2048xf32, #tpu.memory_space<hbm>>
    tpu.enqueue_dma source(%arg6 : memref<16x2048xf32, #tpu.memory_space<vmem>>) target(%dma_start3A_23 : memref<16x2048xf32, #tpu.memory_space<hbm>>) target_semaphore(%arg10 : memref<!tpu.dma_semaphore, #tpu.memory_space<semaphore_mem>>)
    %dma_wait3A_24 = arith.constant 0 : i32
    %dma_wait3A_25 = tpu.memref_slice %arg4[%add3A_19, %dma_wait3A_24] : memref<2560x2048xf32, #tpu.memory_space<hbm>> -> memref<16x2048xf32, #tpu.memory_space<hbm>>
    %dma_wait3A_26 = arith.constant 0 : i32
    %dma_wait3A_27 = tpu.memref_slice %arg4[%add3A_19, %dma_wait3A_26] : memref<2560x2048xf32, #tpu.memory_space<hbm>> -> memref<16x2048xf32, #tpu.memory_space<hbm>>
    tpu.wait_dma2 semaphore(%arg10 : memref<!tpu.dma_semaphore, #tpu.memory_space<semaphore_mem>>) src(%arg6 : memref<16x2048xf32, #tpu.memory_space<vmem>>) dst(%dma_wait3A_27 : memref<16x2048xf32, #tpu.memory_space<hbm>>)
    %dma_start3A_28 = arith.constant 32 : i32
    %dma_start3A_29 = tpu.memref_slice %arg5[%dma_start3A_28] : memref<80xi32, #tpu.memory_space<vmem>> -> memref<16xi32, #tpu.memory_space<vmem>>
    %dma_start3A_30 = arith.constant 0 : i32
    %dma_start3A_31 = arith.constant 0 : i32
    %dma_start3A_32 = tpu.memref_slice %arg2[%dma_start3A_30, %dma_start3A_31] : memref<8192x2048xf32, #tpu.memory_space<hbm>> -> memref<8192x2048xf32, #tpu.memory_space<hbm>>
    tpu.enqueue_indirect_dma source(%dma_start3A_32 : memref<8192x2048xf32, #tpu.memory_space<hbm>>) target(%arg6 : memref<16x2048xf32, #tpu.memory_space<vmem>>) offsets(%dma_start3A_29 : memref<16xi32, #tpu.memory_space<vmem>>) semaphore(%arg8 : memref<!tpu.dma_semaphore, #tpu.memory_space<semaphore_mem>>)
    %dma_wait3A_33 = arith.constant 16 : i32
    %dma_wait3A_34 = tpu.memref_slice %arg5[%dma_wait3A_33] : memref<80xi32, #tpu.memory_space<vmem>> -> memref<16xi32, #tpu.memory_space<vmem>>
    %dma_wait3A_35 = arith.constant 0 : i32
    %dma_wait3A_36 = arith.constant 0 : i32
    %dma_wait3A_37 = tpu.memref_slice %arg2[%dma_wait3A_35, %dma_wait3A_36] : memref<8192x2048xf32, #tpu.memory_space<hbm>> -> memref<8192x2048xf32, #tpu.memory_space<hbm>>
    tpu.wait_indirect_dma semaphore(%arg9 : memref<!tpu.dma_semaphore, #tpu.memory_space<semaphore_mem>>) src(%dma_wait3A_37 : memref<8192x2048xf32, #tpu.memory_space<hbm>>) dst(%arg7 : memref<16x2048xf32, #tpu.memory_space<vmem>>)
    %add3A_38 = arith.constant 16 : i32
    %add3A_39 = arith.addi %mul3A_2, %add3A_38 : i32
    %dma_start3A_40 = arith.constant 0 : i32
    %dma_start3A_41 = tpu.memref_slice %arg4[%add3A_39, %dma_start3A_40] : memref<2560x2048xf32, #tpu.memory_space<hbm>> -> memref<16x2048xf32, #tpu.memory_space<hbm>>
    %dma_start3A_42 = arith.constant 0 : i32
    %dma_start3A_43 = tpu.memref_slice %arg4[%add3A_39, %dma_start3A_42] : memref<2560x2048xf32, #tpu.memory_space<hbm>> -> memref<16x2048xf32, #tpu.memory_space<hbm>>
    tpu.enqueue_dma source(%arg7 : memref<16x2048xf32, #tpu.memory_space<vmem>>) target(%dma_start3A_43 : memref<16x2048xf32, #tpu.memory_space<hbm>>) target_semaphore(%arg11 : memref<!tpu.dma_semaphore, #tpu.memory_space<semaphore_mem>>)
    %dma_wait3A_44 = arith.constant 0 : i32
    %dma_wait3A_45 = tpu.memref_slice %arg4[%add3A_39, %dma_wait3A_44] : memref<2560x2048xf32, #tpu.memory_space<hbm>> -> memref<16x2048xf32, #tpu.memory_space<hbm>>
    %dma_wait3A_46 = arith.constant 0 : i32
    %dma_wait3A_47 = tpu.memref_slice %arg4[%add3A_39, %dma_wait3A_46] : memref<2560x2048xf32, #tpu.memory_space<hbm>> -> memref<16x2048xf32, #tpu.memory_space<hbm>>
    tpu.wait_dma2 semaphore(%arg11 : memref<!tpu.dma_semaphore, #tpu.memory_space<semaphore_mem>>) src(%arg7 : memref<16x2048xf32, #tpu.memory_space<vmem>>) dst(%dma_wait3A_47 : memref<16x2048xf32, #tpu.memory_space<hbm>>)
    %dma_start3A_48 = arith.constant 48 : i32
    %dma_start3A_49 = tpu.memref_slice %arg5[%dma_start3A_48] : memref<80xi32, #tpu.memory_space<vmem>> -> memref<16xi32, #tpu.memory_space<vmem>>
    %dma_start3A_50 = arith.constant 0 : i32
    %dma_start3A_51 = arith.constant 0 : i32
    %dma_start3A_52 = tpu.memref_slice %arg2[%dma_start3A_50, %dma_start3A_51] : memref<8192x2048xf32, #tpu.memory_space<hbm>> -> memref<8192x2048xf32, #tpu.memory_space<hbm>>
    tpu.enqueue_indirect_dma source(%dma_start3A_52 : memref<8192x2048xf32, #tpu.memory_space<hbm>>) target(%arg7 : memref<16x2048xf32, #tpu.memory_space<vmem>>) offsets(%dma_start3A_49 : memref<16xi32, #tpu.memory_space<vmem>>) semaphore(%arg9 : memref<!tpu.dma_semaphore, #tpu.memory_space<semaphore_mem>>)
    %dma_wait3A_53 = arith.constant 32 : i32
    %dma_wait3A_54 = tpu.memref_slice %arg5[%dma_wait3A_53] : memref<80xi32, #tpu.memory_space<vmem>> -> memref<16xi32, #tpu.memory_space<vmem>>
    %dma_wait3A_55 = arith.constant 0 : i32
    %dma_wait3A_56 = arith.constant 0 : i32
    %dma_wait3A_57 = tpu.memref_slice %arg2[%dma_wait3A_55, %dma_wait3A_56] : memref<8192x2048xf32, #tpu.memory_space<hbm>> -> memref<8192x2048xf32, #tpu.memory_space<hbm>>
    tpu.wait_indirect_dma semaphore(%arg8 : memref<!tpu.dma_semaphore, #tpu.memory_space<semaphore_mem>>) src(%dma_wait3A_57 : memref<8192x2048xf32, #tpu.memory_space<hbm>>) dst(%arg6 : memref<16x2048xf32, #tpu.memory_space<vmem>>)
    %add3A_58 = arith.constant 32 : i32
    %add3A_59 = arith.addi %mul3A_2, %add3A_58 : i32
    %dma_start3A_60 = arith.constant 0 : i32
    %dma_start3A_61 = tpu.memref_slice %arg4[%add3A_59, %dma_start3A_60] : memref<2560x2048xf32, #tpu.memory_space<hbm>> -> memref<16x2048xf32, #tpu.memory_space<hbm>>
    %dma_start3A_62 = arith.constant 0 : i32
    %dma_start3A_63 = tpu.memref_slice %arg4[%add3A_59, %dma_start3A_62] : memref<2560x2048xf32, #tpu.memory_space<hbm>> -> memref<16x2048xf32, #tpu.memory_space<hbm>>
    tpu.enqueue_dma source(%arg6 : memref<16x2048xf32, #tpu.memory_space<vmem>>) target(%dma_start3A_63 : memref<16x2048xf32, #tpu.memory_space<hbm>>) target_semaphore(%arg10 : memref<!tpu.dma_semaphore, #tpu.memory_space<semaphore_mem>>)
    %dma_wait3A_64 = arith.constant 0 : i32
    %dma_wait3A_65 = tpu.memref_slice %arg4[%add3A_59, %dma_wait3A_64] : memref<2560x2048xf32, #tpu.memory_space<hbm>> -> memref<16x2048xf32, #tpu.memory_space<hbm>>
    %dma_wait3A_66 = arith.constant 0 : i32
    %dma_wait3A_67 = tpu.memref_slice %arg4[%add3A_59, %dma_wait3A_66] : memref<2560x2048xf32, #tpu.memory_space<hbm>> -> memref<16x2048xf32, #tpu.memory_space<hbm>>
    tpu.wait_dma2 semaphore(%arg10 : memref<!tpu.dma_semaphore, #tpu.memory_space<semaphore_mem>>) src(%arg6 : memref<16x2048xf32, #tpu.memory_space<vmem>>) dst(%dma_wait3A_67 : memref<16x2048xf32, #tpu.memory_space<hbm>>)
    %dma_start3A_68 = arith.constant 64 : i32
    %dma_start3A_69 = tpu.memref_slice %arg5[%dma_start3A_68] : memref<80xi32, #tpu.memory_space<vmem>> -> memref<16xi32, #tpu.memory_space<vmem>>
    %dma_start3A_70 = arith.constant 0 : i32
    %dma_start3A_71 = arith.constant 0 : i32
    %dma_start3A_72 = tpu.memref_slice %arg2[%dma_start3A_70, %dma_start3A_71] : memref<8192x2048xf32, #tpu.memory_space<hbm>> -> memref<8192x2048xf32, #tpu.memory_space<hbm>>
    tpu.enqueue_indirect_dma source(%dma_start3A_72 : memref<8192x2048xf32, #tpu.memory_space<hbm>>) target(%arg6 : memref<16x2048xf32, #tpu.memory_space<vmem>>) offsets(%dma_start3A_69 : memref<16xi32, #tpu.memory_space<vmem>>) semaphore(%arg8 : memref<!tpu.dma_semaphore, #tpu.memory_space<semaphore_mem>>)
    %dma_wait3A_73 = arith.constant 48 : i32
    %dma_wait3A_74 = tpu.memref_slice %arg5[%dma_wait3A_73] : memref<80xi32, #tpu.memory_space<vmem>> -> memref<16xi32, #tpu.memory_space<vmem>>
    %dma_wait3A_75 = arith.constant 0 : i32
    %dma_wait3A_76 = arith.constant 0 : i32
    %dma_wait3A_77 = tpu.memref_slice %arg2[%dma_wait3A_75, %dma_wait3A_76] : memref<8192x2048xf32, #tpu.memory_space<hbm>> -> memref<8192x2048xf32, #tpu.memory_space<hbm>>
    tpu.wait_indirect_dma semaphore(%arg9 : memref<!tpu.dma_semaphore, #tpu.memory_space<semaphore_mem>>) src(%dma_wait3A_77 : memref<8192x2048xf32, #tpu.memory_space<hbm>>) dst(%arg7 : memref<16x2048xf32, #tpu.memory_space<vmem>>)
    %add3A_78 = arith.constant 48 : i32
    %add3A_79 = arith.addi %mul3A_2, %add3A_78 : i32
    %dma_start3A_80 = arith.constant 0 : i32
    %dma_start3A_81 = tpu.memref_slice %arg4[%add3A_79, %dma_start3A_80] : memref<2560x2048xf32, #tpu.memory_space<hbm>> -> memref<16x2048xf32, #tpu.memory_space<hbm>>
    %dma_start3A_82 = arith.constant 0 : i32
    %dma_start3A_83 = tpu.memref_slice %arg4[%add3A_79, %dma_start3A_82] : memref<2560x2048xf32, #tpu.memory_space<hbm>> -> memref<16x2048xf32, #tpu.memory_space<hbm>>
    tpu.enqueue_dma source(%arg7 : memref<16x2048xf32, #tpu.memory_space<vmem>>) target(%dma_start3A_83 : memref<16x2048xf32, #tpu.memory_space<hbm>>) target_semaphore(%arg11 : memref<!tpu.dma_semaphore, #tpu.memory_space<semaphore_mem>>)
    %dma_wait3A_84 = arith.constant 64 : i32
    %dma_wait3A_85 = tpu.memref_slice %arg5[%dma_wait3A_84] : memref<80xi32, #tpu.memory_space<vmem>> -> memref<16xi32, #tpu.memory_space<vmem>>
    %dma_wait3A_86 = arith.constant 0 : i32
    %dma_wait3A_87 = arith.constant 0 : i32
    %dma_wait3A_88 = tpu.memref_slice %arg2[%dma_wait3A_86, %dma_wait3A_87] : memref<8192x2048xf32, #tpu.memory_space<hbm>> -> memref<8192x2048xf32, #tpu.memory_space<hbm>>
    tpu.wait_indirect_dma semaphore(%arg8 : memref<!tpu.dma_semaphore, #tpu.memory_space<semaphore_mem>>) src(%dma_wait3A_88 : memref<8192x2048xf32, #tpu.memory_space<hbm>>) dst(%arg6 : memref<16x2048xf32, #tpu.memory_space<vmem>>)
    %add3A_89 = arith.constant 64 : i32
    %add3A_90 = arith.addi %mul3A_2, %add3A_89 : i32
    %dma_start3A_91 = arith.constant 0 : i32
    %dma_start3A_92 = tpu.memref_slice %arg4[%add3A_90, %dma_start3A_91] : memref<2560x2048xf32, #tpu.memory_space<hbm>> -> memref<16x2048xf32, #tpu.memory_space<hbm>>
    %dma_start3A_93 = arith.constant 0 : i32
    %dma_start3A_94 = tpu.memref_slice %arg4[%add3A_90, %dma_start3A_93] : memref<2560x2048xf32, #tpu.memory_space<hbm>> -> memref<16x2048xf32, #tpu.memory_space<hbm>>
    tpu.enqueue_dma source(%arg6 : memref<16x2048xf32, #tpu.memory_space<vmem>>) target(%dma_start3A_94 : memref<16x2048xf32, #tpu.memory_space<hbm>>) target_semaphore(%arg10 : memref<!tpu.dma_semaphore, #tpu.memory_space<semaphore_mem>>)
    %dma_wait3A_95 = arith.constant 0 : i32
    %dma_wait3A_96 = tpu.memref_slice %arg4[%add3A_79, %dma_wait3A_95] : memref<2560x2048xf32, #tpu.memory_space<hbm>> -> memref<16x2048xf32, #tpu.memory_space<hbm>>
    %dma_wait3A_97 = arith.constant 0 : i32
    %dma_wait3A_98 = tpu.memref_slice %arg4[%add3A_79, %dma_wait3A_97] : memref<2560x2048xf32, #tpu.memory_space<hbm>> -> memref<16x2048xf32, #tpu.memory_space<hbm>>
    tpu.wait_dma2 semaphore(%arg11 : memref<!tpu.dma_semaphore, #tpu.memory_space<semaphore_mem>>) src(%arg7 : memref<16x2048xf32, #tpu.memory_space<vmem>>) dst(%dma_wait3A_98 : memref<16x2048xf32, #tpu.memory_space<hbm>>)
    %dma_wait3A_99 = arith.constant 0 : i32
    %dma_wait3A_100 = tpu.memref_slice %arg4[%add3A_90, %dma_wait3A_99] : memref<2560x2048xf32, #tpu.memory_space<hbm>> -> memref<16x2048xf32, #tpu.memory_space<hbm>>
    %dma_wait3A_101 = arith.constant 0 : i32
    %dma_wait3A_102 = tpu.memref_slice %arg4[%add3A_90, %dma_wait3A_101] : memref<2560x2048xf32, #tpu.memory_space<hbm>> -> memref<16x2048xf32, #tpu.memory_space<hbm>>
    tpu.wait_dma2 semaphore(%arg10 : memref<!tpu.dma_semaphore, #tpu.memory_space<semaphore_mem>>) src(%arg6 : memref<16x2048xf32, #tpu.memory_space<vmem>>) dst(%dma_wait3A_102 : memref<16x2048xf32, #tpu.memory_space<hbm>>)
    return
  }
}

#map = affine_map<(d0, d1) -> (0, 0)>
#map1 = affine_map<(d0, d1) -> (0)>
module attributes {stable_mosaic.version = 14 : i64} {
  func.func @_sc_gather(%arg0: i32, %arg1: i32, %arg2: memref<8192x2048xf32, #tpu.memory_space<hbm>>, %arg3: memref<9216xi32, #tpu.memory_space<hbm>>, %arg4: memref<3072x2048xf32, #tpu.memory_space<hbm>>, %arg5: memref<96xi32, #tpu.memory_space<vmem>>, %arg6: memref<16x2048xf32, #tpu.memory_space<vmem>>, %arg7: memref<16x2048xf32, #tpu.memory_space<vmem>>, %arg8: memref<!tpu.dma_semaphore, #tpu.memory_space<semaphore_mem>>, %arg9: memref<!tpu.dma_semaphore, #tpu.memory_space<semaphore_mem>>, %arg10: memref<!tpu.dma_semaphore, #tpu.memory_space<semaphore_mem>>, %arg11: memref<!tpu.dma_semaphore, #tpu.memory_space<semaphore_mem>>) attributes {dimension_semantics = [#tpu.dimension_semantics<core_parallel>, #tpu.dimension_semantics<subcore_parallel>], iteration_bounds = array<i64: 2, 16>, scalar_prefetch = 0 : i64, scratch_operands = 7 : i64, tpu.core_type = #tpu.core_type<sc_vector_subcore>, window_params = [{transform_indices = #map}, {transform_indices = #map1}, {transform_indices = #map}]} {
    %mul3A = arith.constant 2 : i32
    %mul3A_0 = arith.muli %arg1, %mul3A : i32
    %add3A = arith.addi %mul3A_0, %arg0 : i32
    %mul3A_1 = arith.constant 96 : i32
    %mul3A_2 = arith.muli %add3A, %mul3A_1 : i32
    %add3A_3 = arith.constant 3072 : i32
    %add3A_4 = arith.addi %add3A_3, %mul3A_2 : i32
    "tpu.region"() ({
      %run_scoped3A = tpu.sem_alloc : memref<!tpu.dma_semaphore, #tpu.memory_space<semaphore_mem>>
      %dma_start3A_123 = tpu.memref_slice %arg3[%add3A_4] : memref<9216xi32, #tpu.memory_space<hbm>> -> memref<96xi32, #tpu.memory_space<hbm>>
      %dma_start3A_124 = tpu.memref_slice %arg3[%add3A_4] : memref<9216xi32, #tpu.memory_space<hbm>> -> memref<96xi32, #tpu.memory_space<hbm>>
      tpu.enqueue_dma source(%dma_start3A_124 : memref<96xi32, #tpu.memory_space<hbm>>) target(%arg5 : memref<96xi32, #tpu.memory_space<vmem>>) target_semaphore(%run_scoped3A : memref<!tpu.dma_semaphore, #tpu.memory_space<semaphore_mem>>)
      %dma_wait3A_125 = tpu.memref_slice %arg3[%add3A_4] : memref<9216xi32, #tpu.memory_space<hbm>> -> memref<96xi32, #tpu.memory_space<hbm>>
      %dma_wait3A_126 = tpu.memref_slice %arg3[%add3A_4] : memref<9216xi32, #tpu.memory_space<hbm>> -> memref<96xi32, #tpu.memory_space<hbm>>
      tpu.wait_dma2 semaphore(%run_scoped3A : memref<!tpu.dma_semaphore, #tpu.memory_space<semaphore_mem>>) src(%dma_wait3A_126 : memref<96xi32, #tpu.memory_space<hbm>>) dst(%arg5 : memref<96xi32, #tpu.memory_space<vmem>>)
      tpu.yield
    }) : () -> ()
    %dma_start3A = arith.constant 0 : i32
    %dma_start3A_5 = tpu.memref_slice %arg5[%dma_start3A] : memref<96xi32, #tpu.memory_space<vmem>> -> memref<16xi32, #tpu.memory_space<vmem>>
    %dma_start3A_6 = arith.constant 0 : i32
    %dma_start3A_7 = arith.constant 0 : i32
    %dma_start3A_8 = tpu.memref_slice %arg2[%dma_start3A_6, %dma_start3A_7] : memref<8192x2048xf32, #tpu.memory_space<hbm>> -> memref<8192x2048xf32, #tpu.memory_space<hbm>>
    tpu.enqueue_indirect_dma source(%dma_start3A_8 : memref<8192x2048xf32, #tpu.memory_space<hbm>>) target(%arg6 : memref<16x2048xf32, #tpu.memory_space<vmem>>) offsets(%dma_start3A_5 : memref<16xi32, #tpu.memory_space<vmem>>) semaphore(%arg8 : memref<!tpu.dma_semaphore, #tpu.memory_space<semaphore_mem>>)
    %dma_start3A_9 = arith.constant 16 : i32
    %dma_start3A_10 = tpu.memref_slice %arg5[%dma_start3A_9] : memref<96xi32, #tpu.memory_space<vmem>> -> memref<16xi32, #tpu.memory_space<vmem>>
    %dma_start3A_11 = arith.constant 0 : i32
    %dma_start3A_12 = arith.constant 0 : i32
    %dma_start3A_13 = tpu.memref_slice %arg2[%dma_start3A_11, %dma_start3A_12] : memref<8192x2048xf32, #tpu.memory_space<hbm>> -> memref<8192x2048xf32, #tpu.memory_space<hbm>>
    tpu.enqueue_indirect_dma source(%dma_start3A_13 : memref<8192x2048xf32, #tpu.memory_space<hbm>>) target(%arg7 : memref<16x2048xf32, #tpu.memory_space<vmem>>) offsets(%dma_start3A_10 : memref<16xi32, #tpu.memory_space<vmem>>) semaphore(%arg9 : memref<!tpu.dma_semaphore, #tpu.memory_space<semaphore_mem>>)
    %dma_wait3A = arith.constant 0 : i32
    %dma_wait3A_14 = tpu.memref_slice %arg5[%dma_wait3A] : memref<96xi32, #tpu.memory_space<vmem>> -> memref<16xi32, #tpu.memory_space<vmem>>
    %dma_wait3A_15 = arith.constant 0 : i32
    %dma_wait3A_16 = arith.constant 0 : i32
    %dma_wait3A_17 = tpu.memref_slice %arg2[%dma_wait3A_15, %dma_wait3A_16] : memref<8192x2048xf32, #tpu.memory_space<hbm>> -> memref<8192x2048xf32, #tpu.memory_space<hbm>>
    tpu.wait_indirect_dma semaphore(%arg8 : memref<!tpu.dma_semaphore, #tpu.memory_space<semaphore_mem>>) src(%dma_wait3A_17 : memref<8192x2048xf32, #tpu.memory_space<hbm>>) dst(%arg6 : memref<16x2048xf32, #tpu.memory_space<vmem>>)
    %add3A_18 = arith.constant 0 : i32
    %add3A_19 = arith.addi %mul3A_2, %add3A_18 : i32
    %dma_start3A_20 = arith.constant 0 : i32
    %dma_start3A_21 = tpu.memref_slice %arg4[%add3A_19, %dma_start3A_20] : memref<3072x2048xf32, #tpu.memory_space<hbm>> -> memref<16x2048xf32, #tpu.memory_space<hbm>>
    %dma_start3A_22 = arith.constant 0 : i32
    %dma_start3A_23 = tpu.memref_slice %arg4[%add3A_19, %dma_start3A_22] : memref<3072x2048xf32, #tpu.memory_space<hbm>> -> memref<16x2048xf32, #tpu.memory_space<hbm>>
    tpu.enqueue_dma source(%arg6 : memref<16x2048xf32, #tpu.memory_space<vmem>>) target(%dma_start3A_23 : memref<16x2048xf32, #tpu.memory_space<hbm>>) target_semaphore(%arg10 : memref<!tpu.dma_semaphore, #tpu.memory_space<semaphore_mem>>)
    %dma_wait3A_24 = arith.constant 0 : i32
    %dma_wait3A_25 = tpu.memref_slice %arg4[%add3A_19, %dma_wait3A_24] : memref<3072x2048xf32, #tpu.memory_space<hbm>> -> memref<16x2048xf32, #tpu.memory_space<hbm>>
    %dma_wait3A_26 = arith.constant 0 : i32
    %dma_wait3A_27 = tpu.memref_slice %arg4[%add3A_19, %dma_wait3A_26] : memref<3072x2048xf32, #tpu.memory_space<hbm>> -> memref<16x2048xf32, #tpu.memory_space<hbm>>
    tpu.wait_dma2 semaphore(%arg10 : memref<!tpu.dma_semaphore, #tpu.memory_space<semaphore_mem>>) src(%arg6 : memref<16x2048xf32, #tpu.memory_space<vmem>>) dst(%dma_wait3A_27 : memref<16x2048xf32, #tpu.memory_space<hbm>>)
    %dma_start3A_28 = arith.constant 32 : i32
    %dma_start3A_29 = tpu.memref_slice %arg5[%dma_start3A_28] : memref<96xi32, #tpu.memory_space<vmem>> -> memref<16xi32, #tpu.memory_space<vmem>>
    %dma_start3A_30 = arith.constant 0 : i32
    %dma_start3A_31 = arith.constant 0 : i32
    %dma_start3A_32 = tpu.memref_slice %arg2[%dma_start3A_30, %dma_start3A_31] : memref<8192x2048xf32, #tpu.memory_space<hbm>> -> memref<8192x2048xf32, #tpu.memory_space<hbm>>
    tpu.enqueue_indirect_dma source(%dma_start3A_32 : memref<8192x2048xf32, #tpu.memory_space<hbm>>) target(%arg6 : memref<16x2048xf32, #tpu.memory_space<vmem>>) offsets(%dma_start3A_29 : memref<16xi32, #tpu.memory_space<vmem>>) semaphore(%arg8 : memref<!tpu.dma_semaphore, #tpu.memory_space<semaphore_mem>>)
    %dma_wait3A_33 = arith.constant 16 : i32
    %dma_wait3A_34 = tpu.memref_slice %arg5[%dma_wait3A_33] : memref<96xi32, #tpu.memory_space<vmem>> -> memref<16xi32, #tpu.memory_space<vmem>>
    %dma_wait3A_35 = arith.constant 0 : i32
    %dma_wait3A_36 = arith.constant 0 : i32
    %dma_wait3A_37 = tpu.memref_slice %arg2[%dma_wait3A_35, %dma_wait3A_36] : memref<8192x2048xf32, #tpu.memory_space<hbm>> -> memref<8192x2048xf32, #tpu.memory_space<hbm>>
    tpu.wait_indirect_dma semaphore(%arg9 : memref<!tpu.dma_semaphore, #tpu.memory_space<semaphore_mem>>) src(%dma_wait3A_37 : memref<8192x2048xf32, #tpu.memory_space<hbm>>) dst(%arg7 : memref<16x2048xf32, #tpu.memory_space<vmem>>)
    %add3A_38 = arith.constant 16 : i32
    %add3A_39 = arith.addi %mul3A_2, %add3A_38 : i32
    %dma_start3A_40 = arith.constant 0 : i32
    %dma_start3A_41 = tpu.memref_slice %arg4[%add3A_39, %dma_start3A_40] : memref<3072x2048xf32, #tpu.memory_space<hbm>> -> memref<16x2048xf32, #tpu.memory_space<hbm>>
    %dma_start3A_42 = arith.constant 0 : i32
    %dma_start3A_43 = tpu.memref_slice %arg4[%add3A_39, %dma_start3A_42] : memref<3072x2048xf32, #tpu.memory_space<hbm>> -> memref<16x2048xf32, #tpu.memory_space<hbm>>
    tpu.enqueue_dma source(%arg7 : memref<16x2048xf32, #tpu.memory_space<vmem>>) target(%dma_start3A_43 : memref<16x2048xf32, #tpu.memory_space<hbm>>) target_semaphore(%arg11 : memref<!tpu.dma_semaphore, #tpu.memory_space<semaphore_mem>>)
    %dma_wait3A_44 = arith.constant 0 : i32
    %dma_wait3A_45 = tpu.memref_slice %arg4[%add3A_39, %dma_wait3A_44] : memref<3072x2048xf32, #tpu.memory_space<hbm>> -> memref<16x2048xf32, #tpu.memory_space<hbm>>
    %dma_wait3A_46 = arith.constant 0 : i32
    %dma_wait3A_47 = tpu.memref_slice %arg4[%add3A_39, %dma_wait3A_46] : memref<3072x2048xf32, #tpu.memory_space<hbm>> -> memref<16x2048xf32, #tpu.memory_space<hbm>>
    tpu.wait_dma2 semaphore(%arg11 : memref<!tpu.dma_semaphore, #tpu.memory_space<semaphore_mem>>) src(%arg7 : memref<16x2048xf32, #tpu.memory_space<vmem>>) dst(%dma_wait3A_47 : memref<16x2048xf32, #tpu.memory_space<hbm>>)
    %dma_start3A_48 = arith.constant 48 : i32
    %dma_start3A_49 = tpu.memref_slice %arg5[%dma_start3A_48] : memref<96xi32, #tpu.memory_space<vmem>> -> memref<16xi32, #tpu.memory_space<vmem>>
    %dma_start3A_50 = arith.constant 0 : i32
    %dma_start3A_51 = arith.constant 0 : i32
    %dma_start3A_52 = tpu.memref_slice %arg2[%dma_start3A_50, %dma_start3A_51] : memref<8192x2048xf32, #tpu.memory_space<hbm>> -> memref<8192x2048xf32, #tpu.memory_space<hbm>>
    tpu.enqueue_indirect_dma source(%dma_start3A_52 : memref<8192x2048xf32, #tpu.memory_space<hbm>>) target(%arg7 : memref<16x2048xf32, #tpu.memory_space<vmem>>) offsets(%dma_start3A_49 : memref<16xi32, #tpu.memory_space<vmem>>) semaphore(%arg9 : memref<!tpu.dma_semaphore, #tpu.memory_space<semaphore_mem>>)
    %dma_wait3A_53 = arith.constant 32 : i32
    %dma_wait3A_54 = tpu.memref_slice %arg5[%dma_wait3A_53] : memref<96xi32, #tpu.memory_space<vmem>> -> memref<16xi32, #tpu.memory_space<vmem>>
    %dma_wait3A_55 = arith.constant 0 : i32
    %dma_wait3A_56 = arith.constant 0 : i32
    %dma_wait3A_57 = tpu.memref_slice %arg2[%dma_wait3A_55, %dma_wait3A_56] : memref<8192x2048xf32, #tpu.memory_space<hbm>> -> memref<8192x2048xf32, #tpu.memory_space<hbm>>
    tpu.wait_indirect_dma semaphore(%arg8 : memref<!tpu.dma_semaphore, #tpu.memory_space<semaphore_mem>>) src(%dma_wait3A_57 : memref<8192x2048xf32, #tpu.memory_space<hbm>>) dst(%arg6 : memref<16x2048xf32, #tpu.memory_space<vmem>>)
    %add3A_58 = arith.constant 32 : i32
    %add3A_59 = arith.addi %mul3A_2, %add3A_58 : i32
    %dma_start3A_60 = arith.constant 0 : i32
    %dma_start3A_61 = tpu.memref_slice %arg4[%add3A_59, %dma_start3A_60] : memref<3072x2048xf32, #tpu.memory_space<hbm>> -> memref<16x2048xf32, #tpu.memory_space<hbm>>
    %dma_start3A_62 = arith.constant 0 : i32
    %dma_start3A_63 = tpu.memref_slice %arg4[%add3A_59, %dma_start3A_62] : memref<3072x2048xf32, #tpu.memory_space<hbm>> -> memref<16x2048xf32, #tpu.memory_space<hbm>>
    tpu.enqueue_dma source(%arg6 : memref<16x2048xf32, #tpu.memory_space<vmem>>) target(%dma_start3A_63 : memref<16x2048xf32, #tpu.memory_space<hbm>>) target_semaphore(%arg10 : memref<!tpu.dma_semaphore, #tpu.memory_space<semaphore_mem>>)
    %dma_wait3A_64 = arith.constant 0 : i32
    %dma_wait3A_65 = tpu.memref_slice %arg4[%add3A_59, %dma_wait3A_64] : memref<3072x2048xf32, #tpu.memory_space<hbm>> -> memref<16x2048xf32, #tpu.memory_space<hbm>>
    %dma_wait3A_66 = arith.constant 0 : i32
    %dma_wait3A_67 = tpu.memref_slice %arg4[%add3A_59, %dma_wait3A_66] : memref<3072x2048xf32, #tpu.memory_space<hbm>> -> memref<16x2048xf32, #tpu.memory_space<hbm>>
    tpu.wait_dma2 semaphore(%arg10 : memref<!tpu.dma_semaphore, #tpu.memory_space<semaphore_mem>>) src(%arg6 : memref<16x2048xf32, #tpu.memory_space<vmem>>) dst(%dma_wait3A_67 : memref<16x2048xf32, #tpu.memory_space<hbm>>)
    %dma_start3A_68 = arith.constant 64 : i32
    %dma_start3A_69 = tpu.memref_slice %arg5[%dma_start3A_68] : memref<96xi32, #tpu.memory_space<vmem>> -> memref<16xi32, #tpu.memory_space<vmem>>
    %dma_start3A_70 = arith.constant 0 : i32
    %dma_start3A_71 = arith.constant 0 : i32
    %dma_start3A_72 = tpu.memref_slice %arg2[%dma_start3A_70, %dma_start3A_71] : memref<8192x2048xf32, #tpu.memory_space<hbm>> -> memref<8192x2048xf32, #tpu.memory_space<hbm>>
    tpu.enqueue_indirect_dma source(%dma_start3A_72 : memref<8192x2048xf32, #tpu.memory_space<hbm>>) target(%arg6 : memref<16x2048xf32, #tpu.memory_space<vmem>>) offsets(%dma_start3A_69 : memref<16xi32, #tpu.memory_space<vmem>>) semaphore(%arg8 : memref<!tpu.dma_semaphore, #tpu.memory_space<semaphore_mem>>)
    %dma_wait3A_73 = arith.constant 48 : i32
    %dma_wait3A_74 = tpu.memref_slice %arg5[%dma_wait3A_73] : memref<96xi32, #tpu.memory_space<vmem>> -> memref<16xi32, #tpu.memory_space<vmem>>
    %dma_wait3A_75 = arith.constant 0 : i32
    %dma_wait3A_76 = arith.constant 0 : i32
    %dma_wait3A_77 = tpu.memref_slice %arg2[%dma_wait3A_75, %dma_wait3A_76] : memref<8192x2048xf32, #tpu.memory_space<hbm>> -> memref<8192x2048xf32, #tpu.memory_space<hbm>>
    tpu.wait_indirect_dma semaphore(%arg9 : memref<!tpu.dma_semaphore, #tpu.memory_space<semaphore_mem>>) src(%dma_wait3A_77 : memref<8192x2048xf32, #tpu.memory_space<hbm>>) dst(%arg7 : memref<16x2048xf32, #tpu.memory_space<vmem>>)
    %add3A_78 = arith.constant 48 : i32
    %add3A_79 = arith.addi %mul3A_2, %add3A_78 : i32
    %dma_start3A_80 = arith.constant 0 : i32
    %dma_start3A_81 = tpu.memref_slice %arg4[%add3A_79, %dma_start3A_80] : memref<3072x2048xf32, #tpu.memory_space<hbm>> -> memref<16x2048xf32, #tpu.memory_space<hbm>>
    %dma_start3A_82 = arith.constant 0 : i32
    %dma_start3A_83 = tpu.memref_slice %arg4[%add3A_79, %dma_start3A_82] : memref<3072x2048xf32, #tpu.memory_space<hbm>> -> memref<16x2048xf32, #tpu.memory_space<hbm>>
    tpu.enqueue_dma source(%arg7 : memref<16x2048xf32, #tpu.memory_space<vmem>>) target(%dma_start3A_83 : memref<16x2048xf32, #tpu.memory_space<hbm>>) target_semaphore(%arg11 : memref<!tpu.dma_semaphore, #tpu.memory_space<semaphore_mem>>)
    %dma_wait3A_84 = arith.constant 0 : i32
    %dma_wait3A_85 = tpu.memref_slice %arg4[%add3A_79, %dma_wait3A_84] : memref<3072x2048xf32, #tpu.memory_space<hbm>> -> memref<16x2048xf32, #tpu.memory_space<hbm>>
    %dma_wait3A_86 = arith.constant 0 : i32
    %dma_wait3A_87 = tpu.memref_slice %arg4[%add3A_79, %dma_wait3A_86] : memref<3072x2048xf32, #tpu.memory_space<hbm>> -> memref<16x2048xf32, #tpu.memory_space<hbm>>
    tpu.wait_dma2 semaphore(%arg11 : memref<!tpu.dma_semaphore, #tpu.memory_space<semaphore_mem>>) src(%arg7 : memref<16x2048xf32, #tpu.memory_space<vmem>>) dst(%dma_wait3A_87 : memref<16x2048xf32, #tpu.memory_space<hbm>>)
    %dma_start3A_88 = arith.constant 80 : i32
    %dma_start3A_89 = tpu.memref_slice %arg5[%dma_start3A_88] : memref<96xi32, #tpu.memory_space<vmem>> -> memref<16xi32, #tpu.memory_space<vmem>>
    %dma_start3A_90 = arith.constant 0 : i32
    %dma_start3A_91 = arith.constant 0 : i32
    %dma_start3A_92 = tpu.memref_slice %arg2[%dma_start3A_90, %dma_start3A_91] : memref<8192x2048xf32, #tpu.memory_space<hbm>> -> memref<8192x2048xf32, #tpu.memory_space<hbm>>
    tpu.enqueue_indirect_dma source(%dma_start3A_92 : memref<8192x2048xf32, #tpu.memory_space<hbm>>) target(%arg7 : memref<16x2048xf32, #tpu.memory_space<vmem>>) offsets(%dma_start3A_89 : memref<16xi32, #tpu.memory_space<vmem>>) semaphore(%arg9 : memref<!tpu.dma_semaphore, #tpu.memory_space<semaphore_mem>>)
    %dma_wait3A_93 = arith.constant 64 : i32
    %dma_wait3A_94 = tpu.memref_slice %arg5[%dma_wait3A_93] : memref<96xi32, #tpu.memory_space<vmem>> -> memref<16xi32, #tpu.memory_space<vmem>>
    %dma_wait3A_95 = arith.constant 0 : i32
    %dma_wait3A_96 = arith.constant 0 : i32
    %dma_wait3A_97 = tpu.memref_slice %arg2[%dma_wait3A_95, %dma_wait3A_96] : memref<8192x2048xf32, #tpu.memory_space<hbm>> -> memref<8192x2048xf32, #tpu.memory_space<hbm>>
    tpu.wait_indirect_dma semaphore(%arg8 : memref<!tpu.dma_semaphore, #tpu.memory_space<semaphore_mem>>) src(%dma_wait3A_97 : memref<8192x2048xf32, #tpu.memory_space<hbm>>) dst(%arg6 : memref<16x2048xf32, #tpu.memory_space<vmem>>)
    %add3A_98 = arith.constant 64 : i32
    %add3A_99 = arith.addi %mul3A_2, %add3A_98 : i32
    %dma_start3A_100 = arith.constant 0 : i32
    %dma_start3A_101 = tpu.memref_slice %arg4[%add3A_99, %dma_start3A_100] : memref<3072x2048xf32, #tpu.memory_space<hbm>> -> memref<16x2048xf32, #tpu.memory_space<hbm>>
    %dma_start3A_102 = arith.constant 0 : i32
    %dma_start3A_103 = tpu.memref_slice %arg4[%add3A_99, %dma_start3A_102] : memref<3072x2048xf32, #tpu.memory_space<hbm>> -> memref<16x2048xf32, #tpu.memory_space<hbm>>
    tpu.enqueue_dma source(%arg6 : memref<16x2048xf32, #tpu.memory_space<vmem>>) target(%dma_start3A_103 : memref<16x2048xf32, #tpu.memory_space<hbm>>) target_semaphore(%arg10 : memref<!tpu.dma_semaphore, #tpu.memory_space<semaphore_mem>>)
    %dma_wait3A_104 = arith.constant 80 : i32
    %dma_wait3A_105 = tpu.memref_slice %arg5[%dma_wait3A_104] : memref<96xi32, #tpu.memory_space<vmem>> -> memref<16xi32, #tpu.memory_space<vmem>>
    %dma_wait3A_106 = arith.constant 0 : i32
    %dma_wait3A_107 = arith.constant 0 : i32
    %dma_wait3A_108 = tpu.memref_slice %arg2[%dma_wait3A_106, %dma_wait3A_107] : memref<8192x2048xf32, #tpu.memory_space<hbm>> -> memref<8192x2048xf32, #tpu.memory_space<hbm>>
    tpu.wait_indirect_dma semaphore(%arg9 : memref<!tpu.dma_semaphore, #tpu.memory_space<semaphore_mem>>) src(%dma_wait3A_108 : memref<8192x2048xf32, #tpu.memory_space<hbm>>) dst(%arg7 : memref<16x2048xf32, #tpu.memory_space<vmem>>)
    %add3A_109 = arith.constant 80 : i32
    %add3A_110 = arith.addi %mul3A_2, %add3A_109 : i32
    %dma_start3A_111 = arith.constant 0 : i32
    %dma_start3A_112 = tpu.memref_slice %arg4[%add3A_110, %dma_start3A_111] : memref<3072x2048xf32, #tpu.memory_space<hbm>> -> memref<16x2048xf32, #tpu.memory_space<hbm>>
    %dma_start3A_113 = arith.constant 0 : i32
    %dma_start3A_114 = tpu.memref_slice %arg4[%add3A_110, %dma_start3A_113] : memref<3072x2048xf32, #tpu.memory_space<hbm>> -> memref<16x2048xf32, #tpu.memory_space<hbm>>
    tpu.enqueue_dma source(%arg7 : memref<16x2048xf32, #tpu.memory_space<vmem>>) target(%dma_start3A_114 : memref<16x2048xf32, #tpu.memory_space<hbm>>) target_semaphore(%arg11 : memref<!tpu.dma_semaphore, #tpu.memory_space<semaphore_mem>>)
    %dma_wait3A_115 = arith.constant 0 : i32
    %dma_wait3A_116 = tpu.memref_slice %arg4[%add3A_99, %dma_wait3A_115] : memref<3072x2048xf32, #tpu.memory_space<hbm>> -> memref<16x2048xf32, #tpu.memory_space<hbm>>
    %dma_wait3A_117 = arith.constant 0 : i32
    %dma_wait3A_118 = tpu.memref_slice %arg4[%add3A_99, %dma_wait3A_117] : memref<3072x2048xf32, #tpu.memory_space<hbm>> -> memref<16x2048xf32, #tpu.memory_space<hbm>>
    tpu.wait_dma2 semaphore(%arg10 : memref<!tpu.dma_semaphore, #tpu.memory_space<semaphore_mem>>) src(%arg6 : memref<16x2048xf32, #tpu.memory_space<vmem>>) dst(%dma_wait3A_118 : memref<16x2048xf32, #tpu.memory_space<hbm>>)
    %dma_wait3A_119 = arith.constant 0 : i32
    %dma_wait3A_120 = tpu.memref_slice %arg4[%add3A_110, %dma_wait3A_119] : memref<3072x2048xf32, #tpu.memory_space<hbm>> -> memref<16x2048xf32, #tpu.memory_space<hbm>>
    %dma_wait3A_121 = arith.constant 0 : i32
    %dma_wait3A_122 = tpu.memref_slice %arg4[%add3A_110, %dma_wait3A_121] : memref<3072x2048xf32, #tpu.memory_space<hbm>> -> memref<16x2048xf32, #tpu.memory_space<hbm>>
    tpu.wait_dma2 semaphore(%arg11 : memref<!tpu.dma_semaphore, #tpu.memory_space<semaphore_mem>>) src(%arg7 : memref<16x2048xf32, #tpu.memory_space<vmem>>) dst(%dma_wait3A_122 : memref<16x2048xf32, #tpu.memory_space<hbm>>)
    return
  }
}

module attributes {stable_mosaic.version = 14 : i64} {
  func.func @_moe_body(%arg0: i32, %arg1: memref<4xi32, #tpu.memory_space<smem>>, %arg2: memref<128x2048xf32, #tpu.memory_space<vmem>>, %arg3: memref<1x2048x512xf32, #tpu.memory_space<vmem>>, %arg4: memref<1x1x512xf32, #tpu.memory_space<vmem>>, %arg5: memref<1x1x128xi32, #tpu.memory_space<vmem>>, %arg6: memref<1x1x128xf32, #tpu.memory_space<vmem>>, %arg7: memref<1x1x128xf32, #tpu.memory_space<vmem>>) attributes {dimension_semantics = [#tpu.dimension_semantics<arbitrary>], iteration_bounds = array<i64: 4>, scalar_prefetch = 1 : i64, scratch_operands = 0 : i64, tpu.core_type = #tpu.core_type<tc>, window_params = [{transform_indices = @transform_0, window_bounds = array<i64: 128, 2048>}, {transform_indices = @transform_1, window_bounds = array<i64: 1, 2048, 512>}, {transform_indices = @transform_2, window_bounds = array<i64: 1, 1, 512>}, {transform_indices = @transform_3, window_bounds = array<i64: 1, 1, 128>}, {transform_indices = @transform_4, window_bounds = array<i64: 1, 1, 128>}, {transform_indices = @transform_5, window_bounds = array<i64: 1, 1, 128>}]} {
    %get3A = arith.constant 0 : index
    %get3A_0 = arith.constant 0 : index
    %get3A_1 = vector.load %arg2[%get3A, %get3A_0] : memref<128x2048xf32, #tpu.memory_space<vmem>>, vector<128x2048xf32>
    %get3A_2 = arith.constant 0 : index
    %get3A_3 = arith.constant 0 : index
    %get3A_4 = arith.constant 0 : index
    %get3A_5 = vector.load %arg3[%get3A_2, %get3A_3, %get3A_4] : memref<1x2048x512xf32, #tpu.memory_space<vmem>>, vector<1x2048x512xf32>
    %get3A_6 = vector.shape_cast %get3A_5 : vector<1x2048x512xf32> to vector<2048x512xf32>
    %dot_general3A = arith.constant dense<0.000000e+00> : vector<128x512xf32>
    %dot_general3A_7 = tpu.matmul %get3A_1, %get3A_6, %dot_general3A {dimension_numbers = #tpu.dot_dimension_numbers<[1], [0], [0], [1], [0, 0, 1, 1], [], []>, transpose_lhs_hint = false} : vector<128x2048xf32>, vector<2048x512xf32>, vector<128x512xf32> -> vector<128x512xf32>
    %get3A_8 = arith.constant 0 : index
    %get3A_9 = arith.constant 0 : index
    %get3A_10 = arith.constant 0 : index
    %get3A_11 = vector.load %arg4[%get3A_8, %get3A_9, %get3A_10] : memref<1x1x512xf32, #tpu.memory_space<vmem>>, vector<1x1x512xf32>
    %get3A_12 = vector.shape_cast %get3A_11 : vector<1x1x512xf32> to vector<512xf32>
    %broadcast_in_dim3A = vector.shape_cast %get3A_12 : vector<512xf32> to vector<1x512xf32>
    %add3A = vector.broadcast %broadcast_in_dim3A : vector<1x512xf32> to vector<128x512xf32>
    %add3A_13 = arith.addf %dot_general3A_7, %add3A : vector<128x512xf32>
    %exp3A = math.exp %add3A_13 : vector<128x512xf32>
    %reduce_sum3A = arith.constant dense<0.000000e+00> : vector<128xf32>
    %reduce_sum3A_14 = vector.multi_reduction <add>, %exp3A, %reduce_sum3A [1] : vector<128x512xf32> to vector<128xf32>
    %broadcast_in_dim3A_15 = vector.shape_cast %reduce_sum3A_14 : vector<128xf32> to vector<128x1xf32>
    %log3A = math.log %broadcast_in_dim3A_15 : vector<128x1xf32>
    %mul3A = arith.mulf %exp3A, %add3A_13 : vector<128x512xf32>
    %reduce_sum3A_16 = arith.constant dense<0.000000e+00> : vector<128xf32>
    %reduce_sum3A_17 = vector.multi_reduction <add>, %mul3A, %reduce_sum3A_16 [1] : vector<128x512xf32> to vector<128xf32>
    %broadcast_in_dim3A_18 = vector.shape_cast %reduce_sum3A_17 : vector<128xf32> to vector<128x1xf32>
    %div3A = arith.divf %broadcast_in_dim3A_18, %broadcast_in_dim3A_15 : vector<128x1xf32>
    %sub3A = arith.subf %log3A, %div3A : vector<128x1xf32>
    %squeeze3A = vector.shape_cast %sub3A : vector<128x1xf32> to vector<128xf32>
    %get3A_19 = arith.constant 0 : index
    %get3A_20 = arith.constant 0 : index
    %get3A_21 = arith.constant 0 : index
    %get3A_22 = vector.load %arg5[%get3A_19, %get3A_20, %get3A_21] : memref<1x1x128xi32, #tpu.memory_space<vmem>>, vector<1x1x128xi32>
    %get3A_23 = vector.shape_cast %get3A_22 : vector<1x1x128xi32> to vector<128xi32>
    %iota3A = tpu.iota {dimensions = array<i32: 1>} : vector<128x512xi32>
    %broadcast_in_dim3A_24 = vector.shape_cast %get3A_23 : vector<128xi32> to vector<128x1xi32>
    %eq3A = vector.broadcast %broadcast_in_dim3A_24 : vector<128x1xi32> to vector<128x512xi32>
    %eq3A_25 = arith.cmpi eq, %iota3A, %eq3A : vector<128x512xi32>
    %jit3A = arith.constant 0.000000e+00 : f32
    %broadcast_in_dim3A_26 = vector.broadcast %jit3A : f32 to vector<128x512xf32>
    %select_n3A = arith.select %eq3A_25, %add3A_13, %broadcast_in_dim3A_26 : vector<128x512xi1>, vector<128x512xf32>
    %reduce_sum3A_27 = arith.constant dense<0.000000e+00> : vector<128xf32>
    %reduce_sum3A_28 = vector.multi_reduction <add>, %select_n3A, %reduce_sum3A_27 [1] : vector<128x512xf32> to vector<128xf32>
    %squeeze3A_29 = vector.shape_cast %log3A : vector<128x1xf32> to vector<128xf32>
    %sub3A_30 = arith.subf %reduce_sum3A_28, %squeeze3A_29 : vector<128xf32>
    %swap3A = arith.constant 0 : index
    %swap3A_31 = arith.constant 0 : index
    %swap3A_32 = arith.constant 0 : index
    %swap3A_33 = vector.load %arg6[%swap3A, %swap3A_31, %swap3A_32] : memref<1x1x128xf32, #tpu.memory_space<vmem>>, vector<1x1x128xf32>
    %swap3A_34 = vector.shape_cast %swap3A_33 : vector<1x1x128xf32> to vector<128xf32>
    %swap3A_35 = vector.shape_cast %sub3A_30 : vector<128xf32> to vector<1x1x128xf32>
    tpu.vector_store %arg6[%swap3A, %swap3A_31, %swap3A_32], %swap3A_35 {strides = array<i32>} : memref<1x1x128xf32, #tpu.memory_space<vmem>>, vector<1x1x128xf32>,
    %swap3A_36 = arith.constant 0 : index
    %swap3A_37 = arith.constant 0 : index
    %swap3A_38 = arith.constant 0 : index
    %swap3A_39 = vector.load %arg7[%swap3A_36, %swap3A_37, %swap3A_38] : memref<1x1x128xf32, #tpu.memory_space<vmem>>, vector<1x1x128xf32>
    %swap3A_40 = vector.shape_cast %swap3A_39 : vector<1x1x128xf32> to vector<128xf32>
    %swap3A_41 = vector.shape_cast %squeeze3A : vector<128xf32> to vector<1x1x128xf32>
    tpu.vector_store %arg7[%swap3A_36, %swap3A_37, %swap3A_38], %swap3A_41 {strides = array<i32>} : memref<1x1x128xf32, #tpu.memory_space<vmem>>, vector<1x1x128xf32>,
    return
  }
  func.func @transform_0(%arg0: i32, %arg1: memref<4xi32, #tpu.memory_space<smem>>) -> (i32, i32) {
    %c0_i32 = arith.constant 0 : i32
    %c0_i32_0 = arith.constant 0 : i32
    return %arg0, %c0_i32 : i32, i32
  }
  func.func @transform_1(%arg0: i32, %arg1: memref<4xi32, #tpu.memory_space<smem>>) -> (i32, i32, i32) {
    %get3A = arith.index_cast %arg0 : i32 to index
    %get3A_0 = memref.load %arg1[%get3A] : memref<4xi32, #tpu.memory_space<smem>>
    %c0_i32 = arith.constant 0 : i32
    %c0_i32_1 = arith.constant 0 : i32
    %c0_i32_2 = arith.constant 0 : i32
    return %get3A_0, %c0_i32, %c0_i32_1 : i32, i32, i32
  }
  func.func @transform_2(%arg0: i32, %arg1: memref<4xi32, #tpu.memory_space<smem>>) -> (i32, i32, i32) {
    %get3A = arith.index_cast %arg0 : i32 to index
    %get3A_0 = memref.load %arg1[%get3A] : memref<4xi32, #tpu.memory_space<smem>>
    %c0_i32 = arith.constant 0 : i32
    %c0_i32_1 = arith.constant 0 : i32
    %c0_i32_2 = arith.constant 0 : i32
    return %get3A_0, %c0_i32, %c0_i32_1 : i32, i32, i32
  }
  func.func @transform_3(%arg0: i32, %arg1: memref<4xi32, #tpu.memory_space<smem>>) -> (i32, i32, i32) {
    %c0_i32 = arith.constant 0 : i32
    %c0_i32_0 = arith.constant 0 : i32
    %c0_i32_1 = arith.constant 0 : i32
    return %arg0, %c0_i32, %c0_i32_0 : i32, i32, i32
  }
  func.func @transform_4(%arg0: i32, %arg1: memref<4xi32, #tpu.memory_space<smem>>) -> (i32, i32, i32) {
    %c0_i32 = arith.constant 0 : i32
    %c0_i32_0 = arith.constant 0 : i32
    %c0_i32_1 = arith.constant 0 : i32
    return %arg0, %c0_i32, %c0_i32_0 : i32, i32, i32
  }
  func.func @transform_5(%arg0: i32, %arg1: memref<4xi32, #tpu.memory_space<smem>>) -> (i32, i32, i32) {
    %c0_i32 = arith.constant 0 : i32
    %c0_i32_0 = arith.constant 0 : i32
    %c0_i32_1 = arith.constant 0 : i32
    return %arg0, %c0_i32, %c0_i32_0 : i32, i32, i32
  }
}

module attributes {stable_mosaic.version = 14 : i64} {
  func.func @_moe_body(%arg0: i32, %arg1: memref<20xi32, #tpu.memory_space<smem>>, %arg2: memref<128x2048xf32, #tpu.memory_space<vmem>>, %arg3: memref<1x2048x512xf32, #tpu.memory_space<vmem>>, %arg4: memref<1x1x512xf32, #tpu.memory_space<vmem>>, %arg5: memref<1x1x128xi32, #tpu.memory_space<vmem>>, %arg6: memref<1x1x128xf32, #tpu.memory_space<vmem>>, %arg7: memref<1x1x128xf32, #tpu.memory_space<vmem>>) attributes {dimension_semantics = [#tpu.dimension_semantics<arbitrary>], iteration_bounds = array<i64: 20>, scalar_prefetch = 1 : i64, scratch_operands = 0 : i64, tpu.core_type = #tpu.core_type<tc>, window_params = [{transform_indices = @transform_0, window_bounds = array<i64: 128, 2048>}, {transform_indices = @transform_1, window_bounds = array<i64: 1, 2048, 512>}, {transform_indices = @transform_2, window_bounds = array<i64: 1, 1, 512>}, {transform_indices = @transform_3, window_bounds = array<i64: 1, 1, 128>}, {transform_indices = @transform_4, window_bounds = array<i64: 1, 1, 128>}, {transform_indices = @transform_5, window_bounds = array<i64: 1, 1, 128>}]} {
    %get3A = arith.constant 0 : index
    %get3A_0 = arith.constant 0 : index
    %get3A_1 = vector.load %arg2[%get3A, %get3A_0] : memref<128x2048xf32, #tpu.memory_space<vmem>>, vector<128x2048xf32>
    %get3A_2 = arith.constant 0 : index
    %get3A_3 = arith.constant 0 : index
    %get3A_4 = arith.constant 0 : index
    %get3A_5 = vector.load %arg3[%get3A_2, %get3A_3, %get3A_4] : memref<1x2048x512xf32, #tpu.memory_space<vmem>>, vector<1x2048x512xf32>
    %get3A_6 = vector.shape_cast %get3A_5 : vector<1x2048x512xf32> to vector<2048x512xf32>
    %dot_general3A = arith.constant dense<0.000000e+00> : vector<128x512xf32>
    %dot_general3A_7 = tpu.matmul %get3A_1, %get3A_6, %dot_general3A {dimension_numbers = #tpu.dot_dimension_numbers<[1], [0], [0], [1], [0, 0, 1, 1], [], []>, transpose_lhs_hint = false} : vector<128x2048xf32>, vector<2048x512xf32>, vector<128x512xf32> -> vector<128x512xf32>
    %get3A_8 = arith.constant 0 : index
    %get3A_9 = arith.constant 0 : index
    %get3A_10 = arith.constant 0 : index
    %get3A_11 = vector.load %arg4[%get3A_8, %get3A_9, %get3A_10] : memref<1x1x512xf32, #tpu.memory_space<vmem>>, vector<1x1x512xf32>
    %get3A_12 = vector.shape_cast %get3A_11 : vector<1x1x512xf32> to vector<512xf32>
    %broadcast_in_dim3A = vector.shape_cast %get3A_12 : vector<512xf32> to vector<1x512xf32>
    %add3A = vector.broadcast %broadcast_in_dim3A : vector<1x512xf32> to vector<128x512xf32>
    %add3A_13 = arith.addf %dot_general3A_7, %add3A : vector<128x512xf32>
    %exp3A = math.exp %add3A_13 : vector<128x512xf32>
    %reduce_sum3A = arith.constant dense<0.000000e+00> : vector<128xf32>
    %reduce_sum3A_14 = vector.multi_reduction <add>, %exp3A, %reduce_sum3A [1] : vector<128x512xf32> to vector<128xf32>
    %broadcast_in_dim3A_15 = vector.shape_cast %reduce_sum3A_14 : vector<128xf32> to vector<128x1xf32>
    %log3A = math.log %broadcast_in_dim3A_15 : vector<128x1xf32>
    %mul3A = arith.mulf %exp3A, %add3A_13 : vector<128x512xf32>
    %reduce_sum3A_16 = arith.constant dense<0.000000e+00> : vector<128xf32>
    %reduce_sum3A_17 = vector.multi_reduction <add>, %mul3A, %reduce_sum3A_16 [1] : vector<128x512xf32> to vector<128xf32>
    %broadcast_in_dim3A_18 = vector.shape_cast %reduce_sum3A_17 : vector<128xf32> to vector<128x1xf32>
    %div3A = arith.divf %broadcast_in_dim3A_18, %broadcast_in_dim3A_15 : vector<128x1xf32>
    %sub3A = arith.subf %log3A, %div3A : vector<128x1xf32>
    %squeeze3A = vector.shape_cast %sub3A : vector<128x1xf32> to vector<128xf32>
    %get3A_19 = arith.constant 0 : index
    %get3A_20 = arith.constant 0 : index
    %get3A_21 = arith.constant 0 : index
    %get3A_22 = vector.load %arg5[%get3A_19, %get3A_20, %get3A_21] : memref<1x1x128xi32, #tpu.memory_space<vmem>>, vector<1x1x128xi32>
    %get3A_23 = vector.shape_cast %get3A_22 : vector<1x1x128xi32> to vector<128xi32>
    %iota3A = tpu.iota {dimensions = array<i32: 1>} : vector<128x512xi32>
    %broadcast_in_dim3A_24 = vector.shape_cast %get3A_23 : vector<128xi32> to vector<128x1xi32>
    %eq3A = vector.broadcast %broadcast_in_dim3A_24 : vector<128x1xi32> to vector<128x512xi32>
    %eq3A_25 = arith.cmpi eq, %iota3A, %eq3A : vector<128x512xi32>
    %jit3A = arith.constant 0.000000e+00 : f32
    %broadcast_in_dim3A_26 = vector.broadcast %jit3A : f32 to vector<128x512xf32>
    %select_n3A = arith.select %eq3A_25, %add3A_13, %broadcast_in_dim3A_26 : vector<128x512xi1>, vector<128x512xf32>
    %reduce_sum3A_27 = arith.constant dense<0.000000e+00> : vector<128xf32>
    %reduce_sum3A_28 = vector.multi_reduction <add>, %select_n3A, %reduce_sum3A_27 [1] : vector<128x512xf32> to vector<128xf32>
    %squeeze3A_29 = vector.shape_cast %log3A : vector<128x1xf32> to vector<128xf32>
    %sub3A_30 = arith.subf %reduce_sum3A_28, %squeeze3A_29 : vector<128xf32>
    %swap3A = arith.constant 0 : index
    %swap3A_31 = arith.constant 0 : index
    %swap3A_32 = arith.constant 0 : index
    %swap3A_33 = vector.load %arg6[%swap3A, %swap3A_31, %swap3A_32] : memref<1x1x128xf32, #tpu.memory_space<vmem>>, vector<1x1x128xf32>
    %swap3A_34 = vector.shape_cast %swap3A_33 : vector<1x1x128xf32> to vector<128xf32>
    %swap3A_35 = vector.shape_cast %sub3A_30 : vector<128xf32> to vector<1x1x128xf32>
    tpu.vector_store %arg6[%swap3A, %swap3A_31, %swap3A_32], %swap3A_35 {strides = array<i32>} : memref<1x1x128xf32, #tpu.memory_space<vmem>>, vector<1x1x128xf32>,
    %swap3A_36 = arith.constant 0 : index
    %swap3A_37 = arith.constant 0 : index
    %swap3A_38 = arith.constant 0 : index
    %swap3A_39 = vector.load %arg7[%swap3A_36, %swap3A_37, %swap3A_38] : memref<1x1x128xf32, #tpu.memory_space<vmem>>, vector<1x1x128xf32>
    %swap3A_40 = vector.shape_cast %swap3A_39 : vector<1x1x128xf32> to vector<128xf32>
    %swap3A_41 = vector.shape_cast %squeeze3A : vector<128xf32> to vector<1x1x128xf32>
    tpu.vector_store %arg7[%swap3A_36, %swap3A_37, %swap3A_38], %swap3A_41 {strides = array<i32>} : memref<1x1x128xf32, #tpu.memory_space<vmem>>, vector<1x1x128xf32>,
    return
  }
  func.func @transform_0(%arg0: i32, %arg1: memref<20xi32, #tpu.memory_space<smem>>) -> (i32, i32) {
    %c0_i32 = arith.constant 0 : i32
    %c0_i32_0 = arith.constant 0 : i32
    return %arg0, %c0_i32 : i32, i32
  }
  func.func @transform_1(%arg0: i32, %arg1: memref<20xi32, #tpu.memory_space<smem>>) -> (i32, i32, i32) {
    %get3A = arith.index_cast %arg0 : i32 to index
    %get3A_0 = memref.load %arg1[%get3A] : memref<20xi32, #tpu.memory_space<smem>>
    %c0_i32 = arith.constant 0 : i32
    %c0_i32_1 = arith.constant 0 : i32
    %c0_i32_2 = arith.constant 0 : i32
    return %get3A_0, %c0_i32, %c0_i32_1 : i32, i32, i32
  }
  func.func @transform_2(%arg0: i32, %arg1: memref<20xi32, #tpu.memory_space<smem>>) -> (i32, i32, i32) {
    %get3A = arith.index_cast %arg0 : i32 to index
    %get3A_0 = memref.load %arg1[%get3A] : memref<20xi32, #tpu.memory_space<smem>>
    %c0_i32 = arith.constant 0 : i32
    %c0_i32_1 = arith.constant 0 : i32
    %c0_i32_2 = arith.constant 0 : i32
    return %get3A_0, %c0_i32, %c0_i32_1 : i32, i32, i32
  }
  func.func @transform_3(%arg0: i32, %arg1: memref<20xi32, #tpu.memory_space<smem>>) -> (i32, i32, i32) {
    %c0_i32 = arith.constant 0 : i32
    %c0_i32_0 = arith.constant 0 : i32
    %c0_i32_1 = arith.constant 0 : i32
    return %arg0, %c0_i32, %c0_i32_0 : i32, i32, i32
  }
  func.func @transform_4(%arg0: i32, %arg1: memref<20xi32, #tpu.memory_space<smem>>) -> (i32, i32, i32) {
    %c0_i32 = arith.constant 0 : i32
    %c0_i32_0 = arith.constant 0 : i32
    %c0_i32_1 = arith.constant 0 : i32
    return %arg0, %c0_i32, %c0_i32_0 : i32, i32, i32
  }
  func.func @transform_5(%arg0: i32, %arg1: memref<20xi32, #tpu.memory_space<smem>>) -> (i32, i32, i32) {
    %c0_i32 = arith.constant 0 : i32
    %c0_i32_0 = arith.constant 0 : i32
    %c0_i32_1 = arith.constant 0 : i32
    return %arg0, %c0_i32, %c0_i32_0 : i32, i32, i32
  }
}

module attributes {stable_mosaic.version = 14 : i64} {
  func.func @_moe_body(%arg0: i32, %arg1: memref<24xi32, #tpu.memory_space<smem>>, %arg2: memref<128x2048xf32, #tpu.memory_space<vmem>>, %arg3: memref<1x2048x512xf32, #tpu.memory_space<vmem>>, %arg4: memref<1x1x512xf32, #tpu.memory_space<vmem>>, %arg5: memref<1x1x128xi32, #tpu.memory_space<vmem>>, %arg6: memref<1x1x128xf32, #tpu.memory_space<vmem>>, %arg7: memref<1x1x128xf32, #tpu.memory_space<vmem>>) attributes {dimension_semantics = [#tpu.dimension_semantics<arbitrary>], iteration_bounds = array<i64: 24>, scalar_prefetch = 1 : i64, scratch_operands = 0 : i64, tpu.core_type = #tpu.core_type<tc>, window_params = [{transform_indices = @transform_0, window_bounds = array<i64: 128, 2048>}, {transform_indices = @transform_1, window_bounds = array<i64: 1, 2048, 512>}, {transform_indices = @transform_2, window_bounds = array<i64: 1, 1, 512>}, {transform_indices = @transform_3, window_bounds = array<i64: 1, 1, 128>}, {transform_indices = @transform_4, window_bounds = array<i64: 1, 1, 128>}, {transform_indices = @transform_5, window_bounds = array<i64: 1, 1, 128>}]} {
    %get3A = arith.constant 0 : index
    %get3A_0 = arith.constant 0 : index
    %get3A_1 = vector.load %arg2[%get3A, %get3A_0] : memref<128x2048xf32, #tpu.memory_space<vmem>>, vector<128x2048xf32>
    %get3A_2 = arith.constant 0 : index
    %get3A_3 = arith.constant 0 : index
    %get3A_4 = arith.constant 0 : index
    %get3A_5 = vector.load %arg3[%get3A_2, %get3A_3, %get3A_4] : memref<1x2048x512xf32, #tpu.memory_space<vmem>>, vector<1x2048x512xf32>
    %get3A_6 = vector.shape_cast %get3A_5 : vector<1x2048x512xf32> to vector<2048x512xf32>
    %dot_general3A = arith.constant dense<0.000000e+00> : vector<128x512xf32>
    %dot_general3A_7 = tpu.matmul %get3A_1, %get3A_6, %dot_general3A {dimension_numbers = #tpu.dot_dimension_numbers<[1], [0], [0], [1], [0, 0, 1, 1], [], []>, transpose_lhs_hint = false} : vector<128x2048xf32>, vector<2048x512xf32>, vector<128x512xf32> -> vector<128x512xf32>
    %get3A_8 = arith.constant 0 : index
    %get3A_9 = arith.constant 0 : index
    %get3A_10 = arith.constant 0 : index
    %get3A_11 = vector.load %arg4[%get3A_8, %get3A_9, %get3A_10] : memref<1x1x512xf32, #tpu.memory_space<vmem>>, vector<1x1x512xf32>
    %get3A_12 = vector.shape_cast %get3A_11 : vector<1x1x512xf32> to vector<512xf32>
    %broadcast_in_dim3A = vector.shape_cast %get3A_12 : vector<512xf32> to vector<1x512xf32>
    %add3A = vector.broadcast %broadcast_in_dim3A : vector<1x512xf32> to vector<128x512xf32>
    %add3A_13 = arith.addf %dot_general3A_7, %add3A : vector<128x512xf32>
    %exp3A = math.exp %add3A_13 : vector<128x512xf32>
    %reduce_sum3A = arith.constant dense<0.000000e+00> : vector<128xf32>
    %reduce_sum3A_14 = vector.multi_reduction <add>, %exp3A, %reduce_sum3A [1] : vector<128x512xf32> to vector<128xf32>
    %broadcast_in_dim3A_15 = vector.shape_cast %reduce_sum3A_14 : vector<128xf32> to vector<128x1xf32>
    %log3A = math.log %broadcast_in_dim3A_15 : vector<128x1xf32>
    %mul3A = arith.mulf %exp3A, %add3A_13 : vector<128x512xf32>
    %reduce_sum3A_16 = arith.constant dense<0.000000e+00> : vector<128xf32>
    %reduce_sum3A_17 = vector.multi_reduction <add>, %mul3A, %reduce_sum3A_16 [1] : vector<128x512xf32> to vector<128xf32>
    %broadcast_in_dim3A_18 = vector.shape_cast %reduce_sum3A_17 : vector<128xf32> to vector<128x1xf32>
    %div3A = arith.divf %broadcast_in_dim3A_18, %broadcast_in_dim3A_15 : vector<128x1xf32>
    %sub3A = arith.subf %log3A, %div3A : vector<128x1xf32>
    %squeeze3A = vector.shape_cast %sub3A : vector<128x1xf32> to vector<128xf32>
    %get3A_19 = arith.constant 0 : index
    %get3A_20 = arith.constant 0 : index
    %get3A_21 = arith.constant 0 : index
    %get3A_22 = vector.load %arg5[%get3A_19, %get3A_20, %get3A_21] : memref<1x1x128xi32, #tpu.memory_space<vmem>>, vector<1x1x128xi32>
    %get3A_23 = vector.shape_cast %get3A_22 : vector<1x1x128xi32> to vector<128xi32>
    %iota3A = tpu.iota {dimensions = array<i32: 1>} : vector<128x512xi32>
    %broadcast_in_dim3A_24 = vector.shape_cast %get3A_23 : vector<128xi32> to vector<128x1xi32>
    %eq3A = vector.broadcast %broadcast_in_dim3A_24 : vector<128x1xi32> to vector<128x512xi32>
    %eq3A_25 = arith.cmpi eq, %iota3A, %eq3A : vector<128x512xi32>
    %jit3A = arith.constant 0.000000e+00 : f32
    %broadcast_in_dim3A_26 = vector.broadcast %jit3A : f32 to vector<128x512xf32>
    %select_n3A = arith.select %eq3A_25, %add3A_13, %broadcast_in_dim3A_26 : vector<128x512xi1>, vector<128x512xf32>
    %reduce_sum3A_27 = arith.constant dense<0.000000e+00> : vector<128xf32>
    %reduce_sum3A_28 = vector.multi_reduction <add>, %select_n3A, %reduce_sum3A_27 [1] : vector<128x512xf32> to vector<128xf32>
    %squeeze3A_29 = vector.shape_cast %log3A : vector<128x1xf32> to vector<128xf32>
    %sub3A_30 = arith.subf %reduce_sum3A_28, %squeeze3A_29 : vector<128xf32>
    %swap3A = arith.constant 0 : index
    %swap3A_31 = arith.constant 0 : index
    %swap3A_32 = arith.constant 0 : index
    %swap3A_33 = vector.load %arg6[%swap3A, %swap3A_31, %swap3A_32] : memref<1x1x128xf32, #tpu.memory_space<vmem>>, vector<1x1x128xf32>
    %swap3A_34 = vector.shape_cast %swap3A_33 : vector<1x1x128xf32> to vector<128xf32>
    %swap3A_35 = vector.shape_cast %sub3A_30 : vector<128xf32> to vector<1x1x128xf32>
    tpu.vector_store %arg6[%swap3A, %swap3A_31, %swap3A_32], %swap3A_35 {strides = array<i32>} : memref<1x1x128xf32, #tpu.memory_space<vmem>>, vector<1x1x128xf32>,
    %swap3A_36 = arith.constant 0 : index
    %swap3A_37 = arith.constant 0 : index
    %swap3A_38 = arith.constant 0 : index
    %swap3A_39 = vector.load %arg7[%swap3A_36, %swap3A_37, %swap3A_38] : memref<1x1x128xf32, #tpu.memory_space<vmem>>, vector<1x1x128xf32>
    %swap3A_40 = vector.shape_cast %swap3A_39 : vector<1x1x128xf32> to vector<128xf32>
    %swap3A_41 = vector.shape_cast %squeeze3A : vector<128xf32> to vector<1x1x128xf32>
    tpu.vector_store %arg7[%swap3A_36, %swap3A_37, %swap3A_38], %swap3A_41 {strides = array<i32>} : memref<1x1x128xf32, #tpu.memory_space<vmem>>, vector<1x1x128xf32>,
    return
  }
  func.func @transform_0(%arg0: i32, %arg1: memref<24xi32, #tpu.memory_space<smem>>) -> (i32, i32) {
    %c0_i32 = arith.constant 0 : i32
    %c0_i32_0 = arith.constant 0 : i32
    return %arg0, %c0_i32 : i32, i32
  }
  func.func @transform_1(%arg0: i32, %arg1: memref<24xi32, #tpu.memory_space<smem>>) -> (i32, i32, i32) {
    %get3A = arith.index_cast %arg0 : i32 to index
    %get3A_0 = memref.load %arg1[%get3A] : memref<24xi32, #tpu.memory_space<smem>>
    %c0_i32 = arith.constant 0 : i32
    %c0_i32_1 = arith.constant 0 : i32
    %c0_i32_2 = arith.constant 0 : i32
    return %get3A_0, %c0_i32, %c0_i32_1 : i32, i32, i32
  }
  func.func @transform_2(%arg0: i32, %arg1: memref<24xi32, #tpu.memory_space<smem>>) -> (i32, i32, i32) {
    %get3A = arith.index_cast %arg0 : i32 to index
    %get3A_0 = memref.load %arg1[%get3A] : memref<24xi32, #tpu.memory_space<smem>>
    %c0_i32 = arith.constant 0 : i32
    %c0_i32_1 = arith.constant 0 : i32
    %c0_i32_2 = arith.constant 0 : i32
    return %get3A_0, %c0_i32, %c0_i32_1 : i32, i32, i32
  }
  func.func @transform_3(%arg0: i32, %arg1: memref<24xi32, #tpu.memory_space<smem>>) -> (i32, i32, i32) {
    %c0_i32 = arith.constant 0 : i32
    %c0_i32_0 = arith.constant 0 : i32
    %c0_i32_1 = arith.constant 0 : i32
    return %arg0, %c0_i32, %c0_i32_0 : i32, i32, i32
  }
  func.func @transform_4(%arg0: i32, %arg1: memref<24xi32, #tpu.memory_space<smem>>) -> (i32, i32, i32) {
    %c0_i32 = arith.constant 0 : i32
    %c0_i32_0 = arith.constant 0 : i32
    %c0_i32_1 = arith.constant 0 : i32
    return %arg0, %c0_i32, %c0_i32_0 : i32, i32, i32
  }
  func.func @transform_5(%arg0: i32, %arg1: memref<24xi32, #tpu.memory_space<smem>>) -> (i32, i32, i32) {
    %c0_i32 = arith.constant 0 : i32
    %c0_i32_0 = arith.constant 0 : i32
    %c0_i32_1 = arith.constant 0 : i32
    return %arg0, %c0_i32, %c0_i32_0 : i32, i32, i32
  }
}

</mosaic_0001>

<sc_bundles>
// kernel: gather_offload_async_start.1
scs
__scs_entry_jumppad:
0x0: {  	(pc) =	sbr.rel $0x88, $3  }
0x1: {  	(tag) =	ssettag $0x0;
	lr =	simm.s32 $0x1  }
0x2: {  	[smem:$0x3F9C] =	sst lr;
	_ =	strace $0xD0000000  }
0x3: {  	_ = 	snop  }
0x4: {  	_ = 	snop  }
0x5: {  	_ = 	snop  }
0x6: {  	_ = 	snop  }
0x7: {  	_ = 	snop  }
__scs_overlays_trampoline_lowered:
0x8: {  	[smem:$0x3FAB] =	sst s0  }
0x9: {  	[smem:$0x3FAC] =	sst s1  }
0xa: {  	[smem:$0x3FAD] =	sst s2  }
0xb: {  	[smem:$0x3FAE] =	sst s3  }
0xc: {  	[smem:$0x3FAF] =	sst s4  }
0xd: {  	[smem:$0x3FB0] =	sst s5  }
0xe: {  	[smem:$0x3FB1] =	sst s6  }
0xf: {  	[smem:$0x3FB2] =	sst s7  }
0x10: {  	[smem:$0x3FB3] =	sst s8  }
0x11: {  	[smem:$0x3FB4] =	sst s9;
	s0 =	simm.s32 @!p0 $0x0  }
0x12: {  	s1 =	sld [smem:$0x3F9A];
	s0 =	simm.s32 @p0 $0x1  }
0x13: {  	[smem:$0x3FB5] =	sst s0;
	s0 =	simm.s32 @!p1 $0x0  }
0x14: {  	s2 =	sld [smem:$0x3F99];
	s0 =	simm.s32 @p1 $0x1  }
0x15: {  	[smem:$0x3FB6] =	sst s0;
	s0 =	simm.s32 @!p2 $0x0  }
0x16: {  	s3 =	sld [smem:$0x3FDB];
	s0 =	simm.s32 @p2 $0x1  }
0x17: {  	s4 =	simm.s32 $0x1BF5;
	[smem:$0x3FB8] =	sst s0  }
0x18: {  	s0 =	sld [smem:$0x3F9B];
	_ =	swait.ge [sflag:s4], $0x0  }
0x19: {  	s7 =	sld [smem:$0x3F9C]  }
0x1a: {  	s8 =	sadd.s32 $0xFFFFE003, lr  }
0x1b: {  	s9 =	sadd.s32 $0xFFFFFEF7, lr;
	s5 =	simm.s32 $0xFFFFFFFF;
	p2 =	slt.u32 s8, $0xFFFFF086  }
0x1c: {  	p1 =	slt.u32 s9, $0xF7A;
	s5 =	simm.s32 @!p2 $0x0  }
0x1d: {  	s5 =	simm.s32 @p1 $0x1;
	p0 =	seq.s32 s7, s2  }
0x1e: {  	s7 =	smul.u32 @!p0 $0xF7A, s2;
	p2 =	seq.s32 @!p0 s5, $0x0  }
0x1f: {  	s9 =	smul.u32 $0xF7A, s1;
	s8 =	simm.s32 @!p0 $0x1BF5;
	p2 =	por !p2, p0  }
0x20: {  	[sflag:s8] =	ssyncset.s32 @!p0 $0xFFFFF086;
	s6 =	sadd.s32 @!p0 s3, s7;
	s7 =	simm.s32 @!p0 $0x108  }
0x21: {  	s3 =	sadd.s32 s3, s9;
	s6 =	sadd.s32 @!p0 $0x88, s6;
	s7 =	simm.s32 @p2 $0x1082  }
0x22: {  	[simem:s7], [sflag:s8] =	dma.local @!p0 [hbm:s6], $0xF7A  }
0x23: {  	s9 =	sor.u32 $0xD0000000, s2;
	s6 =	simm.s32 $0x108;
	_ =	swait.ge @!p0 [sflag:s8], $0x0  }
0x24: {  	s3 =	sadd.s32 $0x88, s3;
	s6 =	simm.s32 @!p1 $0x1082;
	[sflag:s4] =	ssyncset.s32 $0xFFFFF086  }
0x25: {  	[simem:s6], [sflag:s4] =	dma.local [hbm:s3], $0xF7A  }
0x26: {  	[smem:$0x3F9C] =	sst s1;
	(tag) =	ssettag s2;
	_ =	strace s9  }
0x27: {  	s1 =	sld [smem:$0x3FAC]  }
0x28: {  	s2 =	sld [smem:$0x3FAD]  }
0x29: {  	s4 =	sld [smem:$0x3FAF]  }
0x2a: {  	p0 =	seq.s32 s5, $0x0;
	s5 =	sld [smem:$0x3FB0]  }
0x2b: {  	s6 =	sld [smem:$0x3FB1]  }
0x2c: {  	s7 =	sld [smem:$0x3FB2]  }
0x2d: {  	s3 =	simm.s32 $0x108;
	s8 =	sld [smem:$0x3FB3]  }
0x2e: {  	s3 =	simm.s32 @!p0 $0x1082;
	s9 =	sld [smem:$0x3FB4]  }
0x2f: {  	lr =	sadd.s32 s0, s3;
	s0 =	sld [smem:$0x3FAB]  }
0x30: {  	s3 =	sld [smem:$0x3FAE]  }
0x31: {  	[smem:$0x3FB7] =	sst s10  }
0x32: {  	s10 =	sld [smem:$0x3FB5];
	_ =	sdelay $0x3  }
0x33: {  	p0 =	seq.s32 s10, $0x1;
	s10 =	sld [smem:$0x3FB7];
	_ =	sdelay $0x3  }
0x34: {  	[smem:$0x3FB7] =	sst s10  }
0x35: {  	s10 =	sld [smem:$0x3FB6];
	_ =	sdelay $0x3  }
0x36: {  	p1 =	seq.s32 s10, $0x1;
	s10 =	sld [smem:$0x3FB7];
	_ =	sdelay $0x3  }
0x37: {  	[smem:$0x3FB7] =	sst s10  }
0x38: {  	s10 =	sld [smem:$0x3FB8]  }
0x39: {  	_ = 	snop;
	(pc) =	sbr.ind lr, $3  }
0x3a: {  	_ = 	snop  }
0x3b: {  	_ = 	snop  }
0x3c: {  	p2 =	seq.s32 s10, $0x1;
	s10 =	sld [smem:$0x3FB7]  }
0x3d: {  	_ =	shalt  }
0x3e: {  	_ =	shalt  }
0x3f: {  	_ =	shalt  }
0x40: {  	_ =	shalt  }
0x41: {  	_ =	shalt  }
0x42: {  	_ =	shalt  }
0x43: {  	_ =	shalt  }
0x44: {  	_ =	shalt  }
0x45: {  	_ =	shalt  }
0x46: {  	_ =	shalt  }
0x47: {  	_ =	shalt  }
0x48: {  	_ =	shalt  }
0x49: {  	_ =	shalt  }
0x4a: {  	_ =	shalt  }
0x4b: {  	_ =	shalt  }
0x4c: {  	_ =	shalt  }
0x4d: {  	_ =	shalt  }
0x4e: {  	_ =	shalt  }
0x4f: {  	_ =	shalt  }
0x50: {  	_ =	shalt  }
0x51: {  	_ =	shalt  }
0x52: {  	_ =	shalt  }
0x53: {  	_ =	shalt  }
0x54: {  	_ =	shalt  }
0x55: {  	_ =	shalt  }
0x56: {  	_ =	shalt  }
0x57: {  	_ =	shalt  }
0x58: {  	_ =	shalt  }
0x59: {  	_ =	shalt  }
0x5a: {  	_ =	shalt  }
0x5b: {  	_ =	shalt  }
0x5c: {  	_ =	shalt  }
0x5d: {  	_ =	shalt  }
0x5e: {  	_ =	shalt  }
0x5f: {  	_ =	shalt  }
0x60: {  	_ =	shalt  }
0x61: {  	_ =	shalt  }
0x62: {  	_ =	shalt  }
0x63: {  	_ =	shalt  }
0x64: {  	_ =	shalt  }
0x65: {  	_ =	shalt  }
0x66: {  	_ =	shalt  }
0x67: {  	_ =	shalt  }
0x68: {  	_ =	shalt  }
0x69: {  	_ =	shalt  }
0x6a: {  	_ =	shalt  }
0x6b: {  	_ =	shalt  }
0x6c: {  	_ =	shalt  }
0x6d: {  	_ =	shalt  }
0x6e: {  	_ =	shalt  }
0x6f: {  	_ =	shalt  }
0x70: {  	_ =	shalt  }
0x71: {  	_ =	shalt  }
0x72: {  	_ =	shalt  }
0x73: {  	_ =	shalt  }
0x74: {  	_ =	shalt  }
0x75: {  	_ =	shalt  }
0x76: {  	_ =	shalt  }
0x77: {  	_ =	shalt  }
0x78: {  	_ =	shalt  }
0x79: {  	_ =	shalt  }
0x7a: {  	_ =	shalt  }
0x7b: {  	_ =	shalt  }
0x7c: {  	_ =	shalt  }
0x7d: {  	_ =	shalt  }
0x7e: {  	_ =	shalt  }
0x7f: {  	_ =	shalt  }
0x80: {  	_ =	shalt  }
0x81: {  	_ =	shalt  }
0x82: {  	_ =	shalt  }
0x83: {  	_ =	shalt  }
0x84: {  	_ =	shalt  }
0x85: {  	_ =	shalt  }
0x86: {  	_ =	shalt  }
0x87: {  	_ =	shalt  }
.Lfunc_end0:
.L_simem_size_0:
called_computation.1_lowered:
.L_overlay_start_0:
0x88: {  	s2 =	sld [smem:$0x3FD9]  }
0x89: {  	s3 =	sld [smem:$0x3FFE];
	_ =	sdelay $0x1  }
0x8a: {  	s1 =	srdreg.scid  }
0x8b: {  	s0 =	sand.u32 $0x1, s1  }
0x8c: {  	s14 =	sshll.u32 s0, $0xA;
	s2 =	sadd.s32 s3, s2  }
0x8d: {  	s2 =	sadd.s32 s2, s14  }
0x8e: {  	[smem:$0x3FC3] =	sst s2  }
0x8f: {  	_ = 	snop  }
0x90: {  	s2 =	sld [smem:$0x3FD0];
	_ =	sdelay $0x2  }
0x91: {  	s15 =	simm.s32 $0xE;
	s4 =	simm.s32 $0x10  }
0x92: {  	[smem:s4], [sflag:s15] =	dma.local [hbm:s2], $0x1  }
0x93: {  	_ =	swait.eq [sflag:s15], $0x1  }
0x94: {  	[sflag:s15] =	ssyncset.done $0x0  }
0x95: {  	[sflag:s15] =	ssyncadd.s32 $0xFFFFFFFF  }
0x96: {  	s16 =	sld [smem:$0x11];
	(tm) =	ssettm $0x1  }
0x97: {  	s17 =	sld [smem:$0x3FFB];
	_ =	sdelay $0x3  }
0x98: {  	_ =	strace s17  }
0x99: {  	s3 =	sld [smem:$0x3FFC];
	_ =	sdelay $0x3  }
0x9a: {  	_ =	strace s3  }
0x9b: {  	s3 =	sld [smem:$0x3FFD];
	_ =	sdelay $0x3  }
0x9c: {  	_ =	strace s3  }
0x9d: {  	_ =	strace $0x8FFFFFFF  }
0x9e: {  	s18 =	sld [smem:$0x3FDB];
	_ =	sdelay $0x1  }
0x9f: {  	s19 =	simm.s32 $_scs_section_size  }
0xa0: {  	s5 =	simm.s32 $_size__tile_overlayer_lowered;
	s6 =	simm.s32 $_tile_overlayer_lowered  }
0xa1: {  	s22 =	simm.s32 $0x1BFF;
	s21 =	sshll.u32 s6, $0x1;
	s3 =	sadd.s32 s19, s18  }
0xa2: {  	s7 =	simm.s32 $0x0;
	s20 =	sshll.u32 s5, $0x1;
	s5 =	sadd.s32 s21, s3  }
0xa3: {  	[timem:s7], [sflag:s22] =	dma.local [hbm:s5], s20  }
0xa4: {  	_ =	swait.ge [sflag:s22], s20  }
0xa5: {  	s4 =	ssub.s32 $0x0, s20;
	[sflag:s22] =	ssyncset.done $0x0  }
0xa6: {  	[sflag:s22] =	ssyncadd.s32 s4;
	_ =	sdelay $0x1  }
0xa7: {  	s23 =	simm.s32 $0x1B8B  }
0xa8: {  	_ =	swait.ge [sflag:s23], $0x1  }
0xa9: {  	[sflag:s23] =	ssyncset.done $0x0  }
0xaa: {  	s25 =	simm.s32 $0x1B8E;
	s24 =	sld [smem:$0x3FFE];
	[sflag:s23] =	ssyncadd.s32 $0xFFFFFFFF  }
0xab: {  	s26 =	simm.s32 $execute0_lowered;
	[smem:$0x3FD2] =	sst s25  }
0xac: {  	s5 =	sshll.u32 s26, $0x1;
	_ =	strace $0x80000055;
	[dreg:$0x1] =	wrdreg $0xFFFFFFFF  }
0xad: {  	s28 =	simm.s32 $_size_execute0_lowered;
	s3 =	sadd.s32 s3, s5;
	[dreg:$0x0] =	wrdreg $0x0  }
0xae: {  	s5 =	sshll.u32 s28, $0x1;
	[dreg:$0x2] =	wrdreg s3  }
0xaf: {  	[dreg:$0x3] =	wrdreg s5  }
0xb0: {  	[dreg:$0x4] =	wrdreg $0xC0  }
0xb1: {  	_ =	task [dreg:s7], $0x5FFFF  }
0xb2: {  	[dreg:$0x1] =	wrdreg $0xFFFFFFFF  }
0xb3: {  	[dreg:$0x0] =	wrdreg $0x60  }
0xb4: {  	[dreg:$0x2] =	wrdreg s24  }
0xb5: {  	[dreg:$0x3] =	wrdreg s16  }
0xb6: {  	[dreg:$0x4] =	wrdreg $0xA  }
0xb7: {  	_ =	task.clear_ibuf [dreg:s7], $0x5FFFF;
	_ =	strace $0x90000055  }
0xb8: {  	s29 =	simm.s32 $0xA;
	_ =	strace $0x80000057  }
0xb9: {  	_ =	swait.ge [sflag:s29], $0x1  }
0xba: {  	[sflag:s29] =	ssyncadd.s32 $0xFFFFFFFF  }
0xbb: {  	_ =	strace $0x90000057  }
0xbc: {  	_ =	sfence  }
0xbd: {  	s30 =	sld [smem:$0x0];
	_ =	sdelay $0x2  }
0xbe: {  	s31 =	sshll.u32 s1, $0xD;
	s1 =	sshrl.u32 s1, $0x2  }
0xbf: {  	s3 =	sand.u32 $0x4000, s31;
	s1 =	sadd.s32 s1, s30  }
0xc0: {  	s0 =	sor.u32 s3, s0;
	s1 =	sshll.u32 s1, $0x11  }
0xc1: {  	s0 =	sor.u32 s1, s0  }
0xc2: {  	s0 =	sadd.s32 $0x8F2B, s0  }
0xc3: {  	[sflag:s0] =	ssyncadd.remote.s32 $0x1  }
0xc4: {  	_ =	sfence.sel $0xFFFF  }
0xc5: {  	[dreg:$0x0] =	wrdreg $0xFFFFFFFF;
	(pc) =	sbr.abs _section_cstart, $3  }
0xc6: {  	[dreg:$0x1] =	wrdreg $0xFFFFFFFF  }
0xc7: {  	_ =	task.clear_ibuf [dreg:s7], $0x2FFFF;
	_ =	strace $0x9FFFFFFF  }
0xc8: {  	(tm) =	ssettm $0x7FFFFFFF  }
0xc9: {  	_ =	shalt  }
tec
execute0_lowered:
.L_overlay_start_1:
0x0: {  	(tag) =	ssettag $0x1  }
0x1: {  	s1 =	srdreg.scid;
	s5 =	rddreg [dreg:$0x0]  }
0x2: {  	s0 =	stileid.u32;
	s2 =	rddreg [dreg:$0x1];
	s6 =	simm.s32 $0x1  }
0x3: {  	s9 =	simm.s32 $0x1;
	s10 =	simm.s32 $0x3;
	s1 =	sshll.u32 s1, $0x7  }
0x4: {  	s13 =	simm.s32 $0x0;
	s3 =	sshll.u32 s0, $0x8;
	s4 =	sand.u32 $0x80, s1  }
0x5: {  	s12 =	simm.s32 $0x0;
	s1 =	rddreg [dreg:$0x2];
	s3 =	sor.u32 s3, s4  }
0x6: {  	_ =	strace $0x80000056;
	s4 =	sadd.s32 $0xC00, s5;
	s8 =	ssub.s32 $0x2000, s3  }
.Ltmp0:
0x7: {  	s5 =	sadd.s32 $0x241E00, s5;
	s7 =	sand.u32 $0xF80, s8;
	(pc) =	sbr.rel .LBB2_1-.Ltmp0, $4  }
0x8: {  	[sflag:s6] =	ssyncpa.u1 $0x0;
	s11 =	smov.u32 s3;
	p0 =	sne.s32 s7, $0x0  }
0x9: {  	s8 =	sshrl.u32 s8, $0xC;
	s7 =	simm.s32 $0x2;
	s9 =	simm.s32 @!p0 $0x0  }
0xa: {  	[sflag:s7] =	ssyncpa.u1 $0x0;
	p0 =	por $0x0, $0x0;
	s8 =	sadd.s32 s9, s8  }
0xb: {  	vm0 =	vmmov $0xffff;
	[sflag:s10] =	ssyncpa.u1 $0x0;
	s10 =	simm.s32 $0x0;
	s9 =	sadd.s32 $0x1, s8  }
.LBB2_4:
0xc: {  	v2 =	vnsel vm1, $0x0, v2  }
0xd: {  	vm1 =	vgt.s32 v0, $0x0;
	v2 =	vmin.u32 v2, $0x23FF  }
0xe: {  	v0 =	vnsel vm1, $0x0, v0  }
0xf: {  	v0 =	vmin.u32 v0, $0x23FF  }
0x10: {  	[tilespmem:s15], [sflag:$0x1] =	stream.indirect_vreg.gather [hbm4b:s4+s10], $0x1, v1, vm0, $0x4038;
	[tilespmem:$0x200] =	vst v63  }
0x11: {  	(ifvalue) =	ssetifvalue $0x7FFFFFFF  }
0x12: {  	[tilespmem:s16], [sflag:$0x1] =	stream.indirect_vreg.gather [hbm4b:s4+s10], $0x1, v2, vm0, $0x4038;
	[tilespmem:$0x200] =	vst v63  }
0x13: {  	s29 =	sadd.s32 $0x10, s16;
	(ifvalue) =	ssetifvalue $0x7FFFFFFF  }
0x14: {  	[tilespmem:s29], [sflag:$0x1] =	stream.indirect_vreg.gather [hbm4b:s4+s10], $0x1, v0, vm0, $0x4038;
	[tilespmem:$0x200] =	vst v63  }
0x15: {  	_ =	swait.ge [sflag:s6], $0x80  }
0x16: {  	s30 =	sshrl.u32 s13, $0x3;
	[sflag:s6] =	ssyncset.done $0x0  }
0x17: {  	s31 =	sand.u32 $0x7, s13;
	s15 =	sadd.s32 s2, s30;
	[sflag:s6] =	ssyncadd.s32 $0xFFFFFF80  }
0x18: {  	[hbm4b:s15+s31] =	stream.linear.scatter [tilespmem:s14], [sflag:$0x3], $0x80, $0x38;
	[tilespmem:$0x200] =	vst v63  }
.LBB2_5:
0x19: {  	s15 =	sadd.s32 $0x1000, s11  }
0x1a: {  	p2 =	sgt.s32 s15, $0x1FFF  }
0x1b: {  	s15 =	smov.u32 @p2 s3;
	p2 =	sne.s32 s12, s9  }
.Ltmp1:
0x1c: {  	p1 =	slt.u32 s12, $0x2;
	(pc) =	sbr.rel @!p2 .LBB2_6-.Ltmp1, $4  }
0x1d: {  	s14 =	simm.s32 @!p1 $0x3  }
0x1e: {  	s16 =	sadd.s32 $0x1, s12;
	_ =	swait.ge @!p1 [sflag:s14], $0x80  }
0x1f: {  	s13 =	smov.u32 s11;
	p0 =	por !p0, !p0;
	[sflag:s14] =	ssyncset.done @!p1 $0x0  }
0x20: {  	s12 =	smov.u32 s16;
	s11 =	smov.u32 s15;
	[sflag:s14] =	ssyncadd.s32 @!p1 $0xFFFFFF80  }
.LBB2_1:
0x21: {  	p1 =	sge.u32 s12, s8  }
0x22: {  	s14 =	sxor.u32 @!p1 $0xFFFFFFFF, s12  }
0x23: {  	s31 =	sadd.s32 $0xFFFFFFFF, s12;
	s15 =	sshrl.u32 @!p1 s11, $0x3;
	s14 =	sshll.u32 @!p1 s14, $0x7  }
0x24: {  	s16 =	sand.u32 @!p1 $0x7, s11;
	s15 =	sadd.s32 @!p1 s5, s15;
	s14 =	sand.u32 @!p1 $0x80, s14  }
0x25: {  	[tilespmem:s14], [sflag:$0x2] =	stream.linear.gather @!p1 [hbm4b:s15+s16], $0x80, $0x38;
	[tilespmem:$0x200] =	vst v63  }
0x26: {  	p1 =	sge.u32 s31, s8  }
.Ltmp2:
0x27: {  	_ = 	snop;
	(pc) =	sbr.rel @p1 .LBB2_5-.Ltmp2, $1  }
0x28: {  	_ =	sdelay $0x3  }
0x29: {  	s14 =	simm.s32 $0x1  }
0x2a: {  	_ =	swait.ge [sflag:s7], $0x80;
	s14 =	simm.s32 @!p0 $0x0  }
0x2b: {  	[sflag:s7] =	ssyncset.done $0x0;
	s14 =	sshll.u32 s14, $0x7  }
0x2c: {  	[sflag:s7] =	ssyncadd.s32 $0xFFFFFF80;
	(ifvalue) =	ssetifvalue $0x7FFFFFFF;
	v0 =	vld.msk [tilespmem:s14+$0x0 ss:$0x1], $0xffff;
	_ =	sdelay $0x4  }
0x2d: {  	s15 =	sadd.s32 $0x10, s14;
	vm1 =	vgt.s32 v0, $0x0  }
0x2e: {  	v2 =	vld.msk [tilespmem:s15+$0x0 ss:$0x1], $0xffff;
	v1 =	vnsel vm1, $0x0, v0  }
0x2f: {  	v1 =	vmin.u32 v1, $0x23FF;
	_ =	sdelay $0x1  }
0x30: {  	s16 =	sshll.u32 s12, $0x7;
	s18 =	simm.s32 $0x20  }
0x31: {  	s16 =	sand.u32 $0x80, s16;
	s17 =	sadd.s32 $0x10, s15;
	s15 =	sor.u32 $0x100, s14  }
0x32: {  	s14 =	sor.u32 $0x100, s16;
	s16 =	sadd.s32 $0x10, s15;
	v0 =	vld.msk [tilespmem:s17+$0x0 ss:$0x1], $0xffff;
	vm1 =	vgt.s32 v2, $0x0;
	(ifvalue) =	ssetifvalue $0x7FFFFFFF  }
.LBB2_3:
0x33: {  	[tilespmem:s15], [sflag:$0x1] =	stream.indirect_vreg.gather [hbm4b:s4+s10], $0x1, v1, vm0, $0x4038;
	[tilespmem:$0x200] =	vst v63  }
0x34: {  	s18 =	sadd.s32 $0x10, s18  }
0x35: {  	v2 =	vnsel vm1, $0x0, v2;
	p1 =	slt.u32 s18, $0x70  }
.Ltmp3:
0x36: {  	s15 =	smov.u32 s16;
	v1 =	vmin.u32 v2, $0x23FF;
	(pc) =	sbr.rel @p1 .LBB2_3-.Ltmp3, $3  }
0x37: {  	_ =	sdelay $0x1  }
0x38: {  	s17 =	sadd.s32 $0x10, s17  }
0x39: {  	vm1 =	vgt.s32 v0, $0x0;
	s16 =	sadd.s32 $0x10, s16;
	v2 =	vmov v0;
	(ifvalue) =	ssetifvalue $0x7FFFFFFF;
	v0 =	vld.msk [tilespmem:s17+$0x0 ss:$0x1], $0xffff  }
.Ltmp4:
0x3a: {  	_ = 	snop;
	(pc) =	sbr.rel .LBB2_4-.Ltmp4, $1  }
0x3b: {  	_ =	sdelay $0x3  }
.LBB2_6:
0x3c: {  	_ =	sfence.sel $0x180000  }
0x3d: {  	s2 =	simm.s32 $0x2;
	[bflag:$0x0] =	sbarrier.arrive $0xFFFF  }
0x3e: {  	s30 =	simm.s32 $0x3;
	[sflag:s2] =	ssyncpa.u1 $0x1  }
0x3f: {  	s31 =	simm.s32 $0x1;
	[sflag:s30] =	ssyncpa.u1 $0x1  }
0x40: {  	[sflag:s31] =	ssyncpa.u1 $0x1  }
0x41: {  	p0 =	sne.s32 s0, $0x0;
	_ =	strace $0x90000056  }
0x42: {  	s0 =	sadd.s32 @!p0 $0x100000, s1;
	[bflag:$0x2] =	sbarrier.arrive $0xFFFF  }
0x43: {  	[sflag:s0] =	ssyncadd.tile.s32 @!p0 $0x1;
	_ =	shalt  }
.Lfunc_end2:
_tile_overlayer_lowered:
.L_overlay_start_2:
0x44: {  	(tag) =	ssettag $0x2  }
0x45: {  	s0 =	rddreg [dreg:$0x0];
	s2 =	stileid.u32  }
0x46: {  	s1 =	rddreg [dreg:$0x1];
	p0 =	sne.s32 s2, $0x0  }
0x47: {  	s3 =	rddreg [dreg:$0x2];
	[bflag:$0x3] =	sbarrier.arrive $0xFFFF;
	s2 =	simm.s32 @!p0 $0x1C01  }
0x48: {  	[timem:s3], [sflag:s2] =	dma.local @!p0 [hbm:s0], s1  }
0x49: {  	s0 =	simm.s32 @!p0 $0x1  }
0x4a: {  	_ =	swait.ge @!p0 [sflag:s0], s1  }
0x4b: {  	s1 =	ssub.s32 @!p0 $0x0, s1;
	[sflag:s0] =	ssyncset.done @!p0 $0x0  }
0x4c: {  	[sflag:s0] =	ssyncadd.s32 @!p0 s1  }
0x4d: {  	[bflag:$0x3] =	sbarrier.arrive $0xFFFF  }
0x4e: {  	_ =	shalt  }

// kernel: gather_offload_async_start.2
scs
__scs_entry_jumppad:
0x0: {  	(pc) =	sbr.rel $0x88, $3  }
0x1: {  	(tag) =	ssettag $0x0;
	lr =	simm.s32 $0x1  }
0x2: {  	[smem:$0x3F9C] =	sst lr;
	_ =	strace $0xD0000000  }
0x3: {  	_ = 	snop  }
0x4: {  	_ = 	snop  }
0x5: {  	_ = 	snop  }
0x6: {  	_ = 	snop  }
0x7: {  	_ = 	snop  }
__scs_overlays_trampoline_lowered:
0x8: {  	[smem:$0x3FAB] =	sst s0  }
0x9: {  	[smem:$0x3FAC] =	sst s1  }
0xa: {  	[smem:$0x3FAD] =	sst s2  }
0xb: {  	[smem:$0x3FAE] =	sst s3  }
0xc: {  	[smem:$0x3FAF] =	sst s4  }
0xd: {  	[smem:$0x3FB0] =	sst s5  }
0xe: {  	[smem:$0x3FB1] =	sst s6  }
0xf: {  	[smem:$0x3FB2] =	sst s7  }
0x10: {  	[smem:$0x3FB3] =	sst s8  }
0x11: {  	[smem:$0x3FB4] =	sst s9;
	s0 =	simm.s32 @!p0 $0x0  }
0x12: {  	s1 =	sld [smem:$0x3F9A];
	s0 =	simm.s32 @p0 $0x1  }
0x13: {  	[smem:$0x3FB5] =	sst s0;
	s0 =	simm.s32 @!p1 $0x0  }
0x14: {  	s2 =	sld [smem:$0x3F99];
	s0 =	simm.s32 @p1 $0x1  }
0x15: {  	[smem:$0x3FB6] =	sst s0;
	s0 =	simm.s32 @!p2 $0x0  }
0x16: {  	s3 =	sld [smem:$0x3FDB];
	s0 =	simm.s32 @p2 $0x1  }
0x17: {  	s4 =	simm.s32 $0x1BF5;
	[smem:$0x3FB8] =	sst s0  }
0x18: {  	s0 =	sld [smem:$0x3F9B];
	_ =	swait.ge [sflag:s4], $0x0  }
0x19: {  	s7 =	sld [smem:$0x3F9C]  }
0x1a: {  	s8 =	sadd.s32 $0xFFFFE003, lr  }
0x1b: {  	s9 =	sadd.s32 $0xFFFFFEF7, lr;
	s5 =	simm.s32 $0xFFFFFFFF;
	p2 =	slt.u32 s8, $0xFFFFF086  }
0x1c: {  	p1 =	slt.u32 s9, $0xF7A;
	s5 =	simm.s32 @!p2 $0x0  }
0x1d: {  	s5 =	simm.s32 @p1 $0x1;
	p0 =	seq.s32 s7, s2  }
0x1e: {  	s7 =	smul.u32 @!p0 $0xF7A, s2;
	p2 =	seq.s32 @!p0 s5, $0x0  }
0x1f: {  	s9 =	smul.u32 $0xF7A, s1;
	s8 =	simm.s32 @!p0 $0x1BF5;
	p2 =	por !p2, p0  }
0x20: {  	[sflag:s8] =	ssyncset.s32 @!p0 $0xFFFFF086;
	s6 =	sadd.s32 @!p0 s3, s7;
	s7 =	simm.s32 @!p0 $0x108  }
0x21: {  	s3 =	sadd.s32 s3, s9;
	s6 =	sadd.s32 @!p0 $0x88, s6;
	s7 =	simm.s32 @p2 $0x1082  }
0x22: {  	[simem:s7], [sflag:s8] =	dma.local @!p0 [hbm:s6], $0xF7A  }
0x23: {  	s9 =	sor.u32 $0xD0000000, s2;
	s6 =	simm.s32 $0x108;
	_ =	swait.ge @!p0 [sflag:s8], $0x0  }
0x24: {  	s3 =	sadd.s32 $0x88, s3;
	s6 =	simm.s32 @!p1 $0x1082;
	[sflag:s4] =	ssyncset.s32 $0xFFFFF086  }
0x25: {  	[simem:s6], [sflag:s4] =	dma.local [hbm:s3], $0xF7A  }
0x26: {  	[smem:$0x3F9C] =	sst s1;
	(tag) =	ssettag s2;
	_ =	strace s9  }
0x27: {  	s1 =	sld [smem:$0x3FAC]  }
0x28: {  	s2 =	sld [smem:$0x3FAD]  }
0x29: {  	s4 =	sld [smem:$0x3FAF]  }
0x2a: {  	p0 =	seq.s32 s5, $0x0;
	s5 =	sld [smem:$0x3FB0]  }
0x2b: {  	s6 =	sld [smem:$0x3FB1]  }
0x2c: {  	s7 =	sld [smem:$0x3FB2]  }
0x2d: {  	s3 =	simm.s32 $0x108;
	s8 =	sld [smem:$0x3FB3]  }
0x2e: {  	s3 =	simm.s32 @!p0 $0x1082;
	s9 =	sld [smem:$0x3FB4]  }
0x2f: {  	lr =	sadd.s32 s0, s3;
	s0 =	sld [smem:$0x3FAB]  }
0x30: {  	s3 =	sld [smem:$0x3FAE]  }
0x31: {  	[smem:$0x3FB7] =	sst s10  }
0x32: {  	s10 =	sld [smem:$0x3FB5];
	_ =	sdelay $0x3  }
0x33: {  	p0 =	seq.s32 s10, $0x1;
	s10 =	sld [smem:$0x3FB7];
	_ =	sdelay $0x3  }
0x34: {  	[smem:$0x3FB7] =	sst s10  }
0x35: {  	s10 =	sld [smem:$0x3FB6];
	_ =	sdelay $0x3  }
0x36: {  	p1 =	seq.s32 s10, $0x1;
	s10 =	sld [smem:$0x3FB7];
	_ =	sdelay $0x3  }
0x37: {  	[smem:$0x3FB7] =	sst s10  }
0x38: {  	s10 =	sld [smem:$0x3FB8]  }
0x39: {  	_ = 	snop;
	(pc) =	sbr.ind lr, $3  }
0x3a: {  	_ = 	snop  }
0x3b: {  	_ = 	snop  }
0x3c: {  	p2 =	seq.s32 s10, $0x1;
	s10 =	sld [smem:$0x3FB7]  }
0x3d: {  	_ =	shalt  }
0x3e: {  	_ =	shalt  }
0x3f: {  	_ =	shalt  }
0x40: {  	_ =	shalt  }
0x41: {  	_ =	shalt  }
0x42: {  	_ =	shalt  }
0x43: {  	_ =	shalt  }
0x44: {  	_ =	shalt  }
0x45: {  	_ =	shalt  }
0x46: {  	_ =	shalt  }
0x47: {  	_ =	shalt  }
0x48: {  	_ =	shalt  }
0x49: {  	_ =	shalt  }
0x4a: {  	_ =	shalt  }
0x4b: {  	_ =	shalt  }
0x4c: {  	_ =	shalt  }
0x4d: {  	_ =	shalt  }
0x4e: {  	_ =	shalt  }
0x4f: {  	_ =	shalt  }
0x50: {  	_ =	shalt  }
0x51: {  	_ =	shalt  }
0x52: {  	_ =	shalt  }
0x53: {  	_ =	shalt  }
0x54: {  	_ =	shalt  }
0x55: {  	_ =	shalt  }
0x56: {  	_ =	shalt  }
0x57: {  	_ =	shalt  }
0x58: {  	_ =	shalt  }
0x59: {  	_ =	shalt  }
0x5a: {  	_ =	shalt  }
0x5b: {  	_ =	shalt  }
0x5c: {  	_ =	shalt  }
0x5d: {  	_ =	shalt  }
0x5e: {  	_ =	shalt  }
0x5f: {  	_ =	shalt  }
0x60: {  	_ =	shalt  }
0x61: {  	_ =	shalt  }
0x62: {  	_ =	shalt  }
0x63: {  	_ =	shalt  }
0x64: {  	_ =	shalt  }
0x65: {  	_ =	shalt  }
0x66: {  	_ =	shalt  }
0x67: {  	_ =	shalt  }
0x68: {  	_ =	shalt  }
0x69: {  	_ =	shalt  }
0x6a: {  	_ =	shalt  }
0x6b: {  	_ =	shalt  }
0x6c: {  	_ =	shalt  }
0x6d: {  	_ =	shalt  }
0x6e: {  	_ =	shalt  }
0x6f: {  	_ =	shalt  }
0x70: {  	_ =	shalt  }
0x71: {  	_ =	shalt  }
0x72: {  	_ =	shalt  }
0x73: {  	_ =	shalt  }
0x74: {  	_ =	shalt  }
0x75: {  	_ =	shalt  }
0x76: {  	_ =	shalt  }
0x77: {  	_ =	shalt  }
0x78: {  	_ =	shalt  }
0x79: {  	_ =	shalt  }
0x7a: {  	_ =	shalt  }
0x7b: {  	_ =	shalt  }
0x7c: {  	_ =	shalt  }
0x7d: {  	_ =	shalt  }
0x7e: {  	_ =	shalt  }
0x7f: {  	_ =	shalt  }
0x80: {  	_ =	shalt  }
0x81: {  	_ =	shalt  }
0x82: {  	_ =	shalt  }
0x83: {  	_ =	shalt  }
0x84: {  	_ =	shalt  }
0x85: {  	_ =	shalt  }
0x86: {  	_ =	shalt  }
0x87: {  	_ =	shalt  }
.Lfunc_end0:
.L_simem_size_0:
called_computation.2_lowered:
.L_overlay_start_0:
0x88: {  	s2 =	sld [smem:$0x3FD9]  }
0x89: {  	s3 =	sld [smem:$0x3FFE];
	_ =	sdelay $0x1  }
0x8a: {  	s1 =	srdreg.scid  }
0x8b: {  	s0 =	sand.u32 $0x1, s1  }
0x8c: {  	s17 =	sshll.u32 s0, $0xA;
	s2 =	sadd.s32 s3, s2  }
0x8d: {  	s2 =	sadd.s32 s2, s17  }
0x8e: {  	[smem:$0x3FC3] =	sst s2  }
0x8f: {  	_ = 	snop  }
0x90: {  	s2 =	sld [smem:$0x3FC7];
	(tm) =	ssettm $0x1  }
0x91: {  	s18 =	sld [smem:$0x3FFB];
	_ =	sdelay $0x3  }
0x92: {  	_ =	strace s18  }
0x93: {  	s3 =	sld [smem:$0x3FFC];
	_ =	sdelay $0x3  }
0x94: {  	_ =	strace s3  }
0x95: {  	s3 =	sld [smem:$0x3FFD];
	_ =	sdelay $0x3  }
0x96: {  	_ =	strace s3  }
0x97: {  	_ =	strace $0x8FFFFFFF  }
0x98: {  	s19 =	sld [smem:$0x3FDB];
	_ =	sdelay $0x1  }
0x99: {  	s4 =	simm.s32 $_scs_section_size  }
0x9a: {  	s5 =	simm.s32 $_size__tile_overlayer_lowered;
	s6 =	simm.s32 $_tile_overlayer_lowered  }
0x9b: {  	s22 =	simm.s32 $0x1BFF;
	s21 =	sshll.u32 s6, $0x1;
	s3 =	sadd.s32 s4, s19  }
0x9c: {  	s7 =	simm.s32 $0x0;
	s20 =	sshll.u32 s5, $0x1;
	s5 =	sadd.s32 s21, s3  }
0x9d: {  	[timem:s7], [sflag:s22] =	dma.local [hbm:s5], s20  }
0x9e: {  	_ =	swait.ge [sflag:s22], s20  }
0x9f: {  	s4 =	ssub.s32 $0x0, s20;
	[sflag:s22] =	ssyncset.done $0x0  }
0xa0: {  	[sflag:s22] =	ssyncadd.s32 s4;
	_ =	sdelay $0x1  }
0xa1: {  	s23 =	simm.s32 $0x1B8B  }
0xa2: {  	_ =	swait.ge [sflag:s23], $0x1  }
0xa3: {  	[sflag:s23] =	ssyncset.done $0x0  }
0xa4: {  	s25 =	simm.s32 $0x1B8E;
	s24 =	sld [smem:$0x3FFE];
	[sflag:s23] =	ssyncadd.s32 $0xFFFFFFFF  }
0xa5: {  	s26 =	simm.s32 $execute0_lowered;
	[smem:$0x3FD2] =	sst s25  }
0xa6: {  	s5 =	sshll.u32 s26, $0x1;
	_ =	strace $0x80000046;
	[dreg:$0x1] =	wrdreg $0xFFFFFFFF  }
0xa7: {  	s28 =	simm.s32 $_size_execute0_lowered;
	s3 =	sadd.s32 s3, s5;
	[dreg:$0x0] =	wrdreg $0x0  }
0xa8: {  	s5 =	sshll.u32 s28, $0x1;
	[dreg:$0x2] =	wrdreg s3  }
0xa9: {  	[dreg:$0x3] =	wrdreg s5  }
0xaa: {  	[dreg:$0x4] =	wrdreg $0xC0  }
0xab: {  	_ =	task [dreg:s7], $0x5FFFF  }
0xac: {  	[dreg:$0x1] =	wrdreg $0xFFFFFFFF  }
0xad: {  	[dreg:$0x0] =	wrdreg $0x60  }
0xae: {  	[dreg:$0x2] =	wrdreg s2  }
0xaf: {  	[dreg:$0x3] =	wrdreg s24  }
0xb0: {  	[dreg:$0x4] =	wrdreg $0x9  }
0xb1: {  	_ =	task.clear_ibuf [dreg:s7], $0x5FFFF;
	_ =	strace $0x90000046  }
0xb2: {  	s29 =	simm.s32 $0x9;
	_ =	strace $0x80000048  }
0xb3: {  	_ =	swait.ge [sflag:s29], $0x1  }
0xb4: {  	[sflag:s29] =	ssyncadd.s32 $0xFFFFFFFF  }
0xb5: {  	_ =	strace $0x90000048  }
0xb6: {  	_ =	sfence  }
0xb7: {  	s30 =	sld [smem:$0x0];
	_ =	sdelay $0x2  }
0xb8: {  	s31 =	sshll.u32 s1, $0xD;
	s1 =	sshrl.u32 s1, $0x2  }
0xb9: {  	s3 =	sand.u32 $0x4000, s31;
	s1 =	sadd.s32 s1, s30  }
0xba: {  	s0 =	sor.u32 s3, s0;
	s1 =	sshll.u32 s1, $0x11  }
0xbb: {  	s0 =	sor.u32 s1, s0  }
0xbc: {  	s0 =	sadd.s32 $0x8F2B, s0  }
0xbd: {  	[sflag:s0] =	ssyncadd.remote.s32 $0x1  }
0xbe: {  	_ =	sfence.sel $0xFFFF  }
0xbf: {  	[dreg:$0x0] =	wrdreg $0xFFFFFFFF;
	(pc) =	sbr.abs _section_cstart, $3  }
0xc0: {  	[dreg:$0x1] =	wrdreg $0xFFFFFFFF  }
0xc1: {  	_ =	task.clear_ibuf [dreg:s7], $0x2FFFF;
	_ =	strace $0x9FFFFFFF  }
0xc2: {  	(tm) =	ssettm $0x7FFFFFFF  }
0xc3: {  	_ =	shalt  }
tec
execute0_lowered:
.L_overlay_start_1:
0x0: {  	(tag) =	ssettag $0x1  }
0x1: {  	s1 =	srdreg.scid;
	s2 =	rddreg [dreg:$0x0]  }
0x2: {  	s0 =	stileid.u32;
	s5 =	rddreg [dreg:$0x1];
	s6 =	simm.s32 $0x1  }
0x3: {  	s9 =	simm.s32 $0x1;
	s10 =	simm.s32 $0x3;
	s1 =	sshll.u32 s1, $0x8  }
0x4: {  	s13 =	simm.s32 $0x0;
	s3 =	sshll.u32 s0, $0x9;
	s4 =	sand.u32 $0x100, s1  }
0x5: {  	s12 =	simm.s32 $0x0;
	s1 =	rddreg [dreg:$0x2];
	s3 =	sor.u32 s3, s4  }
0x6: {  	_ =	strace $0x80000047;
	s4 =	sadd.s32 $0x1200, s5;
	s8 =	ssub.s32 $0x2400, s3  }
.Ltmp0:
0x7: {  	s5 =	sadd.s32 $0x1800, s5;
	s7 =	sand.u32 $0x1F00, s8;
	(pc) =	sbr.rel .LBB2_1-.Ltmp0, $4  }
0x8: {  	[sflag:s6] =	ssyncpa.u1 $0x0;
	s11 =	smov.u32 s3;
	p0 =	sne.s32 s7, $0x0  }
0x9: {  	s8 =	sshrl.u32 s8, $0xD;
	s7 =	simm.s32 $0x2;
	s9 =	simm.s32 @!p0 $0x0  }
0xa: {  	[sflag:s7] =	ssyncpa.u1 $0x0;
	p0 =	por $0x0, $0x0;
	s8 =	sadd.s32 s9, s8  }
0xb: {  	vm0 =	vmmov $0xffff;
	[sflag:s10] =	ssyncpa.u1 $0x0;
	s10 =	simm.s32 $0x0;
	s9 =	sadd.s32 $0x1, s8  }
.LBB2_4:
0xc: {  	v2 =	vnsel vm1, $0x0, v2  }
0xd: {  	vm1 =	vgt.s32 v0, $0x0;
	v2 =	vmin.u32 v2, $0x1FFF  }
0xe: {  	v0 =	vnsel vm1, $0x0, v0  }
0xf: {  	v0 =	vmin.u32 v0, $0x1FFF  }
0x10: {  	[tilespmem:s15], [sflag:$0x1] =	stream.indirect_vreg.gather [hbm4b:s2+s10], $0x1, v1, vm0, $0x4038;
	[tilespmem:$0x400] =	vst v63  }
0x11: {  	(ifvalue) =	ssetifvalue $0x7FFFFFFF  }
0x12: {  	[tilespmem:s16], [sflag:$0x1] =	stream.indirect_vreg.gather [hbm4b:s2+s10], $0x1, v2, vm0, $0x4038;
	[tilespmem:$0x400] =	vst v63  }
0x13: {  	s29 =	sadd.s32 $0x10, s16;
	(ifvalue) =	ssetifvalue $0x7FFFFFFF  }
0x14: {  	[tilespmem:s29], [sflag:$0x1] =	stream.indirect_vreg.gather [hbm4b:s2+s10], $0x1, v0, vm0, $0x4038;
	[tilespmem:$0x400] =	vst v63  }
0x15: {  	_ =	swait.ge [sflag:s6], $0x100  }
0x16: {  	s30 =	sshrl.u32 s13, $0x3;
	[sflag:s6] =	ssyncset.done $0x0  }
0x17: {  	s31 =	sand.u32 $0x7, s13;
	s15 =	sadd.s32 s5, s30;
	[sflag:s6] =	ssyncadd.s32 $0xFFFFFF00  }
0x18: {  	[hbm4b:s15+s31] =	stream.linear.scatter [tilespmem:s14], [sflag:$0x3], $0x100, $0x38;
	[tilespmem:$0x400] =	vst v63  }
.LBB2_5:
0x19: {  	s15 =	sadd.s32 $0x2000, s11  }
0x1a: {  	p2 =	sgt.s32 s15, $0x23FF  }
0x1b: {  	s15 =	smov.u32 @p2 s3;
	p2 =	sne.s32 s12, s9  }
.Ltmp1:
0x1c: {  	p1 =	slt.u32 s12, $0x2;
	(pc) =	sbr.rel @!p2 .LBB2_6-.Ltmp1, $4  }
0x1d: {  	s14 =	simm.s32 @!p1 $0x3  }
0x1e: {  	s16 =	sadd.s32 $0x1, s12;
	_ =	swait.ge @!p1 [sflag:s14], $0x100  }
0x1f: {  	s13 =	smov.u32 s11;
	p0 =	por !p0, !p0;
	[sflag:s14] =	ssyncset.done @!p1 $0x0  }
0x20: {  	s12 =	smov.u32 s16;
	s11 =	smov.u32 s15;
	[sflag:s14] =	ssyncadd.s32 @!p1 $0xFFFFFF00  }
.LBB2_1:
0x21: {  	p1 =	sge.u32 s12, s8  }
0x22: {  	s14 =	sxor.u32 @!p1 $0xFFFFFFFF, s12  }
0x23: {  	s31 =	sadd.s32 $0xFFFFFFFF, s12;
	s15 =	sshrl.u32 @!p1 s11, $0x3;
	s14 =	sshll.u32 @!p1 s14, $0x8  }
0x24: {  	s16 =	sand.u32 @!p1 $0x7, s11;
	s15 =	sadd.s32 @!p1 s4, s15;
	s14 =	sand.u32 @!p1 $0x100, s14  }
0x25: {  	[tilespmem:s14], [sflag:$0x2] =	stream.linear.gather @!p1 [hbm4b:s15+s16], $0x100, $0x38;
	[tilespmem:$0x400] =	vst v63  }
0x26: {  	p1 =	sge.u32 s31, s8  }
.Ltmp2:
0x27: {  	_ = 	snop;
	(pc) =	sbr.rel @p1 .LBB2_5-.Ltmp2, $1  }
0x28: {  	_ =	sdelay $0x3  }
0x29: {  	s14 =	simm.s32 $0x1  }
0x2a: {  	_ =	swait.ge [sflag:s7], $0x100;
	s14 =	simm.s32 @!p0 $0x0  }
0x2b: {  	[sflag:s7] =	ssyncset.done $0x0;
	s14 =	sshll.u32 s14, $0x8  }
0x2c: {  	[sflag:s7] =	ssyncadd.s32 $0xFFFFFF00;
	(ifvalue) =	ssetifvalue $0x7FFFFFFF;
	v0 =	vld.msk [tilespmem:s14+$0x0 ss:$0x1], $0xffff;
	_ =	sdelay $0x4  }
0x2d: {  	s15 =	sadd.s32 $0x10, s14;
	vm1 =	vgt.s32 v0, $0x0  }
0x2e: {  	v2 =	vld.msk [tilespmem:s15+$0x0 ss:$0x1], $0xffff;
	v1 =	vnsel vm1, $0x0, v0  }
0x2f: {  	v1 =	vmin.u32 v1, $0x1FFF;
	_ =	sdelay $0x1  }
0x30: {  	s16 =	sshll.u32 s12, $0x8;
	s18 =	simm.s32 $0x20  }
0x31: {  	s16 =	sand.u32 $0x100, s16;
	s17 =	sadd.s32 $0x10, s15;
	s15 =	sor.u32 $0x200, s14  }
0x32: {  	s14 =	sor.u32 $0x200, s16;
	s16 =	sadd.s32 $0x10, s15;
	v0 =	vld.msk [tilespmem:s17+$0x0 ss:$0x1], $0xffff;
	vm1 =	vgt.s32 v2, $0x0;
	(ifvalue) =	ssetifvalue $0x7FFFFFFF  }
.LBB2_3:
0x33: {  	[tilespmem:s15], [sflag:$0x1] =	stream.indirect_vreg.gather [hbm4b:s2+s10], $0x1, v1, vm0, $0x4038;
	[tilespmem:$0x400] =	vst v63  }
0x34: {  	s18 =	sadd.s32 $0x10, s18  }
0x35: {  	v2 =	vnsel vm1, $0x0, v2;
	p1 =	slt.u32 s18, $0xF0  }
.Ltmp3:
0x36: {  	s15 =	smov.u32 s16;
	v1 =	vmin.u32 v2, $0x1FFF;
	(pc) =	sbr.rel @p1 .LBB2_3-.Ltmp3, $3  }
0x37: {  	_ =	sdelay $0x1  }
0x38: {  	s17 =	sadd.s32 $0x10, s17  }
0x39: {  	vm1 =	vgt.s32 v0, $0x0;
	s16 =	sadd.s32 $0x10, s16;
	v2 =	vmov v0;
	(ifvalue) =	ssetifvalue $0x7FFFFFFF;
	v0 =	vld.msk [tilespmem:s17+$0x0 ss:$0x1], $0xffff  }
.Ltmp4:
0x3a: {  	_ = 	snop;
	(pc) =	sbr.rel .LBB2_4-.Ltmp4, $1  }
0x3b: {  	_ =	sdelay $0x3  }
.LBB2_6:
0x3c: {  	_ =	sfence.sel $0x180000  }
0x3d: {  	s2 =	simm.s32 $0x2;
	[bflag:$0x0] =	sbarrier.arrive $0xFFFF  }
0x3e: {  	s30 =	simm.s32 $0x3;
	[sflag:s2] =	ssyncpa.u1 $0x1  }
0x3f: {  	s31 =	simm.s32 $0x1;
	[sflag:s30] =	ssyncpa.u1 $0x1  }
0x40: {  	[sflag:s31] =	ssyncpa.u1 $0x1  }
0x41: {  	p0 =	sne.s32 s0, $0x0;
	_ =	strace $0x90000047  }
0x42: {  	s0 =	sadd.s32 @!p0 $0x100000, s1;
	[bflag:$0x2] =	sbarrier.arrive $0xFFFF  }
0x43: {  	[sflag:s0] =	ssyncadd.tile.s32 @!p0 $0x1;
	_ =	shalt  }
.Lfunc_end2:
_tile_overlayer_lowered:
.L_overlay_start_2:
0x44: {  	(tag) =	ssettag $0x2  }
0x45: {  	s0 =	rddreg [dreg:$0x0];
	s2 =	stileid.u32  }
0x46: {  	s1 =	rddreg [dreg:$0x1];
	p0 =	sne.s32 s2, $0x0  }
0x47: {  	s3 =	rddreg [dreg:$0x2];
	[bflag:$0x3] =	sbarrier.arrive $0xFFFF;
	s2 =	simm.s32 @!p0 $0x1C01  }
0x48: {  	[timem:s3], [sflag:s2] =	dma.local @!p0 [hbm:s0], s1  }
0x49: {  	s0 =	simm.s32 @!p0 $0x1  }
0x4a: {  	_ =	swait.ge @!p0 [sflag:s0], s1  }
0x4b: {  	s1 =	ssub.s32 @!p0 $0x0, s1;
	[sflag:s0] =	ssyncset.done @!p0 $0x0  }
0x4c: {  	[sflag:s0] =	ssyncadd.s32 @!p0 s1  }
0x4d: {  	[bflag:$0x3] =	sbarrier.arrive $0xFFFF  }
0x4e: {  	_ =	shalt  }

// kernel: gather_offload_async_start
scs
__scs_entry_jumppad:
0x0: {  	(pc) =	sbr.rel $0x88, $3  }
0x1: {  	(tag) =	ssettag $0x0;
	lr =	simm.s32 $0x1  }
0x2: {  	[smem:$0x3F9C] =	sst lr;
	_ =	strace $0xD0000000  }
0x3: {  	_ = 	snop  }
0x4: {  	_ = 	snop  }
0x5: {  	_ = 	snop  }
0x6: {  	_ = 	snop  }
0x7: {  	_ = 	snop  }
__scs_overlays_trampoline_lowered:
0x8: {  	[smem:$0x3FAB] =	sst s0  }
0x9: {  	[smem:$0x3FAC] =	sst s1  }
0xa: {  	[smem:$0x3FAD] =	sst s2  }
0xb: {  	[smem:$0x3FAE] =	sst s3  }
0xc: {  	[smem:$0x3FAF] =	sst s4  }
0xd: {  	[smem:$0x3FB0] =	sst s5  }
0xe: {  	[smem:$0x3FB1] =	sst s6  }
0xf: {  	[smem:$0x3FB2] =	sst s7  }
0x10: {  	[smem:$0x3FB3] =	sst s8  }
0x11: {  	[smem:$0x3FB4] =	sst s9;
	s0 =	simm.s32 @!p0 $0x0  }
0x12: {  	s1 =	sld [smem:$0x3F9A];
	s0 =	simm.s32 @p0 $0x1  }
0x13: {  	[smem:$0x3FB5] =	sst s0;
	s0 =	simm.s32 @!p1 $0x0  }
0x14: {  	s2 =	sld [smem:$0x3F99];
	s0 =	simm.s32 @p1 $0x1  }
0x15: {  	[smem:$0x3FB6] =	sst s0;
	s0 =	simm.s32 @!p2 $0x0  }
0x16: {  	s3 =	sld [smem:$0x3FDB];
	s0 =	simm.s32 @p2 $0x1  }
0x17: {  	s4 =	simm.s32 $0x1BF5;
	[smem:$0x3FB8] =	sst s0  }
0x18: {  	s0 =	sld [smem:$0x3F9B];
	_ =	swait.ge [sflag:s4], $0x0  }
0x19: {  	s7 =	sld [smem:$0x3F9C]  }
0x1a: {  	s8 =	sadd.s32 $0xFFFFE003, lr  }
0x1b: {  	s9 =	sadd.s32 $0xFFFFFEF7, lr;
	s5 =	simm.s32 $0xFFFFFFFF;
	p2 =	slt.u32 s8, $0xFFFFF086  }
0x1c: {  	p1 =	slt.u32 s9, $0xF7A;
	s5 =	simm.s32 @!p2 $0x0  }
0x1d: {  	s5 =	simm.s32 @p1 $0x1;
	p0 =	seq.s32 s7, s2  }
0x1e: {  	s7 =	smul.u32 @!p0 $0xF7A, s2;
	p2 =	seq.s32 @!p0 s5, $0x0  }
0x1f: {  	s9 =	smul.u32 $0xF7A, s1;
	s8 =	simm.s32 @!p0 $0x1BF5;
	p2 =	por !p2, p0  }
0x20: {  	[sflag:s8] =	ssyncset.s32 @!p0 $0xFFFFF086;
	s6 =	sadd.s32 @!p0 s3, s7;
	s7 =	simm.s32 @!p0 $0x108  }
0x21: {  	s3 =	sadd.s32 s3, s9;
	s6 =	sadd.s32 @!p0 $0x88, s6;
	s7 =	simm.s32 @p2 $0x1082  }
0x22: {  	[simem:s7], [sflag:s8] =	dma.local @!p0 [hbm:s6], $0xF7A  }
0x23: {  	s9 =	sor.u32 $0xD0000000, s2;
	s6 =	simm.s32 $0x108;
	_ =	swait.ge @!p0 [sflag:s8], $0x0  }
0x24: {  	s3 =	sadd.s32 $0x88, s3;
	s6 =	simm.s32 @!p1 $0x1082;
	[sflag:s4] =	ssyncset.s32 $0xFFFFF086  }
0x25: {  	[simem:s6], [sflag:s4] =	dma.local [hbm:s3], $0xF7A  }
0x26: {  	[smem:$0x3F9C] =	sst s1;
	(tag) =	ssettag s2;
	_ =	strace s9  }
0x27: {  	s1 =	sld [smem:$0x3FAC]  }
0x28: {  	s2 =	sld [smem:$0x3FAD]  }
0x29: {  	s4 =	sld [smem:$0x3FAF]  }
0x2a: {  	p0 =	seq.s32 s5, $0x0;
	s5 =	sld [smem:$0x3FB0]  }
0x2b: {  	s6 =	sld [smem:$0x3FB1]  }
0x2c: {  	s7 =	sld [smem:$0x3FB2]  }
0x2d: {  	s3 =	simm.s32 $0x108;
	s8 =	sld [smem:$0x3FB3]  }
0x2e: {  	s3 =	simm.s32 @!p0 $0x1082;
	s9 =	sld [smem:$0x3FB4]  }
0x2f: {  	lr =	sadd.s32 s0, s3;
	s0 =	sld [smem:$0x3FAB]  }
0x30: {  	s3 =	sld [smem:$0x3FAE]  }
0x31: {  	[smem:$0x3FB7] =	sst s10  }
0x32: {  	s10 =	sld [smem:$0x3FB5];
	_ =	sdelay $0x3  }
0x33: {  	p0 =	seq.s32 s10, $0x1;
	s10 =	sld [smem:$0x3FB7];
	_ =	sdelay $0x3  }
0x34: {  	[smem:$0x3FB7] =	sst s10  }
0x35: {  	s10 =	sld [smem:$0x3FB6];
	_ =	sdelay $0x3  }
0x36: {  	p1 =	seq.s32 s10, $0x1;
	s10 =	sld [smem:$0x3FB7];
	_ =	sdelay $0x3  }
0x37: {  	[smem:$0x3FB7] =	sst s10  }
0x38: {  	s10 =	sld [smem:$0x3FB8]  }
0x39: {  	_ = 	snop;
	(pc) =	sbr.ind lr, $3  }
0x3a: {  	_ = 	snop  }
0x3b: {  	_ = 	snop  }
0x3c: {  	p2 =	seq.s32 s10, $0x1;
	s10 =	sld [smem:$0x3FB7]  }
0x3d: {  	_ =	shalt  }
0x3e: {  	_ =	shalt  }
0x3f: {  	_ =	shalt  }
0x40: {  	_ =	shalt  }
0x41: {  	_ =	shalt  }
0x42: {  	_ =	shalt  }
0x43: {  	_ =	shalt  }
0x44: {  	_ =	shalt  }
0x45: {  	_ =	shalt  }
0x46: {  	_ =	shalt  }
0x47: {  	_ =	shalt  }
0x48: {  	_ =	shalt  }
0x49: {  	_ =	shalt  }
0x4a: {  	_ =	shalt  }
0x4b: {  	_ =	shalt  }
0x4c: {  	_ =	shalt  }
0x4d: {  	_ =	shalt  }
0x4e: {  	_ =	shalt  }
0x4f: {  	_ =	shalt  }
0x50: {  	_ =	shalt  }
0x51: {  	_ =	shalt  }
0x52: {  	_ =	shalt  }
0x53: {  	_ =	shalt  }
0x54: {  	_ =	shalt  }
0x55: {  	_ =	shalt  }
0x56: {  	_ =	shalt  }
0x57: {  	_ =	shalt  }
0x58: {  	_ =	shalt  }
0x59: {  	_ =	shalt  }
0x5a: {  	_ =	shalt  }
0x5b: {  	_ =	shalt  }
0x5c: {  	_ =	shalt  }
0x5d: {  	_ =	shalt  }
0x5e: {  	_ =	shalt  }
0x5f: {  	_ =	shalt  }
0x60: {  	_ =	shalt  }
0x61: {  	_ =	shalt  }
0x62: {  	_ =	shalt  }
0x63: {  	_ =	shalt  }
0x64: {  	_ =	shalt  }
0x65: {  	_ =	shalt  }
0x66: {  	_ =	shalt  }
0x67: {  	_ =	shalt  }
0x68: {  	_ =	shalt  }
0x69: {  	_ =	shalt  }
0x6a: {  	_ =	shalt  }
0x6b: {  	_ =	shalt  }
0x6c: {  	_ =	shalt  }
0x6d: {  	_ =	shalt  }
0x6e: {  	_ =	shalt  }
0x6f: {  	_ =	shalt  }
0x70: {  	_ =	shalt  }
0x71: {  	_ =	shalt  }
0x72: {  	_ =	shalt  }
0x73: {  	_ =	shalt  }
0x74: {  	_ =	shalt  }
0x75: {  	_ =	shalt  }
0x76: {  	_ =	shalt  }
0x77: {  	_ =	shalt  }
0x78: {  	_ =	shalt  }
0x79: {  	_ =	shalt  }
0x7a: {  	_ =	shalt  }
0x7b: {  	_ =	shalt  }
0x7c: {  	_ =	shalt  }
0x7d: {  	_ =	shalt  }
0x7e: {  	_ =	shalt  }
0x7f: {  	_ =	shalt  }
0x80: {  	_ =	shalt  }
0x81: {  	_ =	shalt  }
0x82: {  	_ =	shalt  }
0x83: {  	_ =	shalt  }
0x84: {  	_ =	shalt  }
0x85: {  	_ =	shalt  }
0x86: {  	_ =	shalt  }
0x87: {  	_ =	shalt  }
.Lfunc_end0:
.L_simem_size_0:
called_computation_lowered:
.L_overlay_start_0:
0x88: {  	s2 =	sld [smem:$0x3FD9]  }
0x89: {  	s3 =	sld [smem:$0x3FFE];
	_ =	sdelay $0x1  }
0x8a: {  	s1 =	srdreg.scid  }
0x8b: {  	s0 =	sand.u32 $0x1, s1  }
0x8c: {  	s15 =	sshll.u32 s0, $0xA;
	s2 =	sadd.s32 s3, s2  }
0x8d: {  	s2 =	sadd.s32 s2, s15  }
0x8e: {  	[smem:$0x3FC3] =	sst s2  }
0x8f: {  	_ = 	snop  }
0x90: {  	s2 =	sld [smem:$0x3FD0];
	_ =	sdelay $0x2  }
0x91: {  	s16 =	simm.s32 $0xE;
	s4 =	simm.s32 $0x10  }
0x92: {  	[smem:s4], [sflag:s16] =	dma.local [hbm:s2], $0x1  }
0x93: {  	_ =	swait.eq [sflag:s16], $0x1  }
0x94: {  	[sflag:s16] =	ssyncset.done $0x0  }
0x95: {  	[sflag:s16] =	ssyncadd.s32 $0xFFFFFFFF  }
0x96: {  	s17 =	sld [smem:$0x10];
	(tm) =	ssettm $0x1  }
0x97: {  	s18 =	sld [smem:$0x3FFB];
	_ =	sdelay $0x3  }
0x98: {  	_ =	strace s18  }
0x99: {  	s2 =	sld [smem:$0x3FFC];
	_ =	sdelay $0x3  }
0x9a: {  	_ =	strace s2  }
0x9b: {  	s2 =	sld [smem:$0x3FFD];
	_ =	sdelay $0x3  }
0x9c: {  	_ =	strace s2  }
0x9d: {  	_ =	strace $0x8FFFFFFF  }
0x9e: {  	s19 =	sld [smem:$0x3FDB];
	_ =	sdelay $0x1  }
0x9f: {  	s20 =	simm.s32 $_scs_section_size  }
0xa0: {  	s5 =	simm.s32 $_size__tile_overlayer_lowered;
	s6 =	simm.s32 $_tile_overlayer_lowered  }
0xa1: {  	s7 =	simm.s32 $0x1BFF;
	s21 =	sshll.u32 s6, $0x1;
	s4 =	sadd.s32 s20, s19  }
0xa2: {  	s22 =	simm.s32 $0x0;
	s5 =	sshll.u32 s5, $0x1;
	s6 =	sadd.s32 s21, s4  }
0xa3: {  	[timem:s22], [sflag:s7] =	dma.local [hbm:s6], s5  }
0xa4: {  	_ =	swait.ge [sflag:s7], s5  }
0xa5: {  	s5 =	ssub.s32 $0x0, s5;
	[sflag:s7] =	ssyncset.done $0x0  }
0xa6: {  	[sflag:s7] =	ssyncadd.s32 s5;
	_ =	sdelay $0x1  }
0xa7: {  	s23 =	simm.s32 $0x1B8B  }
0xa8: {  	_ =	swait.ge [sflag:s23], $0x1  }
0xa9: {  	[sflag:s23] =	ssyncset.done $0x0  }
0xaa: {  	[sflag:s23] =	ssyncadd.s32 $0xFFFFFFFF  }
0xab: {  	s5 =	sld [smem:$0x0]  }
0xac: {  	s6 =	sand.u32 $0xFFFFFFFE, s1  }
0xad: {  	p0 =	sne.s32 s1, s6  }
0xae: {  	s6 =	sshll.u32 @p0 s6, $0xE  }
0xaf: {  	s6 =	sadd.s32 @p0 $0x11B8D, s6;
	s7 =	sshll.u32 @p0 s5, $0x11  }
0xb0: {  	s6 =	sor.u32 @p0 s7, s6  }
0xb1: {  	[sflag:s6] =	ssyncadd.remote.s32 @p0 $0x1;
	_ =	sdelay $0x1  }
0xb2: {  	s6 =	simm.s32 @p0 $0x1B8D  }
0xb3: {  	_ =	swait.eq @p0 [sflag:s6], $0x1  }
0xb4: {  	[sflag:s6] =	ssyncadd.s32 @p0 $0xFFFFFFFF  }
0xb5: {  	s7 =	sshll.u32 @!p0 s1, $0xE  }
0xb6: {  	s7 =	sor.u32 @!p0 $0x4000, s7;
	s6 =	simm.s32 @!p0 $0x1B8D  }
0xb7: {  	s5 =	sshll.u32 @!p0 s5, $0x11;
	s7 =	sadd.s32 @!p0 $0x11B8D, s7;
	_ =	swait.eq @!p0 [sflag:s6], $0x1  }
0xb8: {  	s5 =	sor.u32 @!p0 s5, s7;
	[sflag:s6] =	ssyncadd.s32 @!p0 $0xFFFFFFFF  }
0xb9: {  	s25 =	simm.s32 $0x1B8E;
	s24 =	sld [smem:$0x3FFE];
	[sflag:s5] =	ssyncadd.remote.s32 @!p0 $0x1  }
0xba: {  	s26 =	simm.s32 $execute0_lowered;
	[smem:$0x3FD2] =	sst s25  }
0xbb: {  	s6 =	sshll.u32 s26, $0x1;
	_ =	strace $0x80000058;
	[dreg:$0x1] =	wrdreg $0xFFFFFFFF  }
0xbc: {  	s28 =	simm.s32 $_size_execute0_lowered;
	s4 =	sadd.s32 s4, s6;
	[dreg:$0x0] =	wrdreg $0x0  }
0xbd: {  	s6 =	sshll.u32 s28, $0x1;
	[dreg:$0x2] =	wrdreg s4  }
0xbe: {  	[dreg:$0x3] =	wrdreg s6  }
0xbf: {  	[dreg:$0x4] =	wrdreg $0xC0  }
0xc0: {  	_ =	task [dreg:s22], $0x5FFFF  }
0xc1: {  	[dreg:$0x1] =	wrdreg $0xFFFFFFFF  }
0xc2: {  	[dreg:$0x0] =	wrdreg $0x60  }
0xc3: {  	[dreg:$0x2] =	wrdreg s24  }
0xc4: {  	[dreg:$0x3] =	wrdreg s17  }
0xc5: {  	[dreg:$0x4] =	wrdreg $0x9  }
0xc6: {  	_ =	task.clear_ibuf [dreg:s22], $0x5FFFF;
	_ =	strace $0x90000058  }
0xc7: {  	s29 =	simm.s32 $0x9;
	_ =	strace $0x8000005A  }
0xc8: {  	_ =	swait.ge [sflag:s29], $0x1  }
0xc9: {  	[sflag:s29] =	ssyncadd.s32 $0xFFFFFFFF  }
0xca: {  	_ =	strace $0x9000005A  }
0xcb: {  	_ =	sfence  }
0xcc: {  	s30 =	sld [smem:$0x0];
	_ =	sdelay $0x2  }
0xcd: {  	s31 =	sshll.u32 s1, $0xD;
	s1 =	sshrl.u32 s1, $0x2  }
0xce: {  	s4 =	sand.u32 $0x4000, s31;
	s1 =	sadd.s32 s1, s30  }
0xcf: {  	s0 =	sor.u32 s4, s0;
	s1 =	sshll.u32 s1, $0x11  }
0xd0: {  	s0 =	sor.u32 s1, s0  }
0xd1: {  	s0 =	sadd.s32 $0x8F2B, s0  }
0xd2: {  	[sflag:s0] =	ssyncadd.remote.s32 $0x1  }
0xd3: {  	_ =	sfence.sel $0xFFFF  }
0xd4: {  	[dreg:$0x0] =	wrdreg $0xFFFFFFFF;
	(pc) =	sbr.abs _section_cstart, $3  }
0xd5: {  	[dreg:$0x1] =	wrdreg $0xFFFFFFFF  }
0xd6: {  	_ =	task.clear_ibuf [dreg:s22], $0x2FFFF;
	_ =	strace $0x9FFFFFFF  }
0xd7: {  	(tm) =	ssettm $0x7FFFFFFF  }
tec
execute0_lowered:
.L_overlay_start_1:
0x0: {  	(tag) =	ssettag $0x1  }
0x1: {  	s1 =	srdreg.scid;
	s5 =	rddreg [dreg:$0x0]  }
0x2: {  	s0 =	stileid.u32;
	s2 =	rddreg [dreg:$0x1];
	s6 =	simm.s32 $0x1  }
0x3: {  	s9 =	simm.s32 $0x1;
	s10 =	simm.s32 $0x3;
	s1 =	sshll.u32 s1, $0x7  }
0x4: {  	s13 =	simm.s32 $0x0;
	s3 =	sshll.u32 s0, $0x8;
	s4 =	sand.u32 $0x80, s1  }
0x5: {  	s12 =	simm.s32 $0x0;
	s1 =	rddreg [dreg:$0x2];
	s3 =	sor.u32 s3, s4  }
0x6: {  	_ =	strace $0x80000059;
	s4 =	sadd.s32 $0x1200, s5;
	s8 =	ssub.s32 $0x2000, s3  }
.Ltmp0:
0x7: {  	s5 =	sadd.s32 $0x241E00, s5;
	s7 =	sand.u32 $0xF80, s8;
	(pc) =	sbr.rel .LBB2_1-.Ltmp0, $4  }
0x8: {  	[sflag:s6] =	ssyncpa.u1 $0x0;
	s11 =	smov.u32 s3;
	p0 =	sne.s32 s7, $0x0  }
0x9: {  	s8 =	sshrl.u32 s8, $0xC;
	s7 =	simm.s32 $0x2;
	s9 =	simm.s32 @!p0 $0x0  }
0xa: {  	[sflag:s7] =	ssyncpa.u1 $0x0;
	p0 =	por $0x0, $0x0;
	s8 =	sadd.s32 s9, s8  }
0xb: {  	vm0 =	vmmov $0xffff;
	[sflag:s10] =	ssyncpa.u1 $0x0;
	s10 =	simm.s32 $0x0;
	s9 =	sadd.s32 $0x1, s8  }
.LBB2_4:
0xc: {  	v2 =	vnsel vm1, $0x0, v2  }
0xd: {  	vm1 =	vgt.s32 v0, $0x0;
	v2 =	vmin.u32 v2, $0x23FF  }
0xe: {  	v0 =	vnsel vm1, $0x0, v0  }
0xf: {  	v0 =	vmin.u32 v0, $0x23FF  }
0x10: {  	[tilespmem:s15], [sflag:$0x1] =	stream.indirect_vreg.gather [hbm4b:s4+s10], $0x1, v1, vm0, $0x4038;
	[tilespmem:$0x200] =	vst v63  }
0x11: {  	(ifvalue) =	ssetifvalue $0x7FFFFFFF  }
0x12: {  	[tilespmem:s16], [sflag:$0x1] =	stream.indirect_vreg.gather [hbm4b:s4+s10], $0x1, v2, vm0, $0x4038;
	[tilespmem:$0x200] =	vst v63  }
0x13: {  	s29 =	sadd.s32 $0x10, s16;
	(ifvalue) =	ssetifvalue $0x7FFFFFFF  }
0x14: {  	[tilespmem:s29], [sflag:$0x1] =	stream.indirect_vreg.gather [hbm4b:s4+s10], $0x1, v0, vm0, $0x4038;
	[tilespmem:$0x200] =	vst v63  }
0x15: {  	_ =	swait.ge [sflag:s6], $0x80  }
0x16: {  	s30 =	sshrl.u32 s13, $0x3;
	[sflag:s6] =	ssyncset.done $0x0  }
0x17: {  	s31 =	sand.u32 $0x7, s13;
	s15 =	sadd.s32 s2, s30;
	[sflag:s6] =	ssyncadd.s32 $0xFFFFFF80  }
0x18: {  	[hbm4b:s15+s31] =	stream.linear.scatter [tilespmem:s14], [sflag:$0x3], $0x80, $0x38;
	[tilespmem:$0x200] =	vst v63  }
.LBB2_5:
0x19: {  	s15 =	sadd.s32 $0x1000, s11  }
0x1a: {  	p2 =	sgt.s32 s15, $0x1FFF  }
0x1b: {  	s15 =	smov.u32 @p2 s3;
	p2 =	sne.s32 s12, s9  }
.Ltmp1:
0x1c: {  	p1 =	slt.u32 s12, $0x2;
	(pc) =	sbr.rel @!p2 .LBB2_6-.Ltmp1, $4  }
0x1d: {  	s14 =	simm.s32 @!p1 $0x3  }
0x1e: {  	s16 =	sadd.s32 $0x1, s12;
	_ =	swait.ge @!p1 [sflag:s14], $0x80  }
0x1f: {  	s13 =	smov.u32 s11;
	p0 =	por !p0, !p0;
	[sflag:s14] =	ssyncset.done @!p1 $0x0  }
0x20: {  	s12 =	smov.u32 s16;
	s11 =	smov.u32 s15;
	[sflag:s14] =	ssyncadd.s32 @!p1 $0xFFFFFF80  }
.LBB2_1:
0x21: {  	p1 =	sge.u32 s12, s8  }
0x22: {  	s14 =	sxor.u32 @!p1 $0xFFFFFFFF, s12  }
0x23: {  	s31 =	sadd.s32 $0xFFFFFFFF, s12;
	s15 =	sshrl.u32 @!p1 s11, $0x3;
	s14 =	sshll.u32 @!p1 s14, $0x7  }
0x24: {  	s16 =	sand.u32 @!p1 $0x7, s11;
	s15 =	sadd.s32 @!p1 s5, s15;
	s14 =	sand.u32 @!p1 $0x80, s14  }
0x25: {  	[tilespmem:s14], [sflag:$0x2] =	stream.linear.gather @!p1 [hbm4b:s15+s16], $0x80, $0x38;
	[tilespmem:$0x200] =	vst v63  }
0x26: {  	p1 =	sge.u32 s31, s8  }
.Ltmp2:
0x27: {  	_ = 	snop;
	(pc) =	sbr.rel @p1 .LBB2_5-.Ltmp2, $1  }
0x28: {  	_ =	sdelay $0x3  }
0x29: {  	s14 =	simm.s32 $0x1  }
0x2a: {  	_ =	swait.ge [sflag:s7], $0x80;
	s14 =	simm.s32 @!p0 $0x0  }
0x2b: {  	[sflag:s7] =	ssyncset.done $0x0;
	s14 =	sshll.u32 s14, $0x7  }
0x2c: {  	[sflag:s7] =	ssyncadd.s32 $0xFFFFFF80;
	(ifvalue) =	ssetifvalue $0x7FFFFFFF;
	v0 =	vld.msk [tilespmem:s14+$0x0 ss:$0x1], $0xffff;
	_ =	sdelay $0x4  }
0x2d: {  	s15 =	sadd.s32 $0x10, s14;
	vm1 =	vgt.s32 v0, $0x0  }
0x2e: {  	v2 =	vld.msk [tilespmem:s15+$0x0 ss:$0x1], $0xffff;
	v1 =	vnsel vm1, $0x0, v0  }
0x2f: {  	v1 =	vmin.u32 v1, $0x23FF;
	_ =	sdelay $0x1  }
0x30: {  	s16 =	sshll.u32 s12, $0x7;
	s18 =	simm.s32 $0x20  }
0x31: {  	s16 =	sand.u32 $0x80, s16;
	s17 =	sadd.s32 $0x10, s15;
	s15 =	sor.u32 $0x100, s14  }
0x32: {  	s14 =	sor.u32 $0x100, s16;
	s16 =	sadd.s32 $0x10, s15;
	v0 =	vld.msk [tilespmem:s17+$0x0 ss:$0x1], $0xffff;
	vm1 =	vgt.s32 v2, $0x0;
	(ifvalue) =	ssetifvalue $0x7FFFFFFF  }
.LBB2_3:
0x33: {  	[tilespmem:s15], [sflag:$0x1] =	stream.indirect_vreg.gather [hbm4b:s4+s10], $0x1, v1, vm0, $0x4038;
	[tilespmem:$0x200] =	vst v63  }
0x34: {  	s18 =	sadd.s32 $0x10, s18  }
0x35: {  	v2 =	vnsel vm1, $0x0, v2;
	p1 =	slt.u32 s18, $0x70  }
.Ltmp3:
0x36: {  	s15 =	smov.u32 s16;
	v1 =	vmin.u32 v2, $0x23FF;
	(pc) =	sbr.rel @p1 .LBB2_3-.Ltmp3, $3  }
0x37: {  	_ =	sdelay $0x1  }
0x38: {  	s17 =	sadd.s32 $0x10, s17  }
0x39: {  	vm1 =	vgt.s32 v0, $0x0;
	s16 =	sadd.s32 $0x10, s16;
	v2 =	vmov v0;
	(ifvalue) =	ssetifvalue $0x7FFFFFFF;
	v0 =	vld.msk [tilespmem:s17+$0x0 ss:$0x1], $0xffff  }
.Ltmp4:
0x3a: {  	_ = 	snop;
	(pc) =	sbr.rel .LBB2_4-.Ltmp4, $1  }
0x3b: {  	_ =	sdelay $0x3  }
.LBB2_6:
0x3c: {  	_ =	sfence.sel $0x180000  }
0x3d: {  	s2 =	simm.s32 $0x2;
	[bflag:$0x0] =	sbarrier.arrive $0xFFFF  }
0x3e: {  	s30 =	simm.s32 $0x3;
	[sflag:s2] =	ssyncpa.u1 $0x1  }
0x3f: {  	s31 =	simm.s32 $0x1;
	[sflag:s30] =	ssyncpa.u1 $0x1  }
0x40: {  	[sflag:s31] =	ssyncpa.u1 $0x1  }
0x41: {  	p0 =	sne.s32 s0, $0x0;
	_ =	strace $0x90000059  }
0x42: {  	s0 =	sadd.s32 @!p0 $0x100000, s1;
	[bflag:$0x2] =	sbarrier.arrive $0xFFFF  }
0x43: {  	[sflag:s0] =	ssyncadd.tile.s32 @!p0 $0x1;
	_ =	shalt  }
.Lfunc_end2:
_tile_overlayer_lowered:
.L_overlay_start_2:
0x44: {  	(tag) =	ssettag $0x2  }
0x45: {  	s0 =	rddreg [dreg:$0x0];
	s2 =	stileid.u32  }
0x46: {  	s1 =	rddreg [dreg:$0x1];
	p0 =	sne.s32 s2, $0x0  }
0x47: {  	s3 =	rddreg [dreg:$0x2];
	[bflag:$0x3] =	sbarrier.arrive $0xFFFF;
	s2 =	simm.s32 @!p0 $0x1C01  }
0x48: {  	[timem:s3], [sflag:s2] =	dma.local @!p0 [hbm:s0], s1  }
0x49: {  	s0 =	simm.s32 @!p0 $0x1  }
0x4a: {  	_ =	swait.ge @!p0 [sflag:s0], s1  }
0x4b: {  	s1 =	ssub.s32 @!p0 $0x0, s1;
	[sflag:s0] =	ssyncset.done @!p0 $0x0  }
0x4c: {  	[sflag:s0] =	ssyncadd.s32 @!p0 s1  }
0x4d: {  	[bflag:$0x3] =	sbarrier.arrive $0xFFFF  }
0x4e: {  	_ =	shalt  }

// kernel: kernel.10.cloned.1.call-start
scs
__scs_entry_jumppad:
0x0: {  	(pc) =	sbr.rel $0x88, $3  }
0x1: {  	(tag) =	ssettag $0x0;
	lr =	simm.s32 $0x1  }
0x2: {  	[smem:$0x3F9C] =	sst lr;
	_ =	strace $0xD0000000  }
0x3: {  	_ = 	snop  }
0x4: {  	_ = 	snop  }
0x5: {  	_ = 	snop  }
0x6: {  	_ = 	snop  }
0x7: {  	_ = 	snop  }
__scs_overlays_trampoline_lowered:
0x8: {  	[smem:$0x3FAB] =	sst s0  }
0x9: {  	[smem:$0x3FAC] =	sst s1  }
0xa: {  	[smem:$0x3FAD] =	sst s2  }
0xb: {  	[smem:$0x3FAE] =	sst s3  }
0xc: {  	[smem:$0x3FAF] =	sst s4  }
0xd: {  	[smem:$0x3FB0] =	sst s5  }
0xe: {  	[smem:$0x3FB1] =	sst s6  }
0xf: {  	[smem:$0x3FB2] =	sst s7  }
0x10: {  	[smem:$0x3FB3] =	sst s8  }
0x11: {  	[smem:$0x3FB4] =	sst s9;
	s0 =	simm.s32 @!p0 $0x0  }
0x12: {  	s1 =	sld [smem:$0x3F9A];
	s0 =	simm.s32 @p0 $0x1  }
0x13: {  	[smem:$0x3FB5] =	sst s0;
	s0 =	simm.s32 @!p1 $0x0  }
0x14: {  	s2 =	sld [smem:$0x3F99];
	s0 =	simm.s32 @p1 $0x1  }
0x15: {  	[smem:$0x3FB6] =	sst s0;
	s0 =	simm.s32 @!p2 $0x0  }
0x16: {  	s3 =	sld [smem:$0x3FDB];
	s0 =	simm.s32 @p2 $0x1  }
0x17: {  	s4 =	simm.s32 $0x1BF5;
	[smem:$0x3FB8] =	sst s0  }
0x18: {  	s0 =	sld [smem:$0x3F9B];
	_ =	swait.ge [sflag:s4], $0x0  }
0x19: {  	s7 =	sld [smem:$0x3F9C]  }
0x1a: {  	s8 =	sadd.s32 $0xFFFFE003, lr  }
0x1b: {  	s9 =	sadd.s32 $0xFFFFFEF7, lr;
	s5 =	simm.s32 $0xFFFFFFFF;
	p2 =	slt.u32 s8, $0xFFFFF086  }
0x1c: {  	p1 =	slt.u32 s9, $0xF7A;
	s5 =	simm.s32 @!p2 $0x0  }
0x1d: {  	s5 =	simm.s32 @p1 $0x1;
	p0 =	seq.s32 s7, s2  }
0x1e: {  	s7 =	smul.u32 @!p0 $0xF7A, s2;
	p2 =	seq.s32 @!p0 s5, $0x0  }
0x1f: {  	s9 =	smul.u32 $0xF7A, s1;
	s8 =	simm.s32 @!p0 $0x1BF5;
	p2 =	por !p2, p0  }
0x20: {  	[sflag:s8] =	ssyncset.s32 @!p0 $0xFFFFF086;
	s6 =	sadd.s32 @!p0 s3, s7;
	s7 =	simm.s32 @!p0 $0x108  }
0x21: {  	s3 =	sadd.s32 s3, s9;
	s6 =	sadd.s32 @!p0 $0x88, s6;
	s7 =	simm.s32 @p2 $0x1082  }
0x22: {  	[simem:s7], [sflag:s8] =	dma.local @!p0 [hbm:s6], $0xF7A  }
0x23: {  	s9 =	sor.u32 $0xD0000000, s2;
	s6 =	simm.s32 $0x108;
	_ =	swait.ge @!p0 [sflag:s8], $0x0  }
0x24: {  	s3 =	sadd.s32 $0x88, s3;
	s6 =	simm.s32 @!p1 $0x1082;
	[sflag:s4] =	ssyncset.s32 $0xFFFFF086  }
0x25: {  	[simem:s6], [sflag:s4] =	dma.local [hbm:s3], $0xF7A  }
0x26: {  	[smem:$0x3F9C] =	sst s1;
	(tag) =	ssettag s2;
	_ =	strace s9  }
0x27: {  	s1 =	sld [smem:$0x3FAC]  }
0x28: {  	s2 =	sld [smem:$0x3FAD]  }
0x29: {  	s4 =	sld [smem:$0x3FAF]  }
0x2a: {  	p0 =	seq.s32 s5, $0x0;
	s5 =	sld [smem:$0x3FB0]  }
0x2b: {  	s6 =	sld [smem:$0x3FB1]  }
0x2c: {  	s7 =	sld [smem:$0x3FB2]  }
0x2d: {  	s3 =	simm.s32 $0x108;
	s8 =	sld [smem:$0x3FB3]  }
0x2e: {  	s3 =	simm.s32 @!p0 $0x1082;
	s9 =	sld [smem:$0x3FB4]  }
0x2f: {  	lr =	sadd.s32 s0, s3;
	s0 =	sld [smem:$0x3FAB]  }
0x30: {  	s3 =	sld [smem:$0x3FAE]  }
0x31: {  	[smem:$0x3FB7] =	sst s10  }
0x32: {  	s10 =	sld [smem:$0x3FB5];
	_ =	sdelay $0x3  }
0x33: {  	p0 =	seq.s32 s10, $0x1;
	s10 =	sld [smem:$0x3FB7];
	_ =	sdelay $0x3  }
0x34: {  	[smem:$0x3FB7] =	sst s10  }
0x35: {  	s10 =	sld [smem:$0x3FB6];
	_ =	sdelay $0x3  }
0x36: {  	p1 =	seq.s32 s10, $0x1;
	s10 =	sld [smem:$0x3FB7];
	_ =	sdelay $0x3  }
0x37: {  	[smem:$0x3FB7] =	sst s10  }
0x38: {  	s10 =	sld [smem:$0x3FB8]  }
0x39: {  	_ = 	snop;
	(pc) =	sbr.ind lr, $3  }
0x3a: {  	_ = 	snop  }
0x3b: {  	_ = 	snop  }
0x3c: {  	p2 =	seq.s32 s10, $0x1;
	s10 =	sld [smem:$0x3FB7]  }
0x3d: {  	_ =	shalt  }
0x3e: {  	_ =	shalt  }
0x3f: {  	_ =	shalt  }
0x40: {  	_ =	shalt  }
0x41: {  	_ =	shalt  }
0x42: {  	_ =	shalt  }
0x43: {  	_ =	shalt  }
0x44: {  	_ =	shalt  }
0x45: {  	_ =	shalt  }
0x46: {  	_ =	shalt  }
0x47: {  	_ =	shalt  }
0x48: {  	_ =	shalt  }
0x49: {  	_ =	shalt  }
0x4a: {  	_ =	shalt  }
0x4b: {  	_ =	shalt  }
0x4c: {  	_ =	shalt  }
0x4d: {  	_ =	shalt  }
0x4e: {  	_ =	shalt  }
0x4f: {  	_ =	shalt  }
0x50: {  	_ =	shalt  }
0x51: {  	_ =	shalt  }
0x52: {  	_ =	shalt  }
0x53: {  	_ =	shalt  }
0x54: {  	_ =	shalt  }
0x55: {  	_ =	shalt  }
0x56: {  	_ =	shalt  }
0x57: {  	_ =	shalt  }
0x58: {  	_ =	shalt  }
0x59: {  	_ =	shalt  }
0x5a: {  	_ =	shalt  }
0x5b: {  	_ =	shalt  }
0x5c: {  	_ =	shalt  }
0x5d: {  	_ =	shalt  }
0x5e: {  	_ =	shalt  }
0x5f: {  	_ =	shalt  }
0x60: {  	_ =	shalt  }
0x61: {  	_ =	shalt  }
0x62: {  	_ =	shalt  }
0x63: {  	_ =	shalt  }
0x64: {  	_ =	shalt  }
0x65: {  	_ =	shalt  }
0x66: {  	_ =	shalt  }
0x67: {  	_ =	shalt  }
0x68: {  	_ =	shalt  }
0x69: {  	_ =	shalt  }
0x6a: {  	_ =	shalt  }
0x6b: {  	_ =	shalt  }
0x6c: {  	_ =	shalt  }
0x6d: {  	_ =	shalt  }
0x6e: {  	_ =	shalt  }
0x6f: {  	_ =	shalt  }
0x70: {  	_ =	shalt  }
0x71: {  	_ =	shalt  }
0x72: {  	_ =	shalt  }
0x73: {  	_ =	shalt  }
0x74: {  	_ =	shalt  }
0x75: {  	_ =	shalt  }
0x76: {  	_ =	shalt  }
0x77: {  	_ =	shalt  }
0x78: {  	_ =	shalt  }
0x79: {  	_ =	shalt  }
0x7a: {  	_ =	shalt  }
0x7b: {  	_ =	shalt  }
0x7c: {  	_ =	shalt  }
0x7d: {  	_ =	shalt  }
0x7e: {  	_ =	shalt  }
0x7f: {  	_ =	shalt  }
0x80: {  	_ =	shalt  }
0x81: {  	_ =	shalt  }
0x82: {  	_ =	shalt  }
0x83: {  	_ =	shalt  }
0x84: {  	_ =	shalt  }
0x85: {  	_ =	shalt  }
0x86: {  	_ =	shalt  }
0x87: {  	_ =	shalt  }
.Lfunc_end0:
.L_simem_size_0:
called_computation.3_lowered:
.L_overlay_start_0:
0x88: {  	s2 =	sld [smem:$0x3FD9]  }
0x89: {  	s3 =	sld [smem:$0x3FFE];
	_ =	sdelay $0x1  }
0x8a: {  	s1 =	srdreg.scid  }
0x8b: {  	s0 =	sand.u32 $0x1, s1  }
0x8c: {  	s17 =	sshll.u32 s0, $0xA;
	s2 =	sadd.s32 s3, s2  }
0x8d: {  	s2 =	sadd.s32 s2, s17  }
0x8e: {  	[smem:$0x3FC3] =	sst s2  }
0x8f: {  	_ = 	snop  }
0x90: {  	s18 =	sld [smem:$0x3FC9];
	(tm) =	ssettm $0x1  }
0x91: {  	s19 =	sld [smem:$0x3FFB];
	_ =	sdelay $0x3  }
0x92: {  	_ =	strace s19  }
0x93: {  	s2 =	sld [smem:$0x3FFC];
	_ =	sdelay $0x3  }
0x94: {  	_ =	strace s2  }
0x95: {  	s2 =	sld [smem:$0x3FFD];
	_ =	sdelay $0x3  }
0x96: {  	_ =	strace s2  }
0x97: {  	_ =	strace $0x8FFFFFFF  }
0x98: {  	s20 =	sld [smem:$0x3FDB];
	_ =	sdelay $0x1  }
0x99: {  	s4 =	simm.s32 $_scs_section_size  }
0x9a: {  	s5 =	simm.s32 $_size__tile_overlayer_lowered;
	s6 =	simm.s32 $_tile_overlayer_lowered  }
0x9b: {  	s7 =	simm.s32 $0x1BFF;
	s21 =	sshll.u32 s6, $0x1;
	s4 =	sadd.s32 s4, s20  }
0x9c: {  	s22 =	simm.s32 $0x0;
	s5 =	sshll.u32 s5, $0x1;
	s6 =	sadd.s32 s21, s4  }
0x9d: {  	[timem:s22], [sflag:s7] =	dma.local [hbm:s6], s5  }
0x9e: {  	_ =	swait.ge [sflag:s7], s5  }
0x9f: {  	s5 =	ssub.s32 $0x0, s5;
	[sflag:s7] =	ssyncset.done $0x0  }
0xa0: {  	[sflag:s7] =	ssyncadd.s32 s5;
	_ =	sdelay $0x1  }
0xa1: {  	s23 =	simm.s32 $0x1B8B  }
0xa2: {  	_ =	swait.ge [sflag:s23], $0x1  }
0xa3: {  	[sflag:s23] =	ssyncset.done $0x0  }
0xa4: {  	[sflag:s23] =	ssyncadd.s32 $0xFFFFFFFF  }
0xa5: {  	s5 =	sld [smem:$0x0]  }
0xa6: {  	s6 =	sand.u32 $0xFFFFFFFE, s1  }
0xa7: {  	p0 =	sne.s32 s1, s6  }
0xa8: {  	s6 =	sshll.u32 @p0 s6, $0xE  }
0xa9: {  	s6 =	sadd.s32 @p0 $0x11B8D, s6;
	s7 =	sshll.u32 @p0 s5, $0x11  }
0xaa: {  	s6 =	sor.u32 @p0 s7, s6  }
0xab: {  	[sflag:s6] =	ssyncadd.remote.s32 @p0 $0x1;
	_ =	sdelay $0x1  }
0xac: {  	s6 =	simm.s32 @p0 $0x1B8D  }
0xad: {  	_ =	swait.eq @p0 [sflag:s6], $0x1  }
0xae: {  	[sflag:s6] =	ssyncadd.s32 @p0 $0xFFFFFFFF  }
0xaf: {  	s7 =	sshll.u32 @!p0 s1, $0xE  }
0xb0: {  	s7 =	sor.u32 @!p0 $0x4000, s7;
	s6 =	simm.s32 @!p0 $0x1B8D  }
0xb1: {  	s5 =	sshll.u32 @!p0 s5, $0x11;
	s7 =	sadd.s32 @!p0 $0x11B8D, s7;
	_ =	swait.eq @!p0 [sflag:s6], $0x1  }
0xb2: {  	s5 =	sor.u32 @!p0 s5, s7;
	[sflag:s6] =	ssyncadd.s32 @!p0 $0xFFFFFFFF  }
0xb3: {  	s25 =	simm.s32 $0x1B8E;
	s24 =	sld [smem:$0x3FFE];
	[sflag:s5] =	ssyncadd.remote.s32 @!p0 $0x1  }
0xb4: {  	s26 =	simm.s32 $execute0_lowered;
	[smem:$0x3FD2] =	sst s25  }
0xb5: {  	s6 =	sshll.u32 s26, $0x1;
	_ =	strace $0x80000049;
	[dreg:$0x1] =	wrdreg $0xFFFFFFFF  }
0xb6: {  	s28 =	simm.s32 $_size_execute0_lowered;
	s4 =	sadd.s32 s4, s6;
	[dreg:$0x0] =	wrdreg $0x0  }
0xb7: {  	s6 =	sshll.u32 s28, $0x1;
	[dreg:$0x2] =	wrdreg s4  }
0xb8: {  	[dreg:$0x3] =	wrdreg s6  }
0xb9: {  	[dreg:$0x4] =	wrdreg $0xC0  }
0xba: {  	_ =	task [dreg:s22], $0x5FFFF  }
0xbb: {  	[dreg:$0x1] =	wrdreg $0xFFFFFFFF  }
0xbc: {  	[dreg:$0x0] =	wrdreg $0x60  }
0xbd: {  	[dreg:$0x2] =	wrdreg s18  }
0xbe: {  	[dreg:$0x3] =	wrdreg s24  }
0xbf: {  	[dreg:$0x4] =	wrdreg $0xA  }
0xc0: {  	_ =	task.clear_ibuf [dreg:s22], $0x5FFFF;
	_ =	strace $0x90000049  }
0xc1: {  	s29 =	simm.s32 $0xA;
	_ =	strace $0x8000004B  }
0xc2: {  	_ =	swait.ge [sflag:s29], $0x1  }
0xc3: {  	[sflag:s29] =	ssyncadd.s32 $0xFFFFFFFF  }
0xc4: {  	_ =	strace $0x9000004B  }
0xc5: {  	_ =	sfence  }
0xc6: {  	s30 =	sld [smem:$0x0];
	_ =	sdelay $0x2  }
0xc7: {  	s31 =	sshll.u32 s1, $0xD;
	s1 =	sshrl.u32 s1, $0x2  }
0xc8: {  	s4 =	sand.u32 $0x4000, s31;
	s1 =	sadd.s32 s1, s30  }
0xc9: {  	s0 =	sor.u32 s4, s0;
	s1 =	sshll.u32 s1, $0x11  }
0xca: {  	s0 =	sor.u32 s1, s0  }
0xcb: {  	s0 =	sadd.s32 $0x8F2B, s0  }
0xcc: {  	[sflag:s0] =	ssyncadd.remote.s32 $0x1  }
0xcd: {  	_ =	sfence.sel $0xFFFF  }
0xce: {  	[dreg:$0x0] =	wrdreg $0xFFFFFFFF;
	(pc) =	sbr.abs _section_cstart, $3  }
0xcf: {  	[dreg:$0x1] =	wrdreg $0xFFFFFFFF  }
0xd0: {  	_ =	task.clear_ibuf [dreg:s22], $0x2FFFF;
	_ =	strace $0x9FFFFFFF  }
0xd1: {  	(tm) =	ssettm $0x7FFFFFFF  }
tec
execute0_lowered:
.L_overlay_start_1:
0x0: {  	(tag) =	ssettag $0x1  }
0x1: {  	s3 =	rddreg [dreg:$0x0]  }
0x2: {  	s0 =	rddreg [dreg:$0x1]  }
0x3: {  	s1 =	srdreg.scid;
	s4 =	stileid.u32;
	s2 =	simm.s32 $0x0  }
0x4: {  	s31 =	simm.s32 $0x3;
	s12 =	simm.s32 $0x80;
	s20 =	simm.s32 $0x880  }
0x5: {  	s21 =	simm.s32 $0x1080;
	s22 =	simm.s32 $0x1880;
	s23 =	simm.s32 $0x2080  }
0x6: {  	s19 =	simm.s32 $0x2880;
	s13 =	simm.s32 $0x3080;
	s14 =	simm.s32 $0x3880  }
0x7: {  	s15 =	simm.s32 $0x4080;
	s16 =	simm.s32 $0x4880;
	s17 =	simm.s32 $0x5080  }
0x8: {  	s18 =	simm.s32 $0x5880;
	p0 =	por $0x0, $0x0;
	s24 =	simm.s32 $0x6080  }
0x9: {  	s28 =	simm.s32 $0x7080;
	s29 =	simm.s32 $0x7880;
	s1 =	sand.u32 $0x1, s1  }
0xa: {  	s30 =	simm.s32 $0x1;
	s5 =	sshll.u32 s1, $0x4;
	s1 =	ssub.s32 $0x2, s1  }
0xb: {  	s4 =	sshll.u32 s4, $0x5;
	[smem:$0x7FF] =	sst s2;
	s6 =	sshrl.u32 s1, $0x1  }
0xc: {  	s7 =	sadd.s32 $0x300, s3;
	s8 =	sadd.s32 $0x400, s3;
	s1 =	ssub.s32 s1, s6  }
0xd: {  	s9 =	sadd.s32 $0x500, s3;
	s10 =	sadd.s32 $0x600, s3;
	s26 =	smax.u32 s1, $0x1  }
0xe: {  	s11 =	sadd.s32 $0x700, s3;
	s4 =	sor.u32 s5, s4;
	p1 =	sne.s32 s26, $0x1  }
.Ltmp0:
0xf: {  	_ =	strace $0x8000004A;
	s5 =	sshrl.u32 s4, $0x3;
	(pc) =	sbr.rel @!p1 .LBB2_3-.Ltmp0, $4  }
0x10: {  	s4 =	sshll.u32 s4, $0x8;
	s6 =	sadd.s32 $0x200, s3;
	s5 =	sadd.s32 s5, s0  }
0x11: {  	v2 =	vlaneseq.u32;
	s0 =	sadd.s32 s4, s0;
	s25 =	sadd.s32 $0xC00, s5;
	s5 =	sadd.s32 $0x100, s3  }
0x12: {  	vm0 =	vmmov $0xffff;
	v0 =	vshrl.u32 v2, $0x3;
	s4 =	sadd.s32 $0x1E00, s0;
	s0 =	sadd.s32 $0xFFFFFFFF, s26;
	[dreg:$0x3] =	wrdreg s25  }
0x13: {  	v1 =	vand.u32 $0x7, v2;
	v2 =	vor.u32 $0x8, v2;
	v0 =	vmul.u32 $0x8, v0;
	s26 =	simm.s32 $0x6880;
	s25 =	simm.s32 $0x2;
	s1 =	rddreg [dreg:$0x3]  }
0x14: {  	[tilespmem:s2], [sflag:$0x3] =	stream.linear.gather [hbm4b:s1+s2], $0x10, $0x38;
	[tilespmem:$0x8080] =	vst v63  }
0x15: {  	_ =	swait.ge [sflag:s31], $0x10  }
0x16: {  	[sflag:s31] =	ssyncset.done $0x0  }
0x17: {  	[sflag:s31] =	ssyncadd.s32 $0xFFFFFFF0  }
0x18: {  	v3 =	vld [tilespmem:$0x0];
	_ =	sdelay $0x4  }
0x19: {  	v4 =	vshll.u32 v3, $0x4  }
0x1a: {  	v3 =	vand.u32 $0x7, v3;
	v4 =	vand.u32 $0xFFFFFF80, v4  }
0x1b: {  	v3 =	vor.u32 v3, v4  }
0x1c: {  	v4 =	vperm.xlane v3, v1;
	_ =	sdelay $0x1  }
0x1d: {  	v4 =	vadd.s32 v0, v4;
	_ =	sdelay $0x4  }
0x1e: {  	[tilespmem:s12], [sflag:$0x1] =	stream.indirect_vreg.gather [hbm4b:s3+s2], $0x80, v4, vm0, $0xb8;
	[tilespmem:$0x8080] =	vst v63  }
0x1f: {  	_ = 	snop  }
0x20: {  	[tilespmem:s20], [sflag:$0x1] =	stream.indirect_vreg.gather [hbm4b:s5+s2], $0x80, v4, vm0, $0xb8;
	[tilespmem:$0x8080] =	vst v63  }
0x21: {  	_ = 	snop  }
0x22: {  	[tilespmem:s21], [sflag:$0x1] =	stream.indirect_vreg.gather [hbm4b:s6+s2], $0x80, v4, vm0, $0xb8;
	[tilespmem:$0x8080] =	vst v63  }
0x23: {  	_ = 	snop  }
0x24: {  	[tilespmem:s22], [sflag:$0x1] =	stream.indirect_vreg.gather [hbm4b:s7+s2], $0x80, v4, vm0, $0xb8;
	[tilespmem:$0x8080] =	vst v63  }
0x25: {  	_ = 	snop  }
0x26: {  	[tilespmem:s23], [sflag:$0x1] =	stream.indirect_vreg.gather [hbm4b:s8+s2], $0x80, v4, vm0, $0xb8;
	[tilespmem:$0x8080] =	vst v63  }
0x27: {  	v3 =	vperm.xlane v3, v2  }
0x28: {  	[tilespmem:s19], [sflag:$0x1] =	stream.indirect_vreg.gather [hbm4b:s9+s2], $0x80, v4, vm0, $0xb8;
	[tilespmem:$0x8080] =	vst v63  }
0x29: {  	v3 =	vadd.s32 v0, v3  }
0x2a: {  	[tilespmem:s13], [sflag:$0x1] =	stream.indirect_vreg.gather [hbm4b:s10+s2], $0x80, v4, vm0, $0xb8;
	[tilespmem:$0x8080] =	vst v63  }
0x2b: {  	_ = 	snop  }
0x2c: {  	[tilespmem:s14], [sflag:$0x1] =	stream.indirect_vreg.gather [hbm4b:s11+s2], $0x80, v4, vm0, $0xb8;
	[tilespmem:$0x8080] =	vst v63  }
0x2d: {  	_ = 	snop  }
0x2e: {  	[tilespmem:s15], [sflag:$0x1] =	stream.indirect_vreg.gather [hbm4b:s3+s2], $0x80, v3, vm0, $0xb8;
	[tilespmem:$0x8080] =	vst v63  }
0x2f: {  	_ = 	snop  }
0x30: {  	[tilespmem:s16], [sflag:$0x1] =	stream.indirect_vreg.gather [hbm4b:s5+s2], $0x80, v3, vm0, $0xb8;
	[tilespmem:$0x8080] =	vst v63  }
0x31: {  	_ = 	snop  }
0x32: {  	[tilespmem:s17], [sflag:$0x1] =	stream.indirect_vreg.gather [hbm4b:s6+s2], $0x80, v3, vm0, $0xb8;
	[tilespmem:$0x8080] =	vst v63  }
0x33: {  	_ = 	snop  }
0x34: {  	[tilespmem:s18], [sflag:$0x1] =	stream.indirect_vreg.gather [hbm4b:s7+s2], $0x80, v3, vm0, $0xb8;
	[tilespmem:$0x8080] =	vst v63  }
0x35: {  	_ = 	snop  }
0x36: {  	[tilespmem:s24], [sflag:$0x1] =	stream.indirect_vreg.gather [hbm4b:s8+s2], $0x80, v3, vm0, $0xb8;
	[tilespmem:$0x8080] =	vst v63  }
0x37: {  	_ = 	snop  }
0x38: {  	[tilespmem:s26], [sflag:$0x1] =	stream.indirect_vreg.gather [hbm4b:s9+s2], $0x80, v3, vm0, $0xb8;
	[tilespmem:$0x8080] =	vst v63  }
0x39: {  	_ = 	snop  }
0x3a: {  	[tilespmem:s28], [sflag:$0x1] =	stream.indirect_vreg.gather [hbm4b:s10+s2], $0x80, v3, vm0, $0xb8;
	[tilespmem:$0x8080] =	vst v63  }
0x3b: {  	_ = 	snop  }
0x3c: {  	[tilespmem:s29], [sflag:$0x1] =	stream.indirect_vreg.gather [hbm4b:s11+s2], $0x80, v3, vm0, $0xb8;
	[tilespmem:$0x8080] =	vst v63  }
0x3d: {  	p1 =	sne.s32 s0, $0x1;
	_ =	swait.ge [sflag:s30], $0x8000  }
.Ltmp1:
0x3e: {  	[sflag:s30] =	ssyncset.done $0x0;
	(pc) =	sbr.rel @!p1 .LBB2_3-.Ltmp1, $4  }
0x3f: {  	[sflag:s30] =	ssyncadd.s32 $0xFFFF8000  }
0x40: {  	[hbm4b:s4+s2] =	stream.linear.scatter [tilespmem:s12], [sflag:$0x2], $0x8000, $0x38;
	[tilespmem:$0x8080] =	vst v63  }
0x41: {  	s0 =	sadd.s32 $0xFFFFFFFF, s0;
	_ =	swait.ge [sflag:s25], $0x8000  }
0x42: {  	p0 =	por $0x1, $0x1;
	s1 =	rddreg [dreg:$0x3];
	[sflag:s25] =	ssyncset.done $0x0  }
.LBB2_2:
0x43: {  	[sflag:s25] =	ssyncadd.s32 $0xFFFF8000  }
0x44: {  	[tilespmem:s2], [sflag:$0x3] =	stream.linear.gather [hbm4b:s1+s2], $0x10, $0x38;
	[tilespmem:$0x8080] =	vst v63  }
0x45: {  	_ =	swait.ge [sflag:s31], $0x10  }
0x46: {  	[sflag:s31] =	ssyncset.done $0x0  }
0x47: {  	[sflag:s31] =	ssyncadd.s32 $0xFFFFFFF0  }
0x48: {  	v3 =	vld [tilespmem:$0x0];
	_ =	sdelay $0x4  }
0x49: {  	v4 =	vshll.u32 v3, $0x4  }
0x4a: {  	v3 =	vand.u32 $0x7, v3;
	v4 =	vand.u32 $0xFFFFFF80, v4  }
0x4b: {  	v3 =	vor.u32 v3, v4  }
0x4c: {  	v4 =	vperm.xlane v3, v1;
	_ =	sdelay $0x1  }
0x4d: {  	v4 =	vadd.s32 v0, v4;
	_ =	sdelay $0x4  }
0x4e: {  	[tilespmem:s12], [sflag:$0x1] =	stream.indirect_vreg.gather [hbm4b:s3+s2], $0x80, v4, vm0, $0xb8;
	[tilespmem:$0x8080] =	vst v63  }
0x4f: {  	_ = 	snop  }
0x50: {  	[tilespmem:s20], [sflag:$0x1] =	stream.indirect_vreg.gather [hbm4b:s5+s2], $0x80, v4, vm0, $0xb8;
	[tilespmem:$0x8080] =	vst v63  }
0x51: {  	_ = 	snop  }
0x52: {  	[tilespmem:s21], [sflag:$0x1] =	stream.indirect_vreg.gather [hbm4b:s6+s2], $0x80, v4, vm0, $0xb8;
	[tilespmem:$0x8080] =	vst v63  }
0x53: {  	_ = 	snop  }
0x54: {  	[tilespmem:s22], [sflag:$0x1] =	stream.indirect_vreg.gather [hbm4b:s7+s2], $0x80, v4, vm0, $0xb8;
	[tilespmem:$0x8080] =	vst v63  }
0x55: {  	_ = 	snop  }
0x56: {  	[tilespmem:s23], [sflag:$0x1] =	stream.indirect_vreg.gather [hbm4b:s8+s2], $0x80, v4, vm0, $0xb8;
	[tilespmem:$0x8080] =	vst v63  }
0x57: {  	v3 =	vperm.xlane v3, v2  }
0x58: {  	[tilespmem:s19], [sflag:$0x1] =	stream.indirect_vreg.gather [hbm4b:s9+s2], $0x80, v4, vm0, $0xb8;
	[tilespmem:$0x8080] =	vst v63  }
0x59: {  	v3 =	vadd.s32 v0, v3  }
0x5a: {  	[tilespmem:s13], [sflag:$0x1] =	stream.indirect_vreg.gather [hbm4b:s10+s2], $0x80, v4, vm0, $0xb8;
	[tilespmem:$0x8080] =	vst v63  }
0x5b: {  	_ = 	snop  }
0x5c: {  	[tilespmem:s14], [sflag:$0x1] =	stream.indirect_vreg.gather [hbm4b:s11+s2], $0x80, v4, vm0, $0xb8;
	[tilespmem:$0x8080] =	vst v63  }
0x5d: {  	_ = 	snop  }
0x5e: {  	[tilespmem:s15], [sflag:$0x1] =	stream.indirect_vreg.gather [hbm4b:s3+s2], $0x80, v3, vm0, $0xb8;
	[tilespmem:$0x8080] =	vst v63  }
0x5f: {  	_ = 	snop  }
0x60: {  	[tilespmem:s16], [sflag:$0x1] =	stream.indirect_vreg.gather [hbm4b:s5+s2], $0x80, v3, vm0, $0xb8;
	[tilespmem:$0x8080] =	vst v63  }
0x61: {  	_ = 	snop  }
0x62: {  	[tilespmem:s17], [sflag:$0x1] =	stream.indirect_vreg.gather [hbm4b:s6+s2], $0x80, v3, vm0, $0xb8;
	[tilespmem:$0x8080] =	vst v63  }
0x63: {  	_ = 	snop  }
0x64: {  	[tilespmem:s18], [sflag:$0x1] =	stream.indirect_vreg.gather [hbm4b:s7+s2], $0x80, v3, vm0, $0xb8;
	[tilespmem:$0x8080] =	vst v63  }
0x65: {  	_ = 	snop  }
0x66: {  	[tilespmem:s24], [sflag:$0x1] =	stream.indirect_vreg.gather [hbm4b:s8+s2], $0x80, v3, vm0, $0xb8;
	[tilespmem:$0x8080] =	vst v63  }
0x67: {  	_ = 	snop  }
0x68: {  	[tilespmem:s26], [sflag:$0x1] =	stream.indirect_vreg.gather [hbm4b:s9+s2], $0x80, v3, vm0, $0xb8;
	[tilespmem:$0x8080] =	vst v63  }
0x69: {  	_ = 	snop  }
0x6a: {  	[tilespmem:s28], [sflag:$0x1] =	stream.indirect_vreg.gather [hbm4b:s10+s2], $0x80, v3, vm0, $0xb8;
	[tilespmem:$0x8080] =	vst v63  }
0x6b: {  	_ = 	snop  }
0x6c: {  	[tilespmem:s29], [sflag:$0x1] =	stream.indirect_vreg.gather [hbm4b:s11+s2], $0x80, v3, vm0, $0xb8;
	[tilespmem:$0x8080] =	vst v63  }
0x6d: {  	p1 =	sne.s32 s0, $0x1;
	_ =	swait.ge [sflag:s30], $0x8000  }
.Ltmp2:
0x6e: {  	[sflag:s30] =	ssyncset.done $0x0;
	(pc) =	sbr.rel @p1 .LBB2_2-.Ltmp2, $4  }
0x6f: {  	[sflag:s30] =	ssyncadd.s32 $0xFFFF8000  }
0x70: {  	[hbm4b:s4+s2] =	stream.linear.scatter [tilespmem:s12], [sflag:$0x2], $0x8000, $0x38;
	[tilespmem:$0x8080] =	vst v63  }
0x71: {  	_ =	swait.ge [sflag:s25], $0x8000  }
0x72: {  	s0 =	sadd.s32 $0xFFFFFFFF, s0;
	s1 =	rddreg [dreg:$0x3];
	[sflag:s25] =	ssyncset.done $0x0  }
.LBB2_3:
0x73: {  	[sflag:s25] =	ssyncadd.s32 @p0 $0xFFFF8000  }
0x74: {  	[tilespmem:s2], [sflag:$0x3] =	stream.linear.gather [hbm4b:s1+s2], $0x10, $0x38;
	[tilespmem:$0x8080] =	vst v63  }
0x75: {  	_ =	swait.ge [sflag:s31], $0x10  }
0x76: {  	[sflag:s31] =	ssyncset.done $0x0  }
0x77: {  	[sflag:s31] =	ssyncadd.s32 $0xFFFFFFF0  }
0x78: {  	v3 =	vld [tilespmem:$0x0];
	_ =	sdelay $0x4  }
0x79: {  	v4 =	vshll.u32 v3, $0x4  }
0x7a: {  	v3 =	vand.u32 $0x7, v3;
	v4 =	vand.u32 $0xFFFFFF80, v4  }
0x7b: {  	v3 =	vor.u32 v3, v4  }
0x7c: {  	v1 =	vperm.xlane v3, v1;
	_ =	sdelay $0x1  }
0x7d: {  	v1 =	vadd.s32 v0, v1;
	_ =	sdelay $0x4  }
0x7e: {  	[tilespmem:s12], [sflag:$0x1] =	stream.indirect_vreg.gather [hbm4b:s3+s2], $0x80, v1, vm0, $0xb8;
	[tilespmem:$0x8080] =	vst v63  }
0x7f: {  	_ = 	snop  }
0x80: {  	[tilespmem:s20], [sflag:$0x1] =	stream.indirect_vreg.gather [hbm4b:s5+s2], $0x80, v1, vm0, $0xb8;
	[tilespmem:$0x8080] =	vst v63  }
0x81: {  	_ = 	snop  }
0x82: {  	[tilespmem:s21], [sflag:$0x1] =	stream.indirect_vreg.gather [hbm4b:s6+s2], $0x80, v1, vm0, $0xb8;
	[tilespmem:$0x8080] =	vst v63  }
0x83: {  	_ = 	snop  }
0x84: {  	[tilespmem:s22], [sflag:$0x1] =	stream.indirect_vreg.gather [hbm4b:s7+s2], $0x80, v1, vm0, $0xb8;
	[tilespmem:$0x8080] =	vst v63  }
0x85: {  	_ = 	snop  }
0x86: {  	[tilespmem:s23], [sflag:$0x1] =	stream.indirect_vreg.gather [hbm4b:s8+s2], $0x80, v1, vm0, $0xb8;
	[tilespmem:$0x8080] =	vst v63  }
0x87: {  	v2 =	vperm.xlane v3, v2  }
0x88: {  	[tilespmem:s19], [sflag:$0x1] =	stream.indirect_vreg.gather [hbm4b:s9+s2], $0x80, v1, vm0, $0xb8;
	[tilespmem:$0x8080] =	vst v63  }
0x89: {  	v63 =	vadd.s32 v0, v2  }
0x8a: {  	[tilespmem:s13], [sflag:$0x1] =	stream.indirect_vreg.gather [hbm4b:s10+s2], $0x80, v1, vm0, $0xb8;
	[tilespmem:$0x8080] =	vst v63  }
0x8b: {  	_ = 	snop  }
0x8c: {  	[tilespmem:s14], [sflag:$0x1] =	stream.indirect_vreg.gather [hbm4b:s11+s2], $0x80, v1, vm0, $0xb8;
	[tilespmem:$0x8080] =	vst v63  }
0x8d: {  	_ = 	snop  }
0x8e: {  	[tilespmem:s15], [sflag:$0x1] =	stream.indirect_vreg.gather [hbm4b:s3+s2], $0x80, v63, vm0, $0xb8;
	[tilespmem:$0x8080] =	vst v63  }
0x8f: {  	_ = 	snop  }
0x90: {  	[tilespmem:s16], [sflag:$0x1] =	stream.indirect_vreg.gather [hbm4b:s5+s2], $0x80, v63, vm0, $0xb8;
	[tilespmem:$0x8080] =	vst v63  }
0x91: {  	_ = 	snop  }
0x92: {  	[tilespmem:s17], [sflag:$0x1] =	stream.indirect_vreg.gather [hbm4b:s6+s2], $0x80, v63, vm0, $0xb8;
	[tilespmem:$0x8080] =	vst v63  }
0x93: {  	_ = 	snop  }
0x94: {  	[tilespmem:s18], [sflag:$0x1] =	stream.indirect_vreg.gather [hbm4b:s7+s2], $0x80, v63, vm0, $0xb8;
	[tilespmem:$0x8080] =	vst v63  }
0x95: {  	_ = 	snop  }
0x96: {  	[tilespmem:s24], [sflag:$0x1] =	stream.indirect_vreg.gather [hbm4b:s8+s2], $0x80, v63, vm0, $0xb8;
	[tilespmem:$0x8080] =	vst v63  }
0x97: {  	_ = 	snop  }
0x98: {  	[tilespmem:s26], [sflag:$0x1] =	stream.indirect_vreg.gather [hbm4b:s9+s2], $0x80, v63, vm0, $0xb8;
	[tilespmem:$0x8080] =	vst v63  }
0x99: {  	_ = 	snop  }
0x9a: {  	[tilespmem:s28], [sflag:$0x1] =	stream.indirect_vreg.gather [hbm4b:s10+s2], $0x80, v63, vm0, $0xb8;
	[tilespmem:$0x8080] =	vst v63  }
0x9b: {  	_ = 	snop  }
0x9c: {  	[tilespmem:s29], [sflag:$0x1] =	stream.indirect_vreg.gather [hbm4b:s11+s2], $0x80, v63, vm0, $0xb8;
	[tilespmem:$0x8080] =	vst v63  }
0x9d: {  	_ =	swait.ge [sflag:s30], $0x8000  }
0x9e: {  	[sflag:s30] =	ssyncset.done $0x0  }
0x9f: {  	[sflag:s30] =	ssyncadd.s32 $0xFFFF8000  }
0xa0: {  	[hbm4b:s4+s2] =	stream.linear.scatter [tilespmem:s12], [sflag:$0x2], $0x8000, $0x38;
	[tilespmem:$0x8080] =	vst v63  }
0xa1: {  	_ =	swait.ge [sflag:s25], $0x8000  }
0xa2: {  	[sflag:s25] =	ssyncset.done $0x0  }
0xa3: {  	[sflag:s25] =	ssyncadd.s32 $0xFFFF8000  }
0xa4: {  	_ =	sfence.sel $0x180000  }
0xa5: {  	[bflag:$0x0] =	sbarrier.arrive $0xFFFF  }
0xa6: {  	_ =	strace $0x9000004A  }
0xa7: {  	s0 =	stileid.u32;
	[bflag:$0x2] =	sbarrier.arrive $0xFFFF  }
0xa8: {  	p0 =	sne.s32 s0, $0x0;
	s0 =	rddreg [dreg:$0x2]  }
0xa9: {  	s0 =	sadd.s32 @!p0 $0x100000, s0  }
0xaa: {  	[sflag:s0] =	ssyncadd.tile.s32 @!p0 $0x1;
	_ =	shalt  }
.Lfunc_end2:
_tile_overlayer_lowered:
.L_overlay_start_2:
0xab: {  	(tag) =	ssettag $0x2  }
0xac: {  	s0 =	rddreg [dreg:$0x0];
	s2 =	stileid.u32  }
0xad: {  	s1 =	rddreg [dreg:$0x1];
	p0 =	sne.s32 s2, $0x0  }
0xae: {  	s3 =	rddreg [dreg:$0x2];
	[bflag:$0x3] =	sbarrier.arrive $0xFFFF;
	s2 =	simm.s32 @!p0 $0x1C03  }
0xaf: {  	[timem:s3], [sflag:s2] =	dma.local @!p0 [hbm:s0], s1  }
0xb0: {  	s0 =	simm.s32 @!p0 $0x3  }
0xb1: {  	_ =	swait.ge @!p0 [sflag:s0], s1  }
0xb2: {  	s1 =	ssub.s32 @!p0 $0x0, s1;
	[sflag:s0] =	ssyncset.done @!p0 $0x0  }
0xb3: {  	[sflag:s0] =	ssyncadd.s32 @!p0 s1  }
0xb4: {  	[bflag:$0x3] =	sbarrier.arrive $0xFFFF  }
0xb5: {  	_ =	shalt  }

// kernel: kernel.13.cloned.1.call-start
scs
__scs_entry_jumppad:
0x0: {  	(pc) =	sbr.rel $0x88, $3  }
0x1: {  	(tag) =	ssettag $0x0;
	lr =	simm.s32 $0x1  }
0x2: {  	[smem:$0x3F9C] =	sst lr;
	_ =	strace $0xD0000000  }
0x3: {  	_ = 	snop  }
0x4: {  	_ = 	snop  }
0x5: {  	_ = 	snop  }
0x6: {  	_ = 	snop  }
0x7: {  	_ = 	snop  }
__scs_overlays_trampoline_lowered:
0x8: {  	[smem:$0x3FAB] =	sst s0  }
0x9: {  	[smem:$0x3FAC] =	sst s1  }
0xa: {  	[smem:$0x3FAD] =	sst s2  }
0xb: {  	[smem:$0x3FAE] =	sst s3  }
0xc: {  	[smem:$0x3FAF] =	sst s4  }
0xd: {  	[smem:$0x3FB0] =	sst s5  }
0xe: {  	[smem:$0x3FB1] =	sst s6  }
0xf: {  	[smem:$0x3FB2] =	sst s7  }
0x10: {  	[smem:$0x3FB3] =	sst s8  }
0x11: {  	[smem:$0x3FB4] =	sst s9;
	s0 =	simm.s32 @!p0 $0x0  }
0x12: {  	s1 =	sld [smem:$0x3F9A];
	s0 =	simm.s32 @p0 $0x1  }
0x13: {  	[smem:$0x3FB5] =	sst s0;
	s0 =	simm.s32 @!p1 $0x0  }
0x14: {  	s2 =	sld [smem:$0x3F99];
	s0 =	simm.s32 @p1 $0x1  }
0x15: {  	[smem:$0x3FB6] =	sst s0;
	s0 =	simm.s32 @!p2 $0x0  }
0x16: {  	s3 =	sld [smem:$0x3FDB];
	s0 =	simm.s32 @p2 $0x1  }
0x17: {  	s4 =	simm.s32 $0x1BF5;
	[smem:$0x3FB8] =	sst s0  }
0x18: {  	s0 =	sld [smem:$0x3F9B];
	_ =	swait.ge [sflag:s4], $0x0  }
0x19: {  	s7 =	sld [smem:$0x3F9C]  }
0x1a: {  	s8 =	sadd.s32 $0xFFFFE003, lr  }
0x1b: {  	s9 =	sadd.s32 $0xFFFFFEF7, lr;
	s5 =	simm.s32 $0xFFFFFFFF;
	p2 =	slt.u32 s8, $0xFFFFF086  }
0x1c: {  	p1 =	slt.u32 s9, $0xF7A;
	s5 =	simm.s32 @!p2 $0x0  }
0x1d: {  	s5 =	simm.s32 @p1 $0x1;
	p0 =	seq.s32 s7, s2  }
0x1e: {  	s7 =	smul.u32 @!p0 $0xF7A, s2;
	p2 =	seq.s32 @!p0 s5, $0x0  }
0x1f: {  	s9 =	smul.u32 $0xF7A, s1;
	s8 =	simm.s32 @!p0 $0x1BF5;
	p2 =	por !p2, p0  }
0x20: {  	[sflag:s8] =	ssyncset.s32 @!p0 $0xFFFFF086;
	s6 =	sadd.s32 @!p0 s3, s7;
	s7 =	simm.s32 @!p0 $0x108  }
0x21: {  	s3 =	sadd.s32 s3, s9;
	s6 =	sadd.s32 @!p0 $0x88, s6;
	s7 =	simm.s32 @p2 $0x1082  }
0x22: {  	[simem:s7], [sflag:s8] =	dma.local @!p0 [hbm:s6], $0xF7A  }
0x23: {  	s9 =	sor.u32 $0xD0000000, s2;
	s6 =	simm.s32 $0x108;
	_ =	swait.ge @!p0 [sflag:s8], $0x0  }
0x24: {  	s3 =	sadd.s32 $0x88, s3;
	s6 =	simm.s32 @!p1 $0x1082;
	[sflag:s4] =	ssyncset.s32 $0xFFFFF086  }
0x25: {  	[simem:s6], [sflag:s4] =	dma.local [hbm:s3], $0xF7A  }
0x26: {  	[smem:$0x3F9C] =	sst s1;
	(tag) =	ssettag s2;
	_ =	strace s9  }
0x27: {  	s1 =	sld [smem:$0x3FAC]  }
0x28: {  	s2 =	sld [smem:$0x3FAD]  }
0x29: {  	s4 =	sld [smem:$0x3FAF]  }
0x2a: {  	p0 =	seq.s32 s5, $0x0;
	s5 =	sld [smem:$0x3FB0]  }
0x2b: {  	s6 =	sld [smem:$0x3FB1]  }
0x2c: {  	s7 =	sld [smem:$0x3FB2]  }
0x2d: {  	s3 =	simm.s32 $0x108;
	s8 =	sld [smem:$0x3FB3]  }
0x2e: {  	s3 =	simm.s32 @!p0 $0x1082;
	s9 =	sld [smem:$0x3FB4]  }
0x2f: {  	lr =	sadd.s32 s0, s3;
	s0 =	sld [smem:$0x3FAB]  }
0x30: {  	s3 =	sld [smem:$0x3FAE]  }
0x31: {  	[smem:$0x3FB7] =	sst s10  }
0x32: {  	s10 =	sld [smem:$0x3FB5];
	_ =	sdelay $0x3  }
0x33: {  	p0 =	seq.s32 s10, $0x1;
	s10 =	sld [smem:$0x3FB7];
	_ =	sdelay $0x3  }
0x34: {  	[smem:$0x3FB7] =	sst s10  }
0x35: {  	s10 =	sld [smem:$0x3FB6];
	_ =	sdelay $0x3  }
0x36: {  	p1 =	seq.s32 s10, $0x1;
	s10 =	sld [smem:$0x3FB7];
	_ =	sdelay $0x3  }
0x37: {  	[smem:$0x3FB7] =	sst s10  }
0x38: {  	s10 =	sld [smem:$0x3FB8]  }
0x39: {  	_ = 	snop;
	(pc) =	sbr.ind lr, $3  }
0x3a: {  	_ = 	snop  }
0x3b: {  	_ = 	snop  }
0x3c: {  	p2 =	seq.s32 s10, $0x1;
	s10 =	sld [smem:$0x3FB7]  }
0x3d: {  	_ =	shalt  }
0x3e: {  	_ =	shalt  }
0x3f: {  	_ =	shalt  }
0x40: {  	_ =	shalt  }
0x41: {  	_ =	shalt  }
0x42: {  	_ =	shalt  }
0x43: {  	_ =	shalt  }
0x44: {  	_ =	shalt  }
0x45: {  	_ =	shalt  }
0x46: {  	_ =	shalt  }
0x47: {  	_ =	shalt  }
0x48: {  	_ =	shalt  }
0x49: {  	_ =	shalt  }
0x4a: {  	_ =	shalt  }
0x4b: {  	_ =	shalt  }
0x4c: {  	_ =	shalt  }
0x4d: {  	_ =	shalt  }
0x4e: {  	_ =	shalt  }
0x4f: {  	_ =	shalt  }
0x50: {  	_ =	shalt  }
0x51: {  	_ =	shalt  }
0x52: {  	_ =	shalt  }
0x53: {  	_ =	shalt  }
0x54: {  	_ =	shalt  }
0x55: {  	_ =	shalt  }
0x56: {  	_ =	shalt  }
0x57: {  	_ =	shalt  }
0x58: {  	_ =	shalt  }
0x59: {  	_ =	shalt  }
0x5a: {  	_ =	shalt  }
0x5b: {  	_ =	shalt  }
0x5c: {  	_ =	shalt  }
0x5d: {  	_ =	shalt  }
0x5e: {  	_ =	shalt  }
0x5f: {  	_ =	shalt  }
0x60: {  	_ =	shalt  }
0x61: {  	_ =	shalt  }
0x62: {  	_ =	shalt  }
0x63: {  	_ =	shalt  }
0x64: {  	_ =	shalt  }
0x65: {  	_ =	shalt  }
0x66: {  	_ =	shalt  }
0x67: {  	_ =	shalt  }
0x68: {  	_ =	shalt  }
0x69: {  	_ =	shalt  }
0x6a: {  	_ =	shalt  }
0x6b: {  	_ =	shalt  }
0x6c: {  	_ =	shalt  }
0x6d: {  	_ =	shalt  }
0x6e: {  	_ =	shalt  }
0x6f: {  	_ =	shalt  }
0x70: {  	_ =	shalt  }
0x71: {  	_ =	shalt  }
0x72: {  	_ =	shalt  }
0x73: {  	_ =	shalt  }
0x74: {  	_ =	shalt  }
0x75: {  	_ =	shalt  }
0x76: {  	_ =	shalt  }
0x77: {  	_ =	shalt  }
0x78: {  	_ =	shalt  }
0x79: {  	_ =	shalt  }
0x7a: {  	_ =	shalt  }
0x7b: {  	_ =	shalt  }
0x7c: {  	_ =	shalt  }
0x7d: {  	_ =	shalt  }
0x7e: {  	_ =	shalt  }
0x7f: {  	_ =	shalt  }
0x80: {  	_ =	shalt  }
0x81: {  	_ =	shalt  }
0x82: {  	_ =	shalt  }
0x83: {  	_ =	shalt  }
0x84: {  	_ =	shalt  }
0x85: {  	_ =	shalt  }
0x86: {  	_ =	shalt  }
0x87: {  	_ =	shalt  }
.Lfunc_end0:
.L_simem_size_0:
called_computation.4_lowered:
.L_overlay_start_0:
0x88: {  	s2 =	sld [smem:$0x3FD9]  }
0x89: {  	s3 =	sld [smem:$0x3FFE];
	_ =	sdelay $0x1  }
0x8a: {  	s1 =	srdreg.scid  }
0x8b: {  	s0 =	sand.u32 $0x1, s1  }
0x8c: {  	s17 =	sshll.u32 s0, $0xA;
	s2 =	sadd.s32 s3, s2  }
0x8d: {  	s2 =	sadd.s32 s2, s17  }
0x8e: {  	[smem:$0x3FC3] =	sst s2  }
0x8f: {  	_ = 	snop  }
0x90: {  	s18 =	sld [smem:$0x3FC9];
	(tm) =	ssettm $0x1  }
0x91: {  	s19 =	sld [smem:$0x3FFB];
	_ =	sdelay $0x3  }
0x92: {  	_ =	strace s19  }
0x93: {  	s2 =	sld [smem:$0x3FFC];
	_ =	sdelay $0x3  }
0x94: {  	_ =	strace s2  }
0x95: {  	s2 =	sld [smem:$0x3FFD];
	_ =	sdelay $0x3  }
0x96: {  	_ =	strace s2  }
0x97: {  	_ =	strace $0x8FFFFFFF  }
0x98: {  	s20 =	sld [smem:$0x3FDB];
	_ =	sdelay $0x1  }
0x99: {  	s4 =	simm.s32 $_scs_section_size  }
0x9a: {  	s5 =	simm.s32 $_size__tile_overlayer_lowered;
	s6 =	simm.s32 $_tile_overlayer_lowered  }
0x9b: {  	s7 =	simm.s32 $0x1BFF;
	s21 =	sshll.u32 s6, $0x1;
	s4 =	sadd.s32 s4, s20  }
0x9c: {  	s22 =	simm.s32 $0x0;
	s5 =	sshll.u32 s5, $0x1;
	s6 =	sadd.s32 s21, s4  }
0x9d: {  	[timem:s22], [sflag:s7] =	dma.local [hbm:s6], s5  }
0x9e: {  	_ =	swait.ge [sflag:s7], s5  }
0x9f: {  	s5 =	ssub.s32 $0x0, s5;
	[sflag:s7] =	ssyncset.done $0x0  }
0xa0: {  	[sflag:s7] =	ssyncadd.s32 s5;
	_ =	sdelay $0x1  }
0xa1: {  	s23 =	simm.s32 $0x1B8B  }
0xa2: {  	_ =	swait.ge [sflag:s23], $0x1  }
0xa3: {  	[sflag:s23] =	ssyncset.done $0x0  }
0xa4: {  	[sflag:s23] =	ssyncadd.s32 $0xFFFFFFFF  }
0xa5: {  	s5 =	sld [smem:$0x0]  }
0xa6: {  	s6 =	sand.u32 $0xFFFFFFFE, s1  }
0xa7: {  	p0 =	sne.s32 s1, s6  }
0xa8: {  	s6 =	sshll.u32 @p0 s6, $0xE  }
0xa9: {  	s6 =	sadd.s32 @p0 $0x11B8D, s6;
	s7 =	sshll.u32 @p0 s5, $0x11  }
0xaa: {  	s6 =	sor.u32 @p0 s7, s6  }
0xab: {  	[sflag:s6] =	ssyncadd.remote.s32 @p0 $0x1;
	_ =	sdelay $0x1  }
0xac: {  	s6 =	simm.s32 @p0 $0x1B8D  }
0xad: {  	_ =	swait.eq @p0 [sflag:s6], $0x1  }
0xae: {  	[sflag:s6] =	ssyncadd.s32 @p0 $0xFFFFFFFF  }
0xaf: {  	s7 =	sshll.u32 @!p0 s1, $0xE  }
0xb0: {  	s7 =	sor.u32 @!p0 $0x4000, s7;
	s6 =	simm.s32 @!p0 $0x1B8D  }
0xb1: {  	s5 =	sshll.u32 @!p0 s5, $0x11;
	s7 =	sadd.s32 @!p0 $0x11B8D, s7;
	_ =	swait.eq @!p0 [sflag:s6], $0x1  }
0xb2: {  	s5 =	sor.u32 @!p0 s5, s7;
	[sflag:s6] =	ssyncadd.s32 @!p0 $0xFFFFFFFF  }
0xb3: {  	s25 =	simm.s32 $0x1B8E;
	s24 =	sld [smem:$0x3FFE];
	[sflag:s5] =	ssyncadd.remote.s32 @!p0 $0x1  }
0xb4: {  	s26 =	simm.s32 $execute0_lowered;
	[smem:$0x3FD2] =	sst s25  }
0xb5: {  	s6 =	sshll.u32 s26, $0x1;
	_ =	strace $0x8000004C;
	[dreg:$0x1] =	wrdreg $0xFFFFFFFF  }
0xb6: {  	s28 =	simm.s32 $_size_execute0_lowered;
	s4 =	sadd.s32 s4, s6;
	[dreg:$0x0] =	wrdreg $0x0  }
0xb7: {  	s6 =	sshll.u32 s28, $0x1;
	[dreg:$0x2] =	wrdreg s4  }
0xb8: {  	[dreg:$0x3] =	wrdreg s6  }
0xb9: {  	[dreg:$0x4] =	wrdreg $0xC0  }
0xba: {  	_ =	task [dreg:s22], $0x5FFFF  }
0xbb: {  	[dreg:$0x1] =	wrdreg $0xFFFFFFFF  }
0xbc: {  	[dreg:$0x0] =	wrdreg $0x60  }
0xbd: {  	[dreg:$0x2] =	wrdreg s18  }
0xbe: {  	[dreg:$0x3] =	wrdreg s24  }
0xbf: {  	[dreg:$0x4] =	wrdreg $0xB  }
0xc0: {  	_ =	task.clear_ibuf [dreg:s22], $0x5FFFF;
	_ =	strace $0x9000004C  }
0xc1: {  	s29 =	simm.s32 $0xB;
	_ =	strace $0x8000004E  }
0xc2: {  	_ =	swait.ge [sflag:s29], $0x1  }
0xc3: {  	[sflag:s29] =	ssyncadd.s32 $0xFFFFFFFF  }
0xc4: {  	_ =	strace $0x9000004E  }
0xc5: {  	_ =	sfence  }
0xc6: {  	s30 =	sld [smem:$0x0];
	_ =	sdelay $0x2  }
0xc7: {  	s31 =	sshll.u32 s1, $0xD;
	s1 =	sshrl.u32 s1, $0x2  }
0xc8: {  	s4 =	sand.u32 $0x4000, s31;
	s1 =	sadd.s32 s1, s30  }
0xc9: {  	s0 =	sor.u32 s4, s0;
	s1 =	sshll.u32 s1, $0x11  }
0xca: {  	s0 =	sor.u32 s1, s0  }
0xcb: {  	s0 =	sadd.s32 $0x8F2B, s0  }
0xcc: {  	[sflag:s0] =	ssyncadd.remote.s32 $0x1  }
0xcd: {  	_ =	sfence.sel $0xFFFF  }
0xce: {  	[dreg:$0x0] =	wrdreg $0xFFFFFFFF;
	(pc) =	sbr.abs _section_cstart, $3  }
0xcf: {  	[dreg:$0x1] =	wrdreg $0xFFFFFFFF  }
0xd0: {  	_ =	task.clear_ibuf [dreg:s22], $0x2FFFF;
	_ =	strace $0x9FFFFFFF  }
0xd1: {  	(tm) =	ssettm $0x7FFFFFFF  }
tec
execute0_lowered:
.L_overlay_start_1:
0x0: {  	(tag) =	ssettag $0x1  }
0x1: {  	s0 =	srdreg.scid;
	s15 =	rddreg [dreg:$0x0]  }
0x2: {  	s1 =	stileid.u32;
	s4 =	rddreg [dreg:$0x1];
	s3 =	simm.s32 $0x0  }
0x3: {  	s31 =	simm.s32 $0x1;
	s13 =	simm.s32 $0x8080;
	s16 =	simm.s32 $0x9080  }
0x4: {  	s17 =	simm.s32 $0x9880;
	s18 =	simm.s32 $0xA080;
	s19 =	simm.s32 $0xA880  }
0x5: {  	s20 =	simm.s32 $0xB080;
	s21 =	simm.s32 $0xB880;
	s28 =	simm.s32 $0xE880  }
0x6: {  	s29 =	simm.s32 $0xF080;
	s0 =	sand.u32 $0x1, s0;
	s1 =	sshll.u32 s1, $0x1  }
0x7: {  	s30 =	simm.s32 $0xF880;
	[smem:$0x7FF] =	sst s3;
	s1 =	sor.u32 s0, s1  }
0x8: {  	s7 =	sadd.s32 $0x21E00, s4;
	s9 =	sadd.s32 $0x600, s15;
	s5 =	smul.u32 $0x50, s1  }
0x9: {  	s10 =	sadd.s32 $0x700, s15;
	s0 =	ssub.s32 $0x2, s0;
	s6 =	smul.u32 $0x28000, s1  }
0xa: {  	_ =	strace $0x8000004D;
	s22 =	sshrl.u32 s0, $0x1;
	s1 =	smul.u32 $0x5000, s1  }
0xb: {  	s0 =	ssub.s32 s0, s22;
	s22 =	simm.s32 $0xC080;
	s5 =	sshrl.u32 s5, $0x3  }
0xc: {  	s8 =	sshrl.u32 s6, $0x3;
	s6 =	sadd.s32 $0x300, s15;
	s1 =	sadd.s32 s7, s1  }
0xd: {  	s4 =	sadd.s32 s4, s5;
	s5 =	sadd.s32 $0x200, s15;
	s11 =	sadd.s32 s7, s8  }
0xe: {  	s7 =	sadd.s32 $0x400, s15;
	[dreg:$0x4] =	wrdreg s1;
	s4 =	sadd.s32 $0xC40, s4  }
0xf: {  	s8 =	sadd.s32 $0x500, s15;
	s23 =	sadd.s32 $0x1000, s11;
	[dreg:$0x3] =	wrdreg s4  }
0x10: {  	s1 =	simm.s32 $0x3;
	s24 =	sadd.s32 $0x2000, s11;
	[dreg:$0x5] =	wrdreg s23  }
0x11: {  	s25 =	sadd.s32 $0x3000, s11;
	s26 =	sadd.s32 $0x4000, s11;
	[dreg:$0x6] =	wrdreg s24  }
0x12: {  	v2 =	vlaneseq.u32;
	s11 =	smax.u32 s0, $0x1;
	s0 =	simm.s32 $0x80;
	[dreg:$0x7] =	wrdreg s25  }
0x13: {  	vm0 =	vmmov $0xffff;
	v1 =	vshrl.u32 v2, $0x3;
	s4 =	sadd.s32 $0x100, s15;
	[dreg:$0x8] =	wrdreg s26;
	s23 =	simm.s32 $0xC880  }
0x14: {  	v0 =	vand.u32 $0x7, v2;
	v2 =	vor.u32 $0x8, v2;
	v1 =	vmul.u32 $0x8, v1;
	s24 =	simm.s32 $0xD080;
	s25 =	simm.s32 $0xD880;
	s26 =	simm.s32 $0xE080  }
.LBB2_1:
0x15: {  	s14 =	rddreg [dreg:$0x3];
	s2 =	simm.s32 $0x5  }
0x16: {  	[tilespmem:s3], [sflag:$0x5] =	stream.linear.gather [hbm4b:s14+s3], $0x50, $0x38;
	[tilespmem:$0x10080] =	vst v63  }
0x17: {  	_ =	swait.ge [sflag:s2], $0x50  }
0x18: {  	[sflag:s2] =	ssyncset.done $0x0  }
0x19: {  	[sflag:s2] =	ssyncadd.s32 $0xFFFFFFB0  }
0x1a: {  	v3 =	vld [tilespmem:$0x0];
	_ =	sdelay $0x4  }
0x1b: {  	v4 =	vshll.u32 v3, $0x4  }
0x1c: {  	v3 =	vand.u32 $0x7, v3;
	v4 =	vand.u32 $0xFFFFFF80, v4  }
0x1d: {  	v3 =	vor.u32 v3, v4  }
0x1e: {  	v4 =	vperm.xlane v3, v0;
	_ =	sdelay $0x1  }
0x1f: {  	v4 =	vadd.s32 v1, v4;
	_ =	sdelay $0x4  }
0x20: {  	[tilespmem:s0], [sflag:$0x1] =	stream.indirect_vreg.gather [hbm4b:s15+s3], $0x80, v4, vm0, $0xb8;
	[tilespmem:$0x10080] =	vst v63  }
0x21: {  	s2 =	simm.s32 $0x880  }
0x22: {  	[tilespmem:s2], [sflag:$0x1] =	stream.indirect_vreg.gather [hbm4b:s4+s3], $0x80, v4, vm0, $0xb8;
	[tilespmem:$0x10080] =	vst v63  }
0x23: {  	s12 =	simm.s32 $0x1080  }
0x24: {  	[tilespmem:s12], [sflag:$0x1] =	stream.indirect_vreg.gather [hbm4b:s5+s3], $0x80, v4, vm0, $0xb8;
	[tilespmem:$0x10080] =	vst v63  }
0x25: {  	s14 =	simm.s32 $0x1880  }
0x26: {  	[tilespmem:s14], [sflag:$0x1] =	stream.indirect_vreg.gather [hbm4b:s6+s3], $0x80, v4, vm0, $0xb8;
	[tilespmem:$0x10080] =	vst v63  }
0x27: {  	s12 =	simm.s32 $0x2080  }
0x28: {  	[tilespmem:s12], [sflag:$0x1] =	stream.indirect_vreg.gather [hbm4b:s7+s3], $0x80, v4, vm0, $0xb8;
	[tilespmem:$0x10080] =	vst v63  }
0x29: {  	v3 =	vperm.xlane v3, v2;
	s14 =	simm.s32 $0x2880  }
0x2a: {  	[tilespmem:s14], [sflag:$0x1] =	stream.indirect_vreg.gather [hbm4b:s8+s3], $0x80, v4, vm0, $0xb8;
	[tilespmem:$0x10080] =	vst v63  }
0x2b: {  	v3 =	vadd.s32 v1, v3;
	s14 =	simm.s32 $0x3080  }
0x2c: {  	[tilespmem:s14], [sflag:$0x1] =	stream.indirect_vreg.gather [hbm4b:s9+s3], $0x80, v4, vm0, $0xb8;
	[tilespmem:$0x10080] =	vst v63  }
0x2d: {  	s14 =	simm.s32 $0x3880  }
0x2e: {  	[tilespmem:s14], [sflag:$0x1] =	stream.indirect_vreg.gather [hbm4b:s10+s3], $0x80, v4, vm0, $0xb8;
	[tilespmem:$0x10080] =	vst v63  }
0x2f: {  	s14 =	simm.s32 $0x4080  }
0x30: {  	[tilespmem:s14], [sflag:$0x1] =	stream.indirect_vreg.gather [hbm4b:s15+s3], $0x80, v3, vm0, $0xb8;
	[tilespmem:$0x10080] =	vst v63  }
0x31: {  	s14 =	simm.s32 $0x4880  }
0x32: {  	[tilespmem:s14], [sflag:$0x1] =	stream.indirect_vreg.gather [hbm4b:s4+s3], $0x80, v3, vm0, $0xb8;
	[tilespmem:$0x10080] =	vst v63  }
0x33: {  	s14 =	simm.s32 $0x5080  }
0x34: {  	[tilespmem:s14], [sflag:$0x1] =	stream.indirect_vreg.gather [hbm4b:s5+s3], $0x80, v3, vm0, $0xb8;
	[tilespmem:$0x10080] =	vst v63  }
0x35: {  	s14 =	simm.s32 $0x5880  }
0x36: {  	[tilespmem:s14], [sflag:$0x1] =	stream.indirect_vreg.gather [hbm4b:s6+s3], $0x80, v3, vm0, $0xb8;
	[tilespmem:$0x10080] =	vst v63  }
0x37: {  	s14 =	simm.s32 $0x6080  }
0x38: {  	[tilespmem:s14], [sflag:$0x1] =	stream.indirect_vreg.gather [hbm4b:s7+s3], $0x80, v3, vm0, $0xb8;
	[tilespmem:$0x10080] =	vst v63  }
0x39: {  	s14 =	simm.s32 $0x6880  }
0x3a: {  	[tilespmem:s14], [sflag:$0x1] =	stream.indirect_vreg.gather [hbm4b:s8+s3], $0x80, v3, vm0, $0xb8;
	[tilespmem:$0x10080] =	vst v63  }
0x3b: {  	s14 =	simm.s32 $0x7080  }
0x3c: {  	[tilespmem:s14], [sflag:$0x1] =	stream.indirect_vreg.gather [hbm4b:s9+s3], $0x80, v3, vm0, $0xb8;
	[tilespmem:$0x10080] =	vst v63  }
0x3d: {  	s14 =	simm.s32 $0x7880  }
0x3e: {  	[tilespmem:s14], [sflag:$0x1] =	stream.indirect_vreg.gather [hbm4b:s10+s3], $0x80, v3, vm0, $0xb8;
	[tilespmem:$0x10080] =	vst v63  }
0x3f: {  	v3 =	vld [tilespmem:$0x10];
	_ =	sdelay $0x4  }
0x40: {  	v60 =	vshll.u32 v3, $0x4  }
0x41: {  	v3 =	vand.u32 $0x7, v3;
	v4 =	vand.u32 $0xFFFFFF80, v60  }
0x42: {  	v3 =	vor.u32 v3, v4  }
0x43: {  	v4 =	vperm.xlane v3, v0;
	_ =	sdelay $0x1  }
0x44: {  	v4 =	vadd.s32 v1, v4;
	_ =	sdelay $0x4  }
0x45: {  	[tilespmem:s13], [sflag:$0x2] =	stream.indirect_vreg.gather [hbm4b:s15+s3], $0x80, v4, vm0, $0xb8;
	[tilespmem:$0x10080] =	vst v63  }
0x46: {  	s14 =	simm.s32 $0x8880  }
0x47: {  	[tilespmem:s14], [sflag:$0x2] =	stream.indirect_vreg.gather [hbm4b:s4+s3], $0x80, v4, vm0, $0xb8;
	[tilespmem:$0x10080] =	vst v63  }
0x48: {  	_ = 	snop  }
0x49: {  	[tilespmem:s16], [sflag:$0x2] =	stream.indirect_vreg.gather [hbm4b:s5+s3], $0x80, v4, vm0, $0xb8;
	[tilespmem:$0x10080] =	vst v63  }
0x4a: {  	_ = 	snop  }
0x4b: {  	[tilespmem:s17], [sflag:$0x2] =	stream.indirect_vreg.gather [hbm4b:s6+s3], $0x80, v4, vm0, $0xb8;
	[tilespmem:$0x10080] =	vst v63  }
0x4c: {  	_ = 	snop  }
0x4d: {  	[tilespmem:s18], [sflag:$0x2] =	stream.indirect_vreg.gather [hbm4b:s7+s3], $0x80, v4, vm0, $0xb8;
	[tilespmem:$0x10080] =	vst v63  }
0x4e: {  	v3 =	vperm.xlane v3, v2  }
0x4f: {  	[tilespmem:s19], [sflag:$0x2] =	stream.indirect_vreg.gather [hbm4b:s8+s3], $0x80, v4, vm0, $0xb8;
	[tilespmem:$0x10080] =	vst v63  }
0x50: {  	v3 =	vadd.s32 v1, v3  }
0x51: {  	[tilespmem:s20], [sflag:$0x2] =	stream.indirect_vreg.gather [hbm4b:s9+s3], $0x80, v4, vm0, $0xb8;
	[tilespmem:$0x10080] =	vst v63  }
0x52: {  	_ = 	snop  }
0x53: {  	[tilespmem:s21], [sflag:$0x2] =	stream.indirect_vreg.gather [hbm4b:s10+s3], $0x80, v4, vm0, $0xb8;
	[tilespmem:$0x10080] =	vst v63  }
0x54: {  	_ = 	snop  }
0x55: {  	[tilespmem:s22], [sflag:$0x2] =	stream.indirect_vreg.gather [hbm4b:s15+s3], $0x80, v3, vm0, $0xb8;
	[tilespmem:$0x10080] =	vst v63  }
0x56: {  	_ = 	snop  }
0x57: {  	[tilespmem:s23], [sflag:$0x2] =	stream.indirect_vreg.gather [hbm4b:s4+s3], $0x80, v3, vm0, $0xb8;
	[tilespmem:$0x10080] =	vst v63  }
0x58: {  	_ = 	snop  }
0x59: {  	[tilespmem:s24], [sflag:$0x2] =	stream.indirect_vreg.gather [hbm4b:s5+s3], $0x80, v3, vm0, $0xb8;
	[tilespmem:$0x10080] =	vst v63  }
0x5a: {  	_ = 	snop  }
0x5b: {  	[tilespmem:s25], [sflag:$0x2] =	stream.indirect_vreg.gather [hbm4b:s6+s3], $0x80, v3, vm0, $0xb8;
	[tilespmem:$0x10080] =	vst v63  }
0x5c: {  	_ = 	snop  }
0x5d: {  	[tilespmem:s26], [sflag:$0x2] =	stream.indirect_vreg.gather [hbm4b:s7+s3], $0x80, v3, vm0, $0xb8;
	[tilespmem:$0x10080] =	vst v63  }
0x5e: {  	_ = 	snop  }
0x5f: {  	[tilespmem:s28], [sflag:$0x2] =	stream.indirect_vreg.gather [hbm4b:s8+s3], $0x80, v3, vm0, $0xb8;
	[tilespmem:$0x10080] =	vst v63  }
0x60: {  	_ = 	snop  }
0x61: {  	[tilespmem:s29], [sflag:$0x2] =	stream.indirect_vreg.gather [hbm4b:s9+s3], $0x80, v3, vm0, $0xb8;
	[tilespmem:$0x10080] =	vst v63  }
0x62: {  	_ = 	snop  }
0x63: {  	[tilespmem:s30], [sflag:$0x2] =	stream.indirect_vreg.gather [hbm4b:s10+s3], $0x80, v3, vm0, $0xb8;
	[tilespmem:$0x10080] =	vst v63  }
0x64: {  	_ =	swait.ge [sflag:s31], $0x8000  }
0x65: {  	[sflag:s31] =	ssyncset.done $0x0  }
0x66: {  	s2 =	rddreg [dreg:$0x4];
	[sflag:s31] =	ssyncadd.s32 $0xFFFF8000  }
0x67: {  	[hbm4b:s2+s3] =	stream.linear.scatter [tilespmem:s0], [sflag:$0x3], $0x8000, $0x38;
	[tilespmem:$0x10080] =	vst v63  }
0x68: {  	_ =	swait.ge [sflag:s1], $0x8000  }
0x69: {  	[sflag:s1] =	ssyncset.done $0x0  }
0x6a: {  	[sflag:s1] =	ssyncadd.s32 $0xFFFF8000  }
0x6b: {  	v3 =	vld [tilespmem:$0x20];
	_ =	sdelay $0x4  }
0x6c: {  	v61 =	vshll.u32 v3, $0x4  }
0x6d: {  	v3 =	vand.u32 $0x7, v3;
	v4 =	vand.u32 $0xFFFFFF80, v61  }
0x6e: {  	v3 =	vor.u32 v3, v4  }
0x6f: {  	v4 =	vperm.xlane v3, v0;
	_ =	sdelay $0x1  }
0x70: {  	v4 =	vadd.s32 v1, v4;
	_ =	sdelay $0x4  }
0x71: {  	[tilespmem:s0], [sflag:$0x1] =	stream.indirect_vreg.gather [hbm4b:s15+s3], $0x80, v4, vm0, $0xb8;
	[tilespmem:$0x10080] =	vst v63  }
0x72: {  	s14 =	simm.s32 $0x880  }
0x73: {  	[tilespmem:s14], [sflag:$0x1] =	stream.indirect_vreg.gather [hbm4b:s4+s3], $0x80, v4, vm0, $0xb8;
	[tilespmem:$0x10080] =	vst v63  }
0x74: {  	s14 =	simm.s32 $0x1080  }
0x75: {  	[tilespmem:s14], [sflag:$0x1] =	stream.indirect_vreg.gather [hbm4b:s5+s3], $0x80, v4, vm0, $0xb8;
	[tilespmem:$0x10080] =	vst v63  }
0x76: {  	s14 =	simm.s32 $0x1880  }
0x77: {  	[tilespmem:s14], [sflag:$0x1] =	stream.indirect_vreg.gather [hbm4b:s6+s3], $0x80, v4, vm0, $0xb8;
	[tilespmem:$0x10080] =	vst v63  }
0x78: {  	s12 =	simm.s32 $0x2080  }
0x79: {  	[tilespmem:s12], [sflag:$0x1] =	stream.indirect_vreg.gather [hbm4b:s7+s3], $0x80, v4, vm0, $0xb8;
	[tilespmem:$0x10080] =	vst v63  }
0x7a: {  	v3 =	vperm.xlane v3, v2;
	s14 =	simm.s32 $0x2880  }
0x7b: {  	[tilespmem:s14], [sflag:$0x1] =	stream.indirect_vreg.gather [hbm4b:s8+s3], $0x80, v4, vm0, $0xb8;
	[tilespmem:$0x10080] =	vst v63  }
0x7c: {  	v3 =	vadd.s32 v1, v3;
	s12 =	simm.s32 $0x3080  }
0x7d: {  	[tilespmem:s12], [sflag:$0x1] =	stream.indirect_vreg.gather [hbm4b:s9+s3], $0x80, v4, vm0, $0xb8;
	[tilespmem:$0x10080] =	vst v63  }
0x7e: {  	s14 =	simm.s32 $0x3880  }
0x7f: {  	[tilespmem:s14], [sflag:$0x1] =	stream.indirect_vreg.gather [hbm4b:s10+s3], $0x80, v4, vm0, $0xb8;
	[tilespmem:$0x10080] =	vst v63  }
0x80: {  	s12 =	simm.s32 $0x4080  }
0x81: {  	[tilespmem:s12], [sflag:$0x1] =	stream.indirect_vreg.gather [hbm4b:s15+s3], $0x80, v3, vm0, $0xb8;
	[tilespmem:$0x10080] =	vst v63  }
0x82: {  	s14 =	simm.s32 $0x4880  }
0x83: {  	[tilespmem:s14], [sflag:$0x1] =	stream.indirect_vreg.gather [hbm4b:s4+s3], $0x80, v3, vm0, $0xb8;
	[tilespmem:$0x10080] =	vst v63  }
0x84: {  	s12 =	simm.s32 $0x5080  }
0x85: {  	[tilespmem:s12], [sflag:$0x1] =	stream.indirect_vreg.gather [hbm4b:s5+s3], $0x80, v3, vm0, $0xb8;
	[tilespmem:$0x10080] =	vst v63  }
0x86: {  	s14 =	simm.s32 $0x5880  }
0x87: {  	[tilespmem:s14], [sflag:$0x1] =	stream.indirect_vreg.gather [hbm4b:s6+s3], $0x80, v3, vm0, $0xb8;
	[tilespmem:$0x10080] =	vst v63  }
0x88: {  	s12 =	simm.s32 $0x6080  }
0x89: {  	[tilespmem:s12], [sflag:$0x1] =	stream.indirect_vreg.gather [hbm4b:s7+s3], $0x80, v3, vm0, $0xb8;
	[tilespmem:$0x10080] =	vst v63  }
0x8a: {  	s14 =	simm.s32 $0x6880  }
0x8b: {  	[tilespmem:s14], [sflag:$0x1] =	stream.indirect_vreg.gather [hbm4b:s8+s3], $0x80, v3, vm0, $0xb8;
	[tilespmem:$0x10080] =	vst v63  }
0x8c: {  	s12 =	simm.s32 $0x7080  }
0x8d: {  	[tilespmem:s12], [sflag:$0x1] =	stream.indirect_vreg.gather [hbm4b:s9+s3], $0x80, v3, vm0, $0xb8;
	[tilespmem:$0x10080] =	vst v63  }
0x8e: {  	s14 =	simm.s32 $0x7880;
	s12 =	simm.s32 $0x2  }
0x8f: {  	[tilespmem:s14], [sflag:$0x1] =	stream.indirect_vreg.gather [hbm4b:s10+s3], $0x80, v3, vm0, $0xb8;
	[tilespmem:$0x10080] =	vst v63  }
0x90: {  	_ =	swait.ge [sflag:s12], $0x8000  }
0x91: {  	[sflag:s12] =	ssyncset.done $0x0  }
0x92: {  	s2 =	rddreg [dreg:$0x5];
	[sflag:s12] =	ssyncadd.s32 $0xFFFF8000  }
0x93: {  	[hbm4b:s2+s3] =	stream.linear.scatter [tilespmem:s13], [sflag:$0x4], $0x8000, $0x38;
	[tilespmem:$0x10080] =	vst v63  }
0x94: {  	s2 =	simm.s32 $0x4  }
0x95: {  	_ =	swait.ge [sflag:s2], $0x8000  }
0x96: {  	[sflag:s2] =	ssyncset.done $0x0  }
0x97: {  	[sflag:s2] =	ssyncadd.s32 $0xFFFF8000  }
0x98: {  	v3 =	vld [tilespmem:$0x30];
	_ =	sdelay $0x4  }
0x99: {  	v62 =	vshll.u32 v3, $0x4  }
0x9a: {  	v3 =	vand.u32 $0x7, v3;
	v4 =	vand.u32 $0xFFFFFF80, v62  }
0x9b: {  	v3 =	vor.u32 v3, v4  }
0x9c: {  	v4 =	vperm.xlane v3, v0;
	_ =	sdelay $0x1  }
0x9d: {  	v4 =	vadd.s32 v1, v4;
	_ =	sdelay $0x4  }
0x9e: {  	[tilespmem:s13], [sflag:$0x2] =	stream.indirect_vreg.gather [hbm4b:s15+s3], $0x80, v4, vm0, $0xb8;
	[tilespmem:$0x10080] =	vst v63  }
0x9f: {  	s14 =	simm.s32 $0x8880  }
0xa0: {  	[tilespmem:s14], [sflag:$0x2] =	stream.indirect_vreg.gather [hbm4b:s4+s3], $0x80, v4, vm0, $0xb8;
	[tilespmem:$0x10080] =	vst v63  }
0xa1: {  	_ = 	snop  }
0xa2: {  	[tilespmem:s16], [sflag:$0x2] =	stream.indirect_vreg.gather [hbm4b:s5+s3], $0x80, v4, vm0, $0xb8;
	[tilespmem:$0x10080] =	vst v63  }
0xa3: {  	_ = 	snop  }
0xa4: {  	[tilespmem:s17], [sflag:$0x2] =	stream.indirect_vreg.gather [hbm4b:s6+s3], $0x80, v4, vm0, $0xb8;
	[tilespmem:$0x10080] =	vst v63  }
0xa5: {  	_ = 	snop  }
0xa6: {  	[tilespmem:s18], [sflag:$0x2] =	stream.indirect_vreg.gather [hbm4b:s7+s3], $0x80, v4, vm0, $0xb8;
	[tilespmem:$0x10080] =	vst v63  }
0xa7: {  	v3 =	vperm.xlane v3, v2  }
0xa8: {  	[tilespmem:s19], [sflag:$0x2] =	stream.indirect_vreg.gather [hbm4b:s8+s3], $0x80, v4, vm0, $0xb8;
	[tilespmem:$0x10080] =	vst v63  }
0xa9: {  	v3 =	vadd.s32 v1, v3  }
0xaa: {  	[tilespmem:s20], [sflag:$0x2] =	stream.indirect_vreg.gather [hbm4b:s9+s3], $0x80, v4, vm0, $0xb8;
	[tilespmem:$0x10080] =	vst v63  }
0xab: {  	_ = 	snop  }
0xac: {  	[tilespmem:s21], [sflag:$0x2] =	stream.indirect_vreg.gather [hbm4b:s10+s3], $0x80, v4, vm0, $0xb8;
	[tilespmem:$0x10080] =	vst v63  }
0xad: {  	_ = 	snop  }
0xae: {  	[tilespmem:s22], [sflag:$0x2] =	stream.indirect_vreg.gather [hbm4b:s15+s3], $0x80, v3, vm0, $0xb8;
	[tilespmem:$0x10080] =	vst v63  }
0xaf: {  	_ = 	snop  }
0xb0: {  	[tilespmem:s23], [sflag:$0x2] =	stream.indirect_vreg.gather [hbm4b:s4+s3], $0x80, v3, vm0, $0xb8;
	[tilespmem:$0x10080] =	vst v63  }
0xb1: {  	_ = 	snop  }
0xb2: {  	[tilespmem:s24], [sflag:$0x2] =	stream.indirect_vreg.gather [hbm4b:s5+s3], $0x80, v3, vm0, $0xb8;
	[tilespmem:$0x10080] =	vst v63  }
0xb3: {  	_ = 	snop  }
0xb4: {  	[tilespmem:s25], [sflag:$0x2] =	stream.indirect_vreg.gather [hbm4b:s6+s3], $0x80, v3, vm0, $0xb8;
	[tilespmem:$0x10080] =	vst v63  }
0xb5: {  	_ = 	snop  }
0xb6: {  	[tilespmem:s26], [sflag:$0x2] =	stream.indirect_vreg.gather [hbm4b:s7+s3], $0x80, v3, vm0, $0xb8;
	[tilespmem:$0x10080] =	vst v63  }
0xb7: {  	_ = 	snop  }
0xb8: {  	[tilespmem:s28], [sflag:$0x2] =	stream.indirect_vreg.gather [hbm4b:s8+s3], $0x80, v3, vm0, $0xb8;
	[tilespmem:$0x10080] =	vst v63  }
0xb9: {  	_ = 	snop  }
0xba: {  	[tilespmem:s29], [sflag:$0x2] =	stream.indirect_vreg.gather [hbm4b:s9+s3], $0x80, v3, vm0, $0xb8;
	[tilespmem:$0x10080] =	vst v63  }
0xbb: {  	_ = 	snop  }
0xbc: {  	[tilespmem:s30], [sflag:$0x2] =	stream.indirect_vreg.gather [hbm4b:s10+s3], $0x80, v3, vm0, $0xb8;
	[tilespmem:$0x10080] =	vst v63  }
0xbd: {  	_ =	swait.ge [sflag:s31], $0x8000  }
0xbe: {  	[sflag:s31] =	ssyncset.done $0x0  }
0xbf: {  	s14 =	rddreg [dreg:$0x6];
	[sflag:s31] =	ssyncadd.s32 $0xFFFF8000  }
0xc0: {  	[hbm4b:s14+s3] =	stream.linear.scatter [tilespmem:s0], [sflag:$0x3], $0x8000, $0x38;
	[tilespmem:$0x10080] =	vst v63  }
0xc1: {  	_ =	swait.ge [sflag:s1], $0x8000  }
0xc2: {  	[sflag:s1] =	ssyncset.done $0x0  }
0xc3: {  	[sflag:s1] =	ssyncadd.s32 $0xFFFF8000  }
0xc4: {  	v3 =	vld [tilespmem:$0x40];
	_ =	sdelay $0x4  }
0xc5: {  	v63 =	vshll.u32 v3, $0x4  }
0xc6: {  	v3 =	vand.u32 $0x7, v3;
	v4 =	vand.u32 $0xFFFFFF80, v63  }
0xc7: {  	v3 =	vor.u32 v3, v4  }
0xc8: {  	v4 =	vperm.xlane v3, v0;
	_ =	sdelay $0x1  }
0xc9: {  	v4 =	vadd.s32 v1, v4;
	_ =	sdelay $0x4  }
0xca: {  	[tilespmem:s0], [sflag:$0x1] =	stream.indirect_vreg.gather [hbm4b:s15+s3], $0x80, v4, vm0, $0xb8;
	[tilespmem:$0x10080] =	vst v63  }
0xcb: {  	s14 =	simm.s32 $0x880  }
0xcc: {  	[tilespmem:s14], [sflag:$0x1] =	stream.indirect_vreg.gather [hbm4b:s4+s3], $0x80, v4, vm0, $0xb8;
	[tilespmem:$0x10080] =	vst v63  }
0xcd: {  	s14 =	simm.s32 $0x1080  }
0xce: {  	[tilespmem:s14], [sflag:$0x1] =	stream.indirect_vreg.gather [hbm4b:s5+s3], $0x80, v4, vm0, $0xb8;
	[tilespmem:$0x10080] =	vst v63  }
0xcf: {  	s14 =	simm.s32 $0x1880  }
0xd0: {  	[tilespmem:s14], [sflag:$0x1] =	stream.indirect_vreg.gather [hbm4b:s6+s3], $0x80, v4, vm0, $0xb8;
	[tilespmem:$0x10080] =	vst v63  }
0xd1: {  	s14 =	simm.s32 $0x2080  }
0xd2: {  	[tilespmem:s14], [sflag:$0x1] =	stream.indirect_vreg.gather [hbm4b:s7+s3], $0x80, v4, vm0, $0xb8;
	[tilespmem:$0x10080] =	vst v63  }
0xd3: {  	v3 =	vperm.xlane v3, v2;
	s14 =	simm.s32 $0x2880  }
0xd4: {  	[tilespmem:s14], [sflag:$0x1] =	stream.indirect_vreg.gather [hbm4b:s8+s3], $0x80, v4, vm0, $0xb8;
	[tilespmem:$0x10080] =	vst v63  }
0xd5: {  	v3 =	vadd.s32 v1, v3;
	s14 =	simm.s32 $0x3080  }
0xd6: {  	[tilespmem:s14], [sflag:$0x1] =	stream.indirect_vreg.gather [hbm4b:s9+s3], $0x80, v4, vm0, $0xb8;
	[tilespmem:$0x10080] =	vst v63  }
0xd7: {  	s14 =	simm.s32 $0x3880  }
0xd8: {  	[tilespmem:s14], [sflag:$0x1] =	stream.indirect_vreg.gather [hbm4b:s10+s3], $0x80, v4, vm0, $0xb8;
	[tilespmem:$0x10080] =	vst v63  }
0xd9: {  	s14 =	simm.s32 $0x4080  }
0xda: {  	[tilespmem:s14], [sflag:$0x1] =	stream.indirect_vreg.gather [hbm4b:s15+s3], $0x80, v3, vm0, $0xb8;
	[tilespmem:$0x10080] =	vst v63  }
0xdb: {  	s14 =	simm.s32 $0x4880  }
0xdc: {  	[tilespmem:s14], [sflag:$0x1] =	stream.indirect_vreg.gather [hbm4b:s4+s3], $0x80, v3, vm0, $0xb8;
	[tilespmem:$0x10080] =	vst v63  }
0xdd: {  	s14 =	simm.s32 $0x5080  }
0xde: {  	[tilespmem:s14], [sflag:$0x1] =	stream.indirect_vreg.gather [hbm4b:s5+s3], $0x80, v3, vm0, $0xb8;
	[tilespmem:$0x10080] =	vst v63  }
0xdf: {  	s14 =	simm.s32 $0x5880  }
0xe0: {  	[tilespmem:s14], [sflag:$0x1] =	stream.indirect_vreg.gather [hbm4b:s6+s3], $0x80, v3, vm0, $0xb8;
	[tilespmem:$0x10080] =	vst v63  }
0xe1: {  	s14 =	simm.s32 $0x6080  }
0xe2: {  	[tilespmem:s14], [sflag:$0x1] =	stream.indirect_vreg.gather [hbm4b:s7+s3], $0x80, v3, vm0, $0xb8;
	[tilespmem:$0x10080] =	vst v63  }
0xe3: {  	s14 =	simm.s32 $0x6880  }
0xe4: {  	[tilespmem:s14], [sflag:$0x1] =	stream.indirect_vreg.gather [hbm4b:s8+s3], $0x80, v3, vm0, $0xb8;
	[tilespmem:$0x10080] =	vst v63  }
0xe5: {  	s14 =	simm.s32 $0x7080  }
0xe6: {  	[tilespmem:s14], [sflag:$0x1] =	stream.indirect_vreg.gather [hbm4b:s9+s3], $0x80, v3, vm0, $0xb8;
	[tilespmem:$0x10080] =	vst v63  }
0xe7: {  	s14 =	simm.s32 $0x7880  }
0xe8: {  	[tilespmem:s14], [sflag:$0x1] =	stream.indirect_vreg.gather [hbm4b:s10+s3], $0x80, v3, vm0, $0xb8;
	[tilespmem:$0x10080] =	vst v63  }
0xe9: {  	_ =	swait.ge [sflag:s12], $0x8000  }
0xea: {  	[sflag:s12] =	ssyncset.done $0x0  }
0xeb: {  	s14 =	rddreg [dreg:$0x7];
	[sflag:s12] =	ssyncadd.s32 $0xFFFF8000  }
0xec: {  	[hbm4b:s14+s3] =	stream.linear.scatter [tilespmem:s13], [sflag:$0x4], $0x8000, $0x38;
	[tilespmem:$0x10080] =	vst v63  }
0xed: {  	_ =	swait.ge [sflag:s31], $0x8000  }
0xee: {  	[sflag:s31] =	ssyncset.done $0x0  }
0xef: {  	s12 =	rddreg [dreg:$0x8];
	[sflag:s31] =	ssyncadd.s32 $0xFFFF8000  }
0xf0: {  	[hbm4b:s12+s3] =	stream.linear.scatter [tilespmem:s0], [sflag:$0x3], $0x8000, $0x38;
	[tilespmem:$0x10080] =	vst v63  }
0xf1: {  	p0 =	sne.s32 s11, $0x1;
	_ =	swait.ge [sflag:s2], $0x8000  }
.Ltmp0:
0xf2: {  	[sflag:s2] =	ssyncset.done $0x0;
	(pc) =	sbr.rel @p0 .LBB2_1-.Ltmp0, $4  }
0xf3: {  	[sflag:s2] =	ssyncadd.s32 $0xFFFF8000  }
0xf4: {  	_ =	swait.ge [sflag:s1], $0x8000  }
0xf5: {  	[sflag:s1] =	ssyncset.done $0x0  }
0xf6: {  	s11 =	sadd.s32 $0xFFFFFFFF, s11;
	[sflag:s1] =	ssyncadd.s32 $0xFFFF8000  }
0xf7: {  	_ =	sfence.sel $0x180000  }
0xf8: {  	[bflag:$0x0] =	sbarrier.arrive $0xFFFF  }
0xf9: {  	_ =	strace $0x9000004D  }
0xfa: {  	s0 =	stileid.u32;
	[bflag:$0x2] =	sbarrier.arrive $0xFFFF  }
0xfb: {  	p0 =	sne.s32 s0, $0x0;
	s0 =	rddreg [dreg:$0x2]  }
0xfc: {  	s0 =	sadd.s32 @!p0 $0x100000, s0  }
0xfd: {  	[sflag:s0] =	ssyncadd.tile.s32 @!p0 $0x1;
	_ =	shalt  }
.Lfunc_end2:
_tile_overlayer_lowered:
.L_overlay_start_2:
0xfe: {  	(tag) =	ssettag $0x2  }
0xff: {  	s0 =	rddreg [dreg:$0x0];
	s2 =	stileid.u32  }
0x100: {  	s1 =	rddreg [dreg:$0x1];
	p0 =	sne.s32 s2, $0x0  }
0x101: {  	s3 =	rddreg [dreg:$0x2];
	[bflag:$0x3] =	sbarrier.arrive $0xFFFF;
	s2 =	simm.s32 @!p0 $0x1C05  }
0x102: {  	[timem:s3], [sflag:s2] =	dma.local @!p0 [hbm:s0], s1  }
0x103: {  	s0 =	simm.s32 @!p0 $0x5  }
0x104: {  	_ =	swait.ge @!p0 [sflag:s0], s1  }
0x105: {  	s1 =	ssub.s32 @!p0 $0x0, s1;
	[sflag:s0] =	ssyncset.done @!p0 $0x0  }
0x106: {  	[sflag:s0] =	ssyncadd.s32 @!p0 s1  }
0x107: {  	[bflag:$0x3] =	sbarrier.arrive $0xFFFF  }
0x108: {  	_ =	shalt  }

// kernel: kernel.16.cloned.1.call-start
scs
__scs_entry_jumppad:
0x0: {  	(pc) =	sbr.rel $0x88, $3  }
0x1: {  	(tag) =	ssettag $0x0;
	lr =	simm.s32 $0x1  }
0x2: {  	[smem:$0x3F9C] =	sst lr;
	_ =	strace $0xD0000000  }
0x3: {  	_ = 	snop  }
0x4: {  	_ = 	snop  }
0x5: {  	_ = 	snop  }
0x6: {  	_ = 	snop  }
0x7: {  	_ = 	snop  }
__scs_overlays_trampoline_lowered:
0x8: {  	[smem:$0x3FAB] =	sst s0  }
0x9: {  	[smem:$0x3FAC] =	sst s1  }
0xa: {  	[smem:$0x3FAD] =	sst s2  }
0xb: {  	[smem:$0x3FAE] =	sst s3  }
0xc: {  	[smem:$0x3FAF] =	sst s4  }
0xd: {  	[smem:$0x3FB0] =	sst s5  }
0xe: {  	[smem:$0x3FB1] =	sst s6  }
0xf: {  	[smem:$0x3FB2] =	sst s7  }
0x10: {  	[smem:$0x3FB3] =	sst s8  }
0x11: {  	[smem:$0x3FB4] =	sst s9;
	s0 =	simm.s32 @!p0 $0x0  }
0x12: {  	s1 =	sld [smem:$0x3F9A];
	s0 =	simm.s32 @p0 $0x1  }
0x13: {  	[smem:$0x3FB5] =	sst s0;
	s0 =	simm.s32 @!p1 $0x0  }
0x14: {  	s2 =	sld [smem:$0x3F99];
	s0 =	simm.s32 @p1 $0x1  }
0x15: {  	[smem:$0x3FB6] =	sst s0;
	s0 =	simm.s32 @!p2 $0x0  }
0x16: {  	s3 =	sld [smem:$0x3FDB];
	s0 =	simm.s32 @p2 $0x1  }
0x17: {  	s4 =	simm.s32 $0x1BF5;
	[smem:$0x3FB8] =	sst s0  }
0x18: {  	s0 =	sld [smem:$0x3F9B];
	_ =	swait.ge [sflag:s4], $0x0  }
0x19: {  	s7 =	sld [smem:$0x3F9C]  }
0x1a: {  	s8 =	sadd.s32 $0xFFFFE003, lr  }
0x1b: {  	s9 =	sadd.s32 $0xFFFFFEF7, lr;
	s5 =	simm.s32 $0xFFFFFFFF;
	p2 =	slt.u32 s8, $0xFFFFF086  }
0x1c: {  	p1 =	slt.u32 s9, $0xF7A;
	s5 =	simm.s32 @!p2 $0x0  }
0x1d: {  	s5 =	simm.s32 @p1 $0x1;
	p0 =	seq.s32 s7, s2  }
0x1e: {  	s7 =	smul.u32 @!p0 $0xF7A, s2;
	p2 =	seq.s32 @!p0 s5, $0x0  }
0x1f: {  	s9 =	smul.u32 $0xF7A, s1;
	s8 =	simm.s32 @!p0 $0x1BF5;
	p2 =	por !p2, p0  }
0x20: {  	[sflag:s8] =	ssyncset.s32 @!p0 $0xFFFFF086;
	s6 =	sadd.s32 @!p0 s3, s7;
	s7 =	simm.s32 @!p0 $0x108  }
0x21: {  	s3 =	sadd.s32 s3, s9;
	s6 =	sadd.s32 @!p0 $0x88, s6;
	s7 =	simm.s32 @p2 $0x1082  }
0x22: {  	[simem:s7], [sflag:s8] =	dma.local @!p0 [hbm:s6], $0xF7A  }
0x23: {  	s9 =	sor.u32 $0xD0000000, s2;
	s6 =	simm.s32 $0x108;
	_ =	swait.ge @!p0 [sflag:s8], $0x0  }
0x24: {  	s3 =	sadd.s32 $0x88, s3;
	s6 =	simm.s32 @!p1 $0x1082;
	[sflag:s4] =	ssyncset.s32 $0xFFFFF086  }
0x25: {  	[simem:s6], [sflag:s4] =	dma.local [hbm:s3], $0xF7A  }
0x26: {  	[smem:$0x3F9C] =	sst s1;
	(tag) =	ssettag s2;
	_ =	strace s9  }
0x27: {  	s1 =	sld [smem:$0x3FAC]  }
0x28: {  	s2 =	sld [smem:$0x3FAD]  }
0x29: {  	s4 =	sld [smem:$0x3FAF]  }
0x2a: {  	p0 =	seq.s32 s5, $0x0;
	s5 =	sld [smem:$0x3FB0]  }
0x2b: {  	s6 =	sld [smem:$0x3FB1]  }
0x2c: {  	s7 =	sld [smem:$0x3FB2]  }
0x2d: {  	s3 =	simm.s32 $0x108;
	s8 =	sld [smem:$0x3FB3]  }
0x2e: {  	s3 =	simm.s32 @!p0 $0x1082;
	s9 =	sld [smem:$0x3FB4]  }
0x2f: {  	lr =	sadd.s32 s0, s3;
	s0 =	sld [smem:$0x3FAB]  }
0x30: {  	s3 =	sld [smem:$0x3FAE]  }
0x31: {  	[smem:$0x3FB7] =	sst s10  }
0x32: {  	s10 =	sld [smem:$0x3FB5];
	_ =	sdelay $0x3  }
0x33: {  	p0 =	seq.s32 s10, $0x1;
	s10 =	sld [smem:$0x3FB7];
	_ =	sdelay $0x3  }
0x34: {  	[smem:$0x3FB7] =	sst s10  }
0x35: {  	s10 =	sld [smem:$0x3FB6];
	_ =	sdelay $0x3  }
0x36: {  	p1 =	seq.s32 s10, $0x1;
	s10 =	sld [smem:$0x3FB7];
	_ =	sdelay $0x3  }
0x37: {  	[smem:$0x3FB7] =	sst s10  }
0x38: {  	s10 =	sld [smem:$0x3FB8]  }
0x39: {  	_ = 	snop;
	(pc) =	sbr.ind lr, $3  }
0x3a: {  	_ = 	snop  }
0x3b: {  	_ = 	snop  }
0x3c: {  	p2 =	seq.s32 s10, $0x1;
	s10 =	sld [smem:$0x3FB7]  }
0x3d: {  	_ =	shalt  }
0x3e: {  	_ =	shalt  }
0x3f: {  	_ =	shalt  }
0x40: {  	_ =	shalt  }
0x41: {  	_ =	shalt  }
0x42: {  	_ =	shalt  }
0x43: {  	_ =	shalt  }
0x44: {  	_ =	shalt  }
0x45: {  	_ =	shalt  }
0x46: {  	_ =	shalt  }
0x47: {  	_ =	shalt  }
0x48: {  	_ =	shalt  }
0x49: {  	_ =	shalt  }
0x4a: {  	_ =	shalt  }
0x4b: {  	_ =	shalt  }
0x4c: {  	_ =	shalt  }
0x4d: {  	_ =	shalt  }
0x4e: {  	_ =	shalt  }
0x4f: {  	_ =	shalt  }
0x50: {  	_ =	shalt  }
0x51: {  	_ =	shalt  }
0x52: {  	_ =	shalt  }
0x53: {  	_ =	shalt  }
0x54: {  	_ =	shalt  }
0x55: {  	_ =	shalt  }
0x56: {  	_ =	shalt  }
0x57: {  	_ =	shalt  }
0x58: {  	_ =	shalt  }
0x59: {  	_ =	shalt  }
0x5a: {  	_ =	shalt  }
0x5b: {  	_ =	shalt  }
0x5c: {  	_ =	shalt  }
0x5d: {  	_ =	shalt  }
0x5e: {  	_ =	shalt  }
0x5f: {  	_ =	shalt  }
0x60: {  	_ =	shalt  }
0x61: {  	_ =	shalt  }
0x62: {  	_ =	shalt  }
0x63: {  	_ =	shalt  }
0x64: {  	_ =	shalt  }
0x65: {  	_ =	shalt  }
0x66: {  	_ =	shalt  }
0x67: {  	_ =	shalt  }
0x68: {  	_ =	shalt  }
0x69: {  	_ =	shalt  }
0x6a: {  	_ =	shalt  }
0x6b: {  	_ =	shalt  }
0x6c: {  	_ =	shalt  }
0x6d: {  	_ =	shalt  }
0x6e: {  	_ =	shalt  }
0x6f: {  	_ =	shalt  }
0x70: {  	_ =	shalt  }
0x71: {  	_ =	shalt  }
0x72: {  	_ =	shalt  }
0x73: {  	_ =	shalt  }
0x74: {  	_ =	shalt  }
0x75: {  	_ =	shalt  }
0x76: {  	_ =	shalt  }
0x77: {  	_ =	shalt  }
0x78: {  	_ =	shalt  }
0x79: {  	_ =	shalt  }
0x7a: {  	_ =	shalt  }
0x7b: {  	_ =	shalt  }
0x7c: {  	_ =	shalt  }
0x7d: {  	_ =	shalt  }
0x7e: {  	_ =	shalt  }
0x7f: {  	_ =	shalt  }
0x80: {  	_ =	shalt  }
0x81: {  	_ =	shalt  }
0x82: {  	_ =	shalt  }
0x83: {  	_ =	shalt  }
0x84: {  	_ =	shalt  }
0x85: {  	_ =	shalt  }
0x86: {  	_ =	shalt  }
0x87: {  	_ =	shalt  }
.Lfunc_end0:
.L_simem_size_0:
called_computation.5_lowered:
.L_overlay_start_0:
0x88: {  	s2 =	sld [smem:$0x3FD9]  }
0x89: {  	s3 =	sld [smem:$0x3FFE];
	_ =	sdelay $0x1  }
0x8a: {  	s1 =	srdreg.scid  }
0x8b: {  	s0 =	sand.u32 $0x1, s1  }
0x8c: {  	s17 =	sshll.u32 s0, $0xA;
	s2 =	sadd.s32 s3, s2  }
0x8d: {  	s2 =	sadd.s32 s2, s17  }
0x8e: {  	[smem:$0x3FC3] =	sst s2  }
0x8f: {  	_ = 	snop  }
0x90: {  	s18 =	sld [smem:$0x3FC9];
	(tm) =	ssettm $0x1  }
0x91: {  	s19 =	sld [smem:$0x3FFB];
	_ =	sdelay $0x3  }
0x92: {  	_ =	strace s19  }
0x93: {  	s2 =	sld [smem:$0x3FFC];
	_ =	sdelay $0x3  }
0x94: {  	_ =	strace s2  }
0x95: {  	s2 =	sld [smem:$0x3FFD];
	_ =	sdelay $0x3  }
0x96: {  	_ =	strace s2  }
0x97: {  	_ =	strace $0x8FFFFFFF  }
0x98: {  	s20 =	sld [smem:$0x3FDB];
	_ =	sdelay $0x1  }
0x99: {  	s4 =	simm.s32 $_scs_section_size  }
0x9a: {  	s5 =	simm.s32 $_size__tile_overlayer_lowered;
	s6 =	simm.s32 $_tile_overlayer_lowered  }
0x9b: {  	s7 =	simm.s32 $0x1BFF;
	s21 =	sshll.u32 s6, $0x1;
	s4 =	sadd.s32 s4, s20  }
0x9c: {  	s22 =	simm.s32 $0x0;
	s5 =	sshll.u32 s5, $0x1;
	s6 =	sadd.s32 s21, s4  }
0x9d: {  	[timem:s22], [sflag:s7] =	dma.local [hbm:s6], s5  }
0x9e: {  	_ =	swait.ge [sflag:s7], s5  }
0x9f: {  	s5 =	ssub.s32 $0x0, s5;
	[sflag:s7] =	ssyncset.done $0x0  }
0xa0: {  	[sflag:s7] =	ssyncadd.s32 s5;
	_ =	sdelay $0x1  }
0xa1: {  	s23 =	simm.s32 $0x1B8B  }
0xa2: {  	_ =	swait.ge [sflag:s23], $0x1  }
0xa3: {  	[sflag:s23] =	ssyncset.done $0x0  }
0xa4: {  	[sflag:s23] =	ssyncadd.s32 $0xFFFFFFFF  }
0xa5: {  	s5 =	sld [smem:$0x0]  }
0xa6: {  	s6 =	sand.u32 $0xFFFFFFFE, s1  }
0xa7: {  	p0 =	sne.s32 s1, s6  }
0xa8: {  	s6 =	sshll.u32 @p0 s6, $0xE  }
0xa9: {  	s6 =	sadd.s32 @p0 $0x11B8D, s6;
	s7 =	sshll.u32 @p0 s5, $0x11  }
0xaa: {  	s6 =	sor.u32 @p0 s7, s6  }
0xab: {  	[sflag:s6] =	ssyncadd.remote.s32 @p0 $0x1;
	_ =	sdelay $0x1  }
0xac: {  	s6 =	simm.s32 @p0 $0x1B8D  }
0xad: {  	_ =	swait.eq @p0 [sflag:s6], $0x1  }
0xae: {  	[sflag:s6] =	ssyncadd.s32 @p0 $0xFFFFFFFF  }
0xaf: {  	s7 =	sshll.u32 @!p0 s1, $0xE  }
0xb0: {  	s7 =	sor.u32 @!p0 $0x4000, s7;
	s6 =	simm.s32 @!p0 $0x1B8D  }
0xb1: {  	s5 =	sshll.u32 @!p0 s5, $0x11;
	s7 =	sadd.s32 @!p0 $0x11B8D, s7;
	_ =	swait.eq @!p0 [sflag:s6], $0x1  }
0xb2: {  	s5 =	sor.u32 @!p0 s5, s7;
	[sflag:s6] =	ssyncadd.s32 @!p0 $0xFFFFFFFF  }
0xb3: {  	s25 =	simm.s32 $0x1B8E;
	s24 =	sld [smem:$0x3FFE];
	[sflag:s5] =	ssyncadd.remote.s32 @!p0 $0x1  }
0xb4: {  	s26 =	simm.s32 $execute0_lowered;
	[smem:$0x3FD2] =	sst s25  }
0xb5: {  	s6 =	sshll.u32 s26, $0x1;
	_ =	strace $0x80000052;
	[dreg:$0x1] =	wrdreg $0xFFFFFFFF  }
0xb6: {  	s28 =	simm.s32 $_size_execute0_lowered;
	s4 =	sadd.s32 s4, s6;
	[dreg:$0x0] =	wrdreg $0x0  }
0xb7: {  	s6 =	sshll.u32 s28, $0x1;
	[dreg:$0x2] =	wrdreg s4  }
0xb8: {  	[dreg:$0x3] =	wrdreg s6  }
0xb9: {  	[dreg:$0x4] =	wrdreg $0xC0  }
0xba: {  	_ =	task [dreg:s22], $0x5FFFF  }
0xbb: {  	[dreg:$0x1] =	wrdreg $0xFFFFFFFF  }
0xbc: {  	[dreg:$0x0] =	wrdreg $0x60  }
0xbd: {  	[dreg:$0x2] =	wrdreg s18  }
0xbe: {  	[dreg:$0x3] =	wrdreg s24  }
0xbf: {  	[dreg:$0x4] =	wrdreg $0xC  }
0xc0: {  	_ =	task.clear_ibuf [dreg:s22], $0x5FFFF;
	_ =	strace $0x90000052  }
0xc1: {  	s29 =	simm.s32 $0xC;
	_ =	strace $0x80000054  }
0xc2: {  	_ =	swait.ge [sflag:s29], $0x1  }
0xc3: {  	[sflag:s29] =	ssyncadd.s32 $0xFFFFFFFF  }
0xc4: {  	_ =	strace $0x90000054  }
0xc5: {  	_ =	sfence  }
0xc6: {  	s30 =	sld [smem:$0x0];
	_ =	sdelay $0x2  }
0xc7: {  	s31 =	sshll.u32 s1, $0xD;
	s1 =	sshrl.u32 s1, $0x2  }
0xc8: {  	s4 =	sand.u32 $0x4000, s31;
	s1 =	sadd.s32 s1, s30  }
0xc9: {  	s0 =	sor.u32 s4, s0;
	s1 =	sshll.u32 s1, $0x11  }
0xca: {  	s0 =	sor.u32 s1, s0  }
0xcb: {  	s0 =	sadd.s32 $0x8F2B, s0  }
0xcc: {  	[sflag:s0] =	ssyncadd.remote.s32 $0x1  }
0xcd: {  	_ =	sfence.sel $0xFFFF  }
0xce: {  	[dreg:$0x0] =	wrdreg $0xFFFFFFFF;
	(pc) =	sbr.abs _section_cstart, $3  }
0xcf: {  	[dreg:$0x1] =	wrdreg $0xFFFFFFFF  }
0xd0: {  	_ =	task.clear_ibuf [dreg:s22], $0x2FFFF;
	_ =	strace $0x9FFFFFFF  }
0xd1: {  	(tm) =	ssettm $0x7FFFFFFF  }
tec
execute0_lowered:
.L_overlay_start_1:
0x0: {  	(tag) =	ssettag $0x1  }
0x1: {  	s0 =	srdreg.scid;
	s2 =	rddreg [dreg:$0x0]  }
0x2: {  	s1 =	stileid.u32;
	s4 =	rddreg [dreg:$0x1];
	s3 =	simm.s32 $0x0  }
0x3: {  	s28 =	simm.s32 $0x3;
	s29 =	simm.s32 $0x2;
	s30 =	simm.s32 $0x4  }
0x4: {  	s31 =	simm.s32 $0x80;
	s13 =	simm.s32 $0x1880;
	s15 =	simm.s32 $0x2080  }
0x5: {  	s16 =	simm.s32 $0x2880;
	s17 =	simm.s32 $0x3080;
	s18 =	simm.s32 $0x3880  }
0x6: {  	s19 =	simm.s32 $0x4080;
	s20 =	simm.s32 $0x4880;
	s21 =	simm.s32 $0x5080  }
0x7: {  	s22 =	simm.s32 $0x5880;
	s0 =	sand.u32 $0x1, s0;
	s1 =	sshll.u32 s1, $0x1  }
0x8: {  	s23 =	simm.s32 $0x6080;
	s14 =	simm.s32 $0x7880;
	s1 =	sor.u32 s0, s1  }
0x9: {  	[smem:$0x7FF] =	sst s3;
	s6 =	sadd.s32 $0x181E00, s4;
	s5 =	smul.u32 $0x60, s1  }
0xa: {  	s10 =	sadd.s32 $0x600, s2;
	s0 =	ssub.s32 $0x2, s0;
	s7 =	smul.u32 $0x6000, s1  }
0xb: {  	s11 =	sadd.s32 $0x700, s2;
	s24 =	sshrl.u32 s0, $0x1;
	s1 =	smul.u32 $0x30000, s1  }
0xc: {  	_ =	strace $0x80000053;
	s0 =	ssub.s32 s0, s24;
	s24 =	simm.s32 $0x6880  }
0xd: {  	s5 =	sshrl.u32 s5, $0x3;
	s8 =	sadd.s32 s6, s7;
	s1 =	sshrl.u32 s1, $0x3  }
0xe: {  	s4 =	sadd.s32 s4, s5;
	[dreg:$0x9] =	wrdreg s8;
	s9 =	sadd.s32 $0x1000, s8  }
0xf: {  	s1 =	sadd.s32 s6, s1;
	s4 =	sadd.s32 $0xD80, s4;
	[dreg:$0x4] =	wrdreg s9  }
0x10: {  	s7 =	sadd.s32 $0x300, s2;
	s6 =	sadd.s32 $0x2000, s1;
	[dreg:$0x3] =	wrdreg s4  }
0x11: {  	s12 =	smax.u32 s0, $0x1;
	s25 =	sadd.s32 $0x3000, s1;
	[dreg:$0x5] =	wrdreg s6  }
0x12: {  	s5 =	sadd.s32 $0x200, s2;
	s26 =	sadd.s32 $0x4000, s1;
	[dreg:$0x6] =	wrdreg s25  }
0x13: {  	v2 =	vlaneseq.u32;
	s8 =	sadd.s32 $0x400, s2;
	s1 =	sadd.s32 $0x5000, s1;
	[dreg:$0x7] =	wrdreg s26  }
0x14: {  	vm0 =	vmmov $0xffff;
	v1 =	vshrl.u32 v2, $0x3;
	s9 =	sadd.s32 $0x500, s2;
	s4 =	sadd.s32 $0x100, s2;
	[dreg:$0x8] =	wrdreg s1  }
0x15: {  	v0 =	vand.u32 $0x7, v2;
	v2 =	vor.u32 $0x8, v2;
	v1 =	vmul.u32 $0x8, v1;
	s26 =	simm.s32 $0x1;
	s6 =	simm.s32 $0x1080;
	s25 =	simm.s32 $0x7080  }
.LBB2_1:
0x16: {  	s1 =	rddreg [dreg:$0x3];
	s0 =	simm.s32 $0x5  }
0x17: {  	[tilespmem:s3], [sflag:$0x5] =	stream.linear.gather [hbm4b:s1+s3], $0x60, $0x38;
	[tilespmem:$0x10080] =	vst v63  }
0x18: {  	_ =	swait.ge [sflag:s0], $0x60  }
0x19: {  	[sflag:s0] =	ssyncset.done $0x0  }
0x1a: {  	[sflag:s0] =	ssyncadd.s32 $0xFFFFFFA0  }
0x1b: {  	v3 =	vld [tilespmem:$0x0];
	_ =	sdelay $0x4  }
0x1c: {  	v4 =	vshll.u32 v3, $0x4  }
0x1d: {  	v3 =	vand.u32 $0x7, v3;
	v4 =	vand.u32 $0xFFFFFF80, v4  }
0x1e: {  	v3 =	vor.u32 v3, v4  }
0x1f: {  	v4 =	vperm.xlane v3, v0;
	_ =	sdelay $0x1  }
0x20: {  	v4 =	vadd.s32 v1, v4;
	_ =	sdelay $0x4  }
0x21: {  	[tilespmem:s31], [sflag:$0x1] =	stream.indirect_vreg.gather [hbm4b:s2+s3], $0x80, v4, vm0, $0xb8;
	[tilespmem:$0x10080] =	vst v63  }
0x22: {  	s0 =	simm.s32 $0x880  }
0x23: {  	[tilespmem:s0], [sflag:$0x1] =	stream.indirect_vreg.gather [hbm4b:s4+s3], $0x80, v4, vm0, $0xb8;
	[tilespmem:$0x10080] =	vst v63  }
0x24: {  	_ = 	snop  }
0x25: {  	[tilespmem:s6], [sflag:$0x1] =	stream.indirect_vreg.gather [hbm4b:s5+s3], $0x80, v4, vm0, $0xb8;
	[tilespmem:$0x10080] =	vst v63  }
0x26: {  	_ = 	snop  }
0x27: {  	[tilespmem:s13], [sflag:$0x1] =	stream.indirect_vreg.gather [hbm4b:s7+s3], $0x80, v4, vm0, $0xb8;
	[tilespmem:$0x10080] =	vst v63  }
0x28: {  	_ = 	snop  }
0x29: {  	[tilespmem:s15], [sflag:$0x1] =	stream.indirect_vreg.gather [hbm4b:s8+s3], $0x80, v4, vm0, $0xb8;
	[tilespmem:$0x10080] =	vst v63  }
0x2a: {  	v3 =	vperm.xlane v3, v2  }
0x2b: {  	[tilespmem:s16], [sflag:$0x1] =	stream.indirect_vreg.gather [hbm4b:s9+s3], $0x80, v4, vm0, $0xb8;
	[tilespmem:$0x10080] =	vst v63  }
0x2c: {  	v3 =	vadd.s32 v1, v3  }
0x2d: {  	[tilespmem:s17], [sflag:$0x1] =	stream.indirect_vreg.gather [hbm4b:s10+s3], $0x80, v4, vm0, $0xb8;
	[tilespmem:$0x10080] =	vst v63  }
0x2e: {  	_ = 	snop  }
0x2f: {  	[tilespmem:s18], [sflag:$0x1] =	stream.indirect_vreg.gather [hbm4b:s11+s3], $0x80, v4, vm0, $0xb8;
	[tilespmem:$0x10080] =	vst v63  }
0x30: {  	_ = 	snop  }
0x31: {  	[tilespmem:s19], [sflag:$0x1] =	stream.indirect_vreg.gather [hbm4b:s2+s3], $0x80, v3, vm0, $0xb8;
	[tilespmem:$0x10080] =	vst v63  }
0x32: {  	_ = 	snop  }
0x33: {  	[tilespmem:s20], [sflag:$0x1] =	stream.indirect_vreg.gather [hbm4b:s4+s3], $0x80, v3, vm0, $0xb8;
	[tilespmem:$0x10080] =	vst v63  }
0x34: {  	_ = 	snop  }
0x35: {  	[tilespmem:s21], [sflag:$0x1] =	stream.indirect_vreg.gather [hbm4b:s5+s3], $0x80, v3, vm0, $0xb8;
	[tilespmem:$0x10080] =	vst v63  }
0x36: {  	_ = 	snop  }
0x37: {  	[tilespmem:s22], [sflag:$0x1] =	stream.indirect_vreg.gather [hbm4b:s7+s3], $0x80, v3, vm0, $0xb8;
	[tilespmem:$0x10080] =	vst v63  }
0x38: {  	_ = 	snop  }
0x39: {  	[tilespmem:s23], [sflag:$0x1] =	stream.indirect_vreg.gather [hbm4b:s8+s3], $0x80, v3, vm0, $0xb8;
	[tilespmem:$0x10080] =	vst v63  }
0x3a: {  	_ = 	snop  }
0x3b: {  	[tilespmem:s24], [sflag:$0x1] =	stream.indirect_vreg.gather [hbm4b:s9+s3], $0x80, v3, vm0, $0xb8;
	[tilespmem:$0x10080] =	vst v63  }
0x3c: {  	_ = 	snop  }
0x3d: {  	[tilespmem:s25], [sflag:$0x1] =	stream.indirect_vreg.gather [hbm4b:s10+s3], $0x80, v3, vm0, $0xb8;
	[tilespmem:$0x10080] =	vst v63  }
0x3e: {  	_ = 	snop  }
0x3f: {  	[tilespmem:s14], [sflag:$0x1] =	stream.indirect_vreg.gather [hbm4b:s11+s3], $0x80, v3, vm0, $0xb8;
	[tilespmem:$0x10080] =	vst v63  }
0x40: {  	v3 =	vld [tilespmem:$0x10];
	_ =	sdelay $0x4  }
0x41: {  	v59 =	vshll.u32 v3, $0x4  }
0x42: {  	v3 =	vand.u32 $0x7, v3;
	v4 =	vand.u32 $0xFFFFFF80, v59  }
0x43: {  	v3 =	vor.u32 v3, v4  }
0x44: {  	v4 =	vperm.xlane v3, v0;
	_ =	sdelay $0x1  }
0x45: {  	v4 =	vadd.s32 v1, v4;
	_ =	sdelay $0x3  }
0x46: {  	s0 =	simm.s32 $0x8080  }
0x47: {  	[tilespmem:s0], [sflag:$0x2] =	stream.indirect_vreg.gather [hbm4b:s2+s3], $0x80, v4, vm0, $0xb8;
	[tilespmem:$0x10080] =	vst v63  }
0x48: {  	s1 =	simm.s32 $0x8880  }
0x49: {  	[tilespmem:s1], [sflag:$0x2] =	stream.indirect_vreg.gather [hbm4b:s4+s3], $0x80, v4, vm0, $0xb8;
	[tilespmem:$0x10080] =	vst v63  }
0x4a: {  	s1 =	simm.s32 $0x9080  }
0x4b: {  	[tilespmem:s1], [sflag:$0x2] =	stream.indirect_vreg.gather [hbm4b:s5+s3], $0x80, v4, vm0, $0xb8;
	[tilespmem:$0x10080] =	vst v63  }
0x4c: {  	s1 =	simm.s32 $0x9880  }
0x4d: {  	[tilespmem:s1], [sflag:$0x2] =	stream.indirect_vreg.gather [hbm4b:s7+s3], $0x80, v4, vm0, $0xb8;
	[tilespmem:$0x10080] =	vst v63  }
0x4e: {  	s1 =	simm.s32 $0xA080  }
0x4f: {  	[tilespmem:s1], [sflag:$0x2] =	stream.indirect_vreg.gather [hbm4b:s8+s3], $0x80, v4, vm0, $0xb8;
	[tilespmem:$0x10080] =	vst v63  }
0x50: {  	v3 =	vperm.xlane v3, v2;
	s1 =	simm.s32 $0xA880  }
0x51: {  	[tilespmem:s1], [sflag:$0x2] =	stream.indirect_vreg.gather [hbm4b:s9+s3], $0x80, v4, vm0, $0xb8;
	[tilespmem:$0x10080] =	vst v63  }
0x52: {  	v3 =	vadd.s32 v1, v3;
	s1 =	simm.s32 $0xB080  }
0x53: {  	[tilespmem:s1], [sflag:$0x2] =	stream.indirect_vreg.gather [hbm4b:s10+s3], $0x80, v4, vm0, $0xb8;
	[tilespmem:$0x10080] =	vst v63  }
0x54: {  	s1 =	simm.s32 $0xB880  }
0x55: {  	[tilespmem:s1], [sflag:$0x2] =	stream.indirect_vreg.gather [hbm4b:s11+s3], $0x80, v4, vm0, $0xb8;
	[tilespmem:$0x10080] =	vst v63  }
0x56: {  	s1 =	simm.s32 $0xC080  }
0x57: {  	[tilespmem:s1], [sflag:$0x2] =	stream.indirect_vreg.gather [hbm4b:s2+s3], $0x80, v3, vm0, $0xb8;
	[tilespmem:$0x10080] =	vst v63  }
0x58: {  	s1 =	simm.s32 $0xC880  }
0x59: {  	[tilespmem:s1], [sflag:$0x2] =	stream.indirect_vreg.gather [hbm4b:s4+s3], $0x80, v3, vm0, $0xb8;
	[tilespmem:$0x10080] =	vst v63  }
0x5a: {  	s1 =	simm.s32 $0xD080  }
0x5b: {  	[tilespmem:s1], [sflag:$0x2] =	stream.indirect_vreg.gather [hbm4b:s5+s3], $0x80, v3, vm0, $0xb8;
	[tilespmem:$0x10080] =	vst v63  }
0x5c: {  	s1 =	simm.s32 $0xD880  }
0x5d: {  	[tilespmem:s1], [sflag:$0x2] =	stream.indirect_vreg.gather [hbm4b:s7+s3], $0x80, v3, vm0, $0xb8;
	[tilespmem:$0x10080] =	vst v63  }
0x5e: {  	s1 =	simm.s32 $0xE080  }
0x5f: {  	[tilespmem:s1], [sflag:$0x2] =	stream.indirect_vreg.gather [hbm4b:s8+s3], $0x80, v3, vm0, $0xb8;
	[tilespmem:$0x10080] =	vst v63  }
0x60: {  	s1 =	simm.s32 $0xE880  }
0x61: {  	[tilespmem:s1], [sflag:$0x2] =	stream.indirect_vreg.gather [hbm4b:s9+s3], $0x80, v3, vm0, $0xb8;
	[tilespmem:$0x10080] =	vst v63  }
0x62: {  	s1 =	simm.s32 $0xF080  }
0x63: {  	[tilespmem:s1], [sflag:$0x2] =	stream.indirect_vreg.gather [hbm4b:s10+s3], $0x80, v3, vm0, $0xb8;
	[tilespmem:$0x10080] =	vst v63  }
0x64: {  	s1 =	simm.s32 $0xF880  }
0x65: {  	[tilespmem:s1], [sflag:$0x2] =	stream.indirect_vreg.gather [hbm4b:s11+s3], $0x80, v3, vm0, $0xb8;
	[tilespmem:$0x10080] =	vst v63  }
0x66: {  	_ =	swait.ge [sflag:s26], $0x8000  }
0x67: {  	[sflag:s26] =	ssyncset.done $0x0  }
0x68: {  	s1 =	rddreg [dreg:$0x9];
	[sflag:s26] =	ssyncadd.s32 $0xFFFF8000  }
0x69: {  	[hbm4b:s1+s3] =	stream.linear.scatter [tilespmem:s31], [sflag:$0x3], $0x8000, $0x38;
	[tilespmem:$0x10080] =	vst v63  }
0x6a: {  	_ =	swait.ge [sflag:s28], $0x8000  }
0x6b: {  	[sflag:s28] =	ssyncset.done $0x0  }
0x6c: {  	[sflag:s28] =	ssyncadd.s32 $0xFFFF8000  }
0x6d: {  	v3 =	vld [tilespmem:$0x20];
	_ =	sdelay $0x4  }
0x6e: {  	v60 =	vshll.u32 v3, $0x4  }
0x6f: {  	v3 =	vand.u32 $0x7, v3;
	v4 =	vand.u32 $0xFFFFFF80, v60  }
0x70: {  	v3 =	vor.u32 v3, v4  }
0x71: {  	v4 =	vperm.xlane v3, v0;
	_ =	sdelay $0x1  }
0x72: {  	v4 =	vadd.s32 v1, v4;
	_ =	sdelay $0x4  }
0x73: {  	[tilespmem:s31], [sflag:$0x1] =	stream.indirect_vreg.gather [hbm4b:s2+s3], $0x80, v4, vm0, $0xb8;
	[tilespmem:$0x10080] =	vst v63  }
0x74: {  	s1 =	simm.s32 $0x880  }
0x75: {  	[tilespmem:s1], [sflag:$0x1] =	stream.indirect_vreg.gather [hbm4b:s4+s3], $0x80, v4, vm0, $0xb8;
	[tilespmem:$0x10080] =	vst v63  }
0x76: {  	_ = 	snop  }
0x77: {  	[tilespmem:s6], [sflag:$0x1] =	stream.indirect_vreg.gather [hbm4b:s5+s3], $0x80, v4, vm0, $0xb8;
	[tilespmem:$0x10080] =	vst v63  }
0x78: {  	_ = 	snop  }
0x79: {  	[tilespmem:s13], [sflag:$0x1] =	stream.indirect_vreg.gather [hbm4b:s7+s3], $0x80, v4, vm0, $0xb8;
	[tilespmem:$0x10080] =	vst v63  }
0x7a: {  	_ = 	snop  }
0x7b: {  	[tilespmem:s15], [sflag:$0x1] =	stream.indirect_vreg.gather [hbm4b:s8+s3], $0x80, v4, vm0, $0xb8;
	[tilespmem:$0x10080] =	vst v63  }
0x7c: {  	v3 =	vperm.xlane v3, v2  }
0x7d: {  	[tilespmem:s16], [sflag:$0x1] =	stream.indirect_vreg.gather [hbm4b:s9+s3], $0x80, v4, vm0, $0xb8;
	[tilespmem:$0x10080] =	vst v63  }
0x7e: {  	v3 =	vadd.s32 v1, v3  }
0x7f: {  	[tilespmem:s17], [sflag:$0x1] =	stream.indirect_vreg.gather [hbm4b:s10+s3], $0x80, v4, vm0, $0xb8;
	[tilespmem:$0x10080] =	vst v63  }
0x80: {  	_ = 	snop  }
0x81: {  	[tilespmem:s18], [sflag:$0x1] =	stream.indirect_vreg.gather [hbm4b:s11+s3], $0x80, v4, vm0, $0xb8;
	[tilespmem:$0x10080] =	vst v63  }
0x82: {  	_ = 	snop  }
0x83: {  	[tilespmem:s19], [sflag:$0x1] =	stream.indirect_vreg.gather [hbm4b:s2+s3], $0x80, v3, vm0, $0xb8;
	[tilespmem:$0x10080] =	vst v63  }
0x84: {  	_ = 	snop  }
0x85: {  	[tilespmem:s20], [sflag:$0x1] =	stream.indirect_vreg.gather [hbm4b:s4+s3], $0x80, v3, vm0, $0xb8;
	[tilespmem:$0x10080] =	vst v63  }
0x86: {  	_ = 	snop  }
0x87: {  	[tilespmem:s21], [sflag:$0x1] =	stream.indirect_vreg.gather [hbm4b:s5+s3], $0x80, v3, vm0, $0xb8;
	[tilespmem:$0x10080] =	vst v63  }
0x88: {  	_ = 	snop  }
0x89: {  	[tilespmem:s22], [sflag:$0x1] =	stream.indirect_vreg.gather [hbm4b:s7+s3], $0x80, v3, vm0, $0xb8;
	[tilespmem:$0x10080] =	vst v63  }
0x8a: {  	_ = 	snop  }
0x8b: {  	[tilespmem:s23], [sflag:$0x1] =	stream.indirect_vreg.gather [hbm4b:s8+s3], $0x80, v3, vm0, $0xb8;
	[tilespmem:$0x10080] =	vst v63  }
0x8c: {  	_ = 	snop  }
0x8d: {  	[tilespmem:s24], [sflag:$0x1] =	stream.indirect_vreg.gather [hbm4b:s9+s3], $0x80, v3, vm0, $0xb8;
	[tilespmem:$0x10080] =	vst v63  }
0x8e: {  	_ = 	snop  }
0x8f: {  	[tilespmem:s25], [sflag:$0x1] =	stream.indirect_vreg.gather [hbm4b:s10+s3], $0x80, v3, vm0, $0xb8;
	[tilespmem:$0x10080] =	vst v63  }
0x90: {  	_ = 	snop  }
0x91: {  	[tilespmem:s14], [sflag:$0x1] =	stream.indirect_vreg.gather [hbm4b:s11+s3], $0x80, v3, vm0, $0xb8;
	[tilespmem:$0x10080] =	vst v63  }
0x92: {  	_ =	swait.ge [sflag:s29], $0x8000  }
0x93: {  	[sflag:s29] =	ssyncset.done $0x0  }
0x94: {  	s1 =	rddreg [dreg:$0x4];
	[sflag:s29] =	ssyncadd.s32 $0xFFFF8000  }
0x95: {  	[hbm4b:s1+s3] =	stream.linear.scatter [tilespmem:s0], [sflag:$0x4], $0x8000, $0x38;
	[tilespmem:$0x10080] =	vst v63  }
0x96: {  	_ =	swait.ge [sflag:s30], $0x8000  }
0x97: {  	[sflag:s30] =	ssyncset.done $0x0  }
0x98: {  	[sflag:s30] =	ssyncadd.s32 $0xFFFF8000  }
0x99: {  	v3 =	vld [tilespmem:$0x30];
	_ =	sdelay $0x4  }
0x9a: {  	v61 =	vshll.u32 v3, $0x4  }
0x9b: {  	v3 =	vand.u32 $0x7, v3;
	v4 =	vand.u32 $0xFFFFFF80, v61  }
0x9c: {  	v3 =	vor.u32 v3, v4  }
0x9d: {  	v4 =	vperm.xlane v3, v0;
	_ =	sdelay $0x1  }
0x9e: {  	v4 =	vadd.s32 v1, v4;
	_ =	sdelay $0x4  }
0x9f: {  	[tilespmem:s0], [sflag:$0x2] =	stream.indirect_vreg.gather [hbm4b:s2+s3], $0x80, v4, vm0, $0xb8;
	[tilespmem:$0x10080] =	vst v63  }
0xa0: {  	s1 =	simm.s32 $0x8880  }
0xa1: {  	[tilespmem:s1], [sflag:$0x2] =	stream.indirect_vreg.gather [hbm4b:s4+s3], $0x80, v4, vm0, $0xb8;
	[tilespmem:$0x10080] =	vst v63  }
0xa2: {  	s1 =	simm.s32 $0x9080  }
0xa3: {  	[tilespmem:s1], [sflag:$0x2] =	stream.indirect_vreg.gather [hbm4b:s5+s3], $0x80, v4, vm0, $0xb8;
	[tilespmem:$0x10080] =	vst v63  }
0xa4: {  	s1 =	simm.s32 $0x9880  }
0xa5: {  	[tilespmem:s1], [sflag:$0x2] =	stream.indirect_vreg.gather [hbm4b:s7+s3], $0x80, v4, vm0, $0xb8;
	[tilespmem:$0x10080] =	vst v63  }
0xa6: {  	s1 =	simm.s32 $0xA080  }
0xa7: {  	[tilespmem:s1], [sflag:$0x2] =	stream.indirect_vreg.gather [hbm4b:s8+s3], $0x80, v4, vm0, $0xb8;
	[tilespmem:$0x10080] =	vst v63  }
0xa8: {  	v3 =	vperm.xlane v3, v2;
	s1 =	simm.s32 $0xA880  }
0xa9: {  	[tilespmem:s1], [sflag:$0x2] =	stream.indirect_vreg.gather [hbm4b:s9+s3], $0x80, v4, vm0, $0xb8;
	[tilespmem:$0x10080] =	vst v63  }
0xaa: {  	v3 =	vadd.s32 v1, v3;
	s1 =	simm.s32 $0xB080  }
0xab: {  	[tilespmem:s1], [sflag:$0x2] =	stream.indirect_vreg.gather [hbm4b:s10+s3], $0x80, v4, vm0, $0xb8;
	[tilespmem:$0x10080] =	vst v63  }
0xac: {  	s1 =	simm.s32 $0xB880  }
0xad: {  	[tilespmem:s1], [sflag:$0x2] =	stream.indirect_vreg.gather [hbm4b:s11+s3], $0x80, v4, vm0, $0xb8;
	[tilespmem:$0x10080] =	vst v63  }
0xae: {  	s1 =	simm.s32 $0xC080  }
0xaf: {  	[tilespmem:s1], [sflag:$0x2] =	stream.indirect_vreg.gather [hbm4b:s2+s3], $0x80, v3, vm0, $0xb8;
	[tilespmem:$0x10080] =	vst v63  }
0xb0: {  	s1 =	simm.s32 $0xC880  }
0xb1: {  	[tilespmem:s1], [sflag:$0x2] =	stream.indirect_vreg.gather [hbm4b:s4+s3], $0x80, v3, vm0, $0xb8;
	[tilespmem:$0x10080] =	vst v63  }
0xb2: {  	s1 =	simm.s32 $0xD080  }
0xb3: {  	[tilespmem:s1], [sflag:$0x2] =	stream.indirect_vreg.gather [hbm4b:s5+s3], $0x80, v3, vm0, $0xb8;
	[tilespmem:$0x10080] =	vst v63  }
0xb4: {  	s1 =	simm.s32 $0xD880  }
0xb5: {  	[tilespmem:s1], [sflag:$0x2] =	stream.indirect_vreg.gather [hbm4b:s7+s3], $0x80, v3, vm0, $0xb8;
	[tilespmem:$0x10080] =	vst v63  }
0xb6: {  	s1 =	simm.s32 $0xE080  }
0xb7: {  	[tilespmem:s1], [sflag:$0x2] =	stream.indirect_vreg.gather [hbm4b:s8+s3], $0x80, v3, vm0, $0xb8;
	[tilespmem:$0x10080] =	vst v63  }
0xb8: {  	s1 =	simm.s32 $0xE880  }
0xb9: {  	[tilespmem:s1], [sflag:$0x2] =	stream.indirect_vreg.gather [hbm4b:s9+s3], $0x80, v3, vm0, $0xb8;
	[tilespmem:$0x10080] =	vst v63  }
0xba: {  	s1 =	simm.s32 $0xF080  }
0xbb: {  	[tilespmem:s1], [sflag:$0x2] =	stream.indirect_vreg.gather [hbm4b:s10+s3], $0x80, v3, vm0, $0xb8;
	[tilespmem:$0x10080] =	vst v63  }
0xbc: {  	s1 =	simm.s32 $0xF880  }
0xbd: {  	[tilespmem:s1], [sflag:$0x2] =	stream.indirect_vreg.gather [hbm4b:s11+s3], $0x80, v3, vm0, $0xb8;
	[tilespmem:$0x10080] =	vst v63  }
0xbe: {  	_ =	swait.ge [sflag:s26], $0x8000  }
0xbf: {  	[sflag:s26] =	ssyncset.done $0x0  }
0xc0: {  	s1 =	rddreg [dreg:$0x5];
	[sflag:s26] =	ssyncadd.s32 $0xFFFF8000  }
0xc1: {  	[hbm4b:s1+s3] =	stream.linear.scatter [tilespmem:s31], [sflag:$0x3], $0x8000, $0x38;
	[tilespmem:$0x10080] =	vst v63  }
0xc2: {  	_ =	swait.ge [sflag:s28], $0x8000  }
0xc3: {  	[sflag:s28] =	ssyncset.done $0x0  }
0xc4: {  	[sflag:s28] =	ssyncadd.s32 $0xFFFF8000  }
0xc5: {  	v3 =	vld [tilespmem:$0x40];
	_ =	sdelay $0x4  }
0xc6: {  	v62 =	vshll.u32 v3, $0x4  }
0xc7: {  	v3 =	vand.u32 $0x7, v3;
	v4 =	vand.u32 $0xFFFFFF80, v62  }
0xc8: {  	v3 =	vor.u32 v3, v4  }
0xc9: {  	v4 =	vperm.xlane v3, v0;
	_ =	sdelay $0x1  }
0xca: {  	v4 =	vadd.s32 v1, v4;
	_ =	sdelay $0x4  }
0xcb: {  	[tilespmem:s31], [sflag:$0x1] =	stream.indirect_vreg.gather [hbm4b:s2+s3], $0x80, v4, vm0, $0xb8;
	[tilespmem:$0x10080] =	vst v63  }
0xcc: {  	s1 =	simm.s32 $0x880  }
0xcd: {  	[tilespmem:s1], [sflag:$0x1] =	stream.indirect_vreg.gather [hbm4b:s4+s3], $0x80, v4, vm0, $0xb8;
	[tilespmem:$0x10080] =	vst v63  }
0xce: {  	_ = 	snop  }
0xcf: {  	[tilespmem:s6], [sflag:$0x1] =	stream.indirect_vreg.gather [hbm4b:s5+s3], $0x80, v4, vm0, $0xb8;
	[tilespmem:$0x10080] =	vst v63  }
0xd0: {  	_ = 	snop  }
0xd1: {  	[tilespmem:s13], [sflag:$0x1] =	stream.indirect_vreg.gather [hbm4b:s7+s3], $0x80, v4, vm0, $0xb8;
	[tilespmem:$0x10080] =	vst v63  }
0xd2: {  	_ = 	snop  }
0xd3: {  	[tilespmem:s15], [sflag:$0x1] =	stream.indirect_vreg.gather [hbm4b:s8+s3], $0x80, v4, vm0, $0xb8;
	[tilespmem:$0x10080] =	vst v63  }
0xd4: {  	v3 =	vperm.xlane v3, v2  }
0xd5: {  	[tilespmem:s16], [sflag:$0x1] =	stream.indirect_vreg.gather [hbm4b:s9+s3], $0x80, v4, vm0, $0xb8;
	[tilespmem:$0x10080] =	vst v63  }
0xd6: {  	v3 =	vadd.s32 v1, v3  }
0xd7: {  	[tilespmem:s17], [sflag:$0x1] =	stream.indirect_vreg.gather [hbm4b:s10+s3], $0x80, v4, vm0, $0xb8;
	[tilespmem:$0x10080] =	vst v63  }
0xd8: {  	_ = 	snop  }
0xd9: {  	[tilespmem:s18], [sflag:$0x1] =	stream.indirect_vreg.gather [hbm4b:s11+s3], $0x80, v4, vm0, $0xb8;
	[tilespmem:$0x10080] =	vst v63  }
0xda: {  	_ = 	snop  }
0xdb: {  	[tilespmem:s19], [sflag:$0x1] =	stream.indirect_vreg.gather [hbm4b:s2+s3], $0x80, v3, vm0, $0xb8;
	[tilespmem:$0x10080] =	vst v63  }
0xdc: {  	_ = 	snop  }
0xdd: {  	[tilespmem:s20], [sflag:$0x1] =	stream.indirect_vreg.gather [hbm4b:s4+s3], $0x80, v3, vm0, $0xb8;
	[tilespmem:$0x10080] =	vst v63  }
0xde: {  	_ = 	snop  }
0xdf: {  	[tilespmem:s21], [sflag:$0x1] =	stream.indirect_vreg.gather [hbm4b:s5+s3], $0x80, v3, vm0, $0xb8;
	[tilespmem:$0x10080] =	vst v63  }
0xe0: {  	_ = 	snop  }
0xe1: {  	[tilespmem:s22], [sflag:$0x1] =	stream.indirect_vreg.gather [hbm4b:s7+s3], $0x80, v3, vm0, $0xb8;
	[tilespmem:$0x10080] =	vst v63  }
0xe2: {  	_ = 	snop  }
0xe3: {  	[tilespmem:s23], [sflag:$0x1] =	stream.indirect_vreg.gather [hbm4b:s8+s3], $0x80, v3, vm0, $0xb8;
	[tilespmem:$0x10080] =	vst v63  }
0xe4: {  	_ = 	snop  }
0xe5: {  	[tilespmem:s24], [sflag:$0x1] =	stream.indirect_vreg.gather [hbm4b:s9+s3], $0x80, v3, vm0, $0xb8;
	[tilespmem:$0x10080] =	vst v63  }
0xe6: {  	_ = 	snop  }
0xe7: {  	[tilespmem:s25], [sflag:$0x1] =	stream.indirect_vreg.gather [hbm4b:s10+s3], $0x80, v3, vm0, $0xb8;
	[tilespmem:$0x10080] =	vst v63  }
0xe8: {  	_ = 	snop  }
0xe9: {  	[tilespmem:s14], [sflag:$0x1] =	stream.indirect_vreg.gather [hbm4b:s11+s3], $0x80, v3, vm0, $0xb8;
	[tilespmem:$0x10080] =	vst v63  }
0xea: {  	_ =	swait.ge [sflag:s29], $0x8000  }
0xeb: {  	[sflag:s29] =	ssyncset.done $0x0  }
0xec: {  	s1 =	rddreg [dreg:$0x6];
	[sflag:s29] =	ssyncadd.s32 $0xFFFF8000  }
0xed: {  	[hbm4b:s1+s3] =	stream.linear.scatter [tilespmem:s0], [sflag:$0x4], $0x8000, $0x38;
	[tilespmem:$0x10080] =	vst v63  }
0xee: {  	_ =	swait.ge [sflag:s30], $0x8000  }
0xef: {  	[sflag:s30] =	ssyncset.done $0x0  }
0xf0: {  	[sflag:s30] =	ssyncadd.s32 $0xFFFF8000  }
0xf1: {  	v3 =	vld [tilespmem:$0x50];
	_ =	sdelay $0x4  }
0xf2: {  	v63 =	vshll.u32 v3, $0x4  }
0xf3: {  	v3 =	vand.u32 $0x7, v3;
	v4 =	vand.u32 $0xFFFFFF80, v63  }
0xf4: {  	v3 =	vor.u32 v3, v4  }
0xf5: {  	v4 =	vperm.xlane v3, v0;
	_ =	sdelay $0x1  }
0xf6: {  	v4 =	vadd.s32 v1, v4;
	_ =	sdelay $0x4  }
0xf7: {  	[tilespmem:s0], [sflag:$0x2] =	stream.indirect_vreg.gather [hbm4b:s2+s3], $0x80, v4, vm0, $0xb8;
	[tilespmem:$0x10080] =	vst v63  }
0xf8: {  	s1 =	simm.s32 $0x8880  }
0xf9: {  	[tilespmem:s1], [sflag:$0x2] =	stream.indirect_vreg.gather [hbm4b:s4+s3], $0x80, v4, vm0, $0xb8;
	[tilespmem:$0x10080] =	vst v63  }
0xfa: {  	s1 =	simm.s32 $0x9080  }
0xfb: {  	[tilespmem:s1], [sflag:$0x2] =	stream.indirect_vreg.gather [hbm4b:s5+s3], $0x80, v4, vm0, $0xb8;
	[tilespmem:$0x10080] =	vst v63  }
0xfc: {  	s1 =	simm.s32 $0x9880  }
0xfd: {  	[tilespmem:s1], [sflag:$0x2] =	stream.indirect_vreg.gather [hbm4b:s7+s3], $0x80, v4, vm0, $0xb8;
	[tilespmem:$0x10080] =	vst v63  }
0xfe: {  	s1 =	simm.s32 $0xA080  }
0xff: {  	[tilespmem:s1], [sflag:$0x2] =	stream.indirect_vreg.gather [hbm4b:s8+s3], $0x80, v4, vm0, $0xb8;
	[tilespmem:$0x10080] =	vst v63  }
0x100: {  	v3 =	vperm.xlane v3, v2;
	s1 =	simm.s32 $0xA880  }
0x101: {  	[tilespmem:s1], [sflag:$0x2] =	stream.indirect_vreg.gather [hbm4b:s9+s3], $0x80, v4, vm0, $0xb8;
	[tilespmem:$0x10080] =	vst v63  }
0x102: {  	v3 =	vadd.s32 v1, v3;
	s1 =	simm.s32 $0xB080  }
0x103: {  	[tilespmem:s1], [sflag:$0x2] =	stream.indirect_vreg.gather [hbm4b:s10+s3], $0x80, v4, vm0, $0xb8;
	[tilespmem:$0x10080] =	vst v63  }
0x104: {  	s1 =	simm.s32 $0xB880  }
0x105: {  	[tilespmem:s1], [sflag:$0x2] =	stream.indirect_vreg.gather [hbm4b:s11+s3], $0x80, v4, vm0, $0xb8;
	[tilespmem:$0x10080] =	vst v63  }
0x106: {  	s1 =	simm.s32 $0xC080  }
0x107: {  	[tilespmem:s1], [sflag:$0x2] =	stream.indirect_vreg.gather [hbm4b:s2+s3], $0x80, v3, vm0, $0xb8;
	[tilespmem:$0x10080] =	vst v63  }
0x108: {  	s1 =	simm.s32 $0xC880  }
0x109: {  	[tilespmem:s1], [sflag:$0x2] =	stream.indirect_vreg.gather [hbm4b:s4+s3], $0x80, v3, vm0, $0xb8;
	[tilespmem:$0x10080] =	vst v63  }
0x10a: {  	s1 =	simm.s32 $0xD080  }
0x10b: {  	[tilespmem:s1], [sflag:$0x2] =	stream.indirect_vreg.gather [hbm4b:s5+s3], $0x80, v3, vm0, $0xb8;
	[tilespmem:$0x10080] =	vst v63  }
0x10c: {  	s1 =	simm.s32 $0xD880  }
0x10d: {  	[tilespmem:s1], [sflag:$0x2] =	stream.indirect_vreg.gather [hbm4b:s7+s3], $0x80, v3, vm0, $0xb8;
	[tilespmem:$0x10080] =	vst v63  }
0x10e: {  	s1 =	simm.s32 $0xE080  }
0x10f: {  	[tilespmem:s1], [sflag:$0x2] =	stream.indirect_vreg.gather [hbm4b:s8+s3], $0x80, v3, vm0, $0xb8;
	[tilespmem:$0x10080] =	vst v63  }
0x110: {  	s1 =	simm.s32 $0xE880  }
0x111: {  	[tilespmem:s1], [sflag:$0x2] =	stream.indirect_vreg.gather [hbm4b:s9+s3], $0x80, v3, vm0, $0xb8;
	[tilespmem:$0x10080] =	vst v63  }
0x112: {  	s1 =	simm.s32 $0xF080  }
0x113: {  	[tilespmem:s1], [sflag:$0x2] =	stream.indirect_vreg.gather [hbm4b:s10+s3], $0x80, v3, vm0, $0xb8;
	[tilespmem:$0x10080] =	vst v63  }
0x114: {  	s1 =	simm.s32 $0xF880  }
0x115: {  	[tilespmem:s1], [sflag:$0x2] =	stream.indirect_vreg.gather [hbm4b:s11+s3], $0x80, v3, vm0, $0xb8;
	[tilespmem:$0x10080] =	vst v63  }
0x116: {  	_ =	swait.ge [sflag:s26], $0x8000  }
0x117: {  	[sflag:s26] =	ssyncset.done $0x0  }
0x118: {  	s1 =	rddreg [dreg:$0x7];
	[sflag:s26] =	ssyncadd.s32 $0xFFFF8000  }
0x119: {  	[hbm4b:s1+s3] =	stream.linear.scatter [tilespmem:s31], [sflag:$0x3], $0x8000, $0x38;
	[tilespmem:$0x10080] =	vst v63  }
0x11a: {  	_ =	swait.ge [sflag:s29], $0x8000  }
0x11b: {  	[sflag:s29] =	ssyncset.done $0x0  }
0x11c: {  	s1 =	rddreg [dreg:$0x8];
	[sflag:s29] =	ssyncadd.s32 $0xFFFF8000  }
0x11d: {  	[hbm4b:s1+s3] =	stream.linear.scatter [tilespmem:s0], [sflag:$0x4], $0x8000, $0x38;
	[tilespmem:$0x10080] =	vst v63  }
0x11e: {  	p0 =	sne.s32 s12, $0x1;
	_ =	swait.ge [sflag:s28], $0x8000  }
.Ltmp0:
0x11f: {  	[sflag:s28] =	ssyncset.done $0x0;
	(pc) =	sbr.rel @p0 .LBB2_1-.Ltmp0, $4  }
0x120: {  	[sflag:s28] =	ssyncadd.s32 $0xFFFF8000  }
0x121: {  	_ =	swait.ge [sflag:s30], $0x8000  }
0x122: {  	[sflag:s30] =	ssyncset.done $0x0  }
0x123: {  	s12 =	sadd.s32 $0xFFFFFFFF, s12;
	[sflag:s30] =	ssyncadd.s32 $0xFFFF8000  }
0x124: {  	_ =	sfence.sel $0x180000  }
0x125: {  	[bflag:$0x0] =	sbarrier.arrive $0xFFFF  }
0x126: {  	_ =	strace $0x90000053  }
0x127: {  	s0 =	stileid.u32;
	[bflag:$0x2] =	sbarrier.arrive $0xFFFF  }
0x128: {  	p0 =	sne.s32 s0, $0x0;
	s0 =	rddreg [dreg:$0x2]  }
0x129: {  	s0 =	sadd.s32 @!p0 $0x100000, s0  }
0x12a: {  	[sflag:s0] =	ssyncadd.tile.s32 @!p0 $0x1;
	_ =	shalt  }
.Lfunc_end2:
_tile_overlayer_lowered:
.L_overlay_start_2:
0x12b: {  	(tag) =	ssettag $0x2  }
0x12c: {  	s0 =	rddreg [dreg:$0x0];
	s2 =	stileid.u32  }
0x12d: {  	s1 =	rddreg [dreg:$0x1];
	p0 =	sne.s32 s2, $0x0  }
0x12e: {  	s3 =	rddreg [dreg:$0x2];
	[bflag:$0x3] =	sbarrier.arrive $0xFFFF;
	s2 =	simm.s32 @!p0 $0x1C05  }
0x12f: {  	[timem:s3], [sflag:s2] =	dma.local @!p0 [hbm:s0], s1  }
0x130: {  	s0 =	simm.s32 @!p0 $0x5  }
0x131: {  	_ =	swait.ge @!p0 [sflag:s0], s1  }
0x132: {  	s1 =	ssub.s32 @!p0 $0x0, s1;
	[sflag:s0] =	ssyncset.done @!p0 $0x0  }
0x133: {  	[sflag:s0] =	ssyncadd.s32 @!p0 s1  }
0x134: {  	[bflag:$0x3] =	sbarrier.arrive $0xFFFF  }
0x135: {  	_ =	shalt  }

// kernel: kernel.19.cloned.1.call-start
scs
__scs_entry_jumppad:
0x0: {  	(pc) =	sbr.rel $0x88, $3  }
0x1: {  	(tag) =	ssettag $0x0;
	lr =	simm.s32 $0x1  }
0x2: {  	[smem:$0x3F9C] =	sst lr;
	_ =	strace $0xD0000000  }
0x3: {  	_ = 	snop  }
0x4: {  	_ = 	snop  }
0x5: {  	_ = 	snop  }
0x6: {  	_ = 	snop  }
0x7: {  	_ = 	snop  }
__scs_overlays_trampoline_lowered:
0x8: {  	[smem:$0x3FAB] =	sst s0  }
0x9: {  	[smem:$0x3FAC] =	sst s1  }
0xa: {  	[smem:$0x3FAD] =	sst s2  }
0xb: {  	[smem:$0x3FAE] =	sst s3  }
0xc: {  	[smem:$0x3FAF] =	sst s4  }
0xd: {  	[smem:$0x3FB0] =	sst s5  }
0xe: {  	[smem:$0x3FB1] =	sst s6  }
0xf: {  	[smem:$0x3FB2] =	sst s7  }
0x10: {  	[smem:$0x3FB3] =	sst s8  }
0x11: {  	[smem:$0x3FB4] =	sst s9;
	s0 =	simm.s32 @!p0 $0x0  }
0x12: {  	s1 =	sld [smem:$0x3F9A];
	s0 =	simm.s32 @p0 $0x1  }
0x13: {  	[smem:$0x3FB5] =	sst s0;
	s0 =	simm.s32 @!p1 $0x0  }
0x14: {  	s2 =	sld [smem:$0x3F99];
	s0 =	simm.s32 @p1 $0x1  }
0x15: {  	[smem:$0x3FB6] =	sst s0;
	s0 =	simm.s32 @!p2 $0x0  }
0x16: {  	s3 =	sld [smem:$0x3FDB];
	s0 =	simm.s32 @p2 $0x1  }
0x17: {  	s4 =	simm.s32 $0x1BF5;
	[smem:$0x3FB8] =	sst s0  }
0x18: {  	s0 =	sld [smem:$0x3F9B];
	_ =	swait.ge [sflag:s4], $0x0  }
0x19: {  	s7 =	sld [smem:$0x3F9C]  }
0x1a: {  	s8 =	sadd.s32 $0xFFFFE003, lr  }
0x1b: {  	s9 =	sadd.s32 $0xFFFFFEF7, lr;
	s5 =	simm.s32 $0xFFFFFFFF;
	p2 =	slt.u32 s8, $0xFFFFF086  }
0x1c: {  	p1 =	slt.u32 s9, $0xF7A;
	s5 =	simm.s32 @!p2 $0x0  }
0x1d: {  	s5 =	simm.s32 @p1 $0x1;
	p0 =	seq.s32 s7, s2  }
0x1e: {  	s7 =	smul.u32 @!p0 $0xF7A, s2;
	p2 =	seq.s32 @!p0 s5, $0x0  }
0x1f: {  	s9 =	smul.u32 $0xF7A, s1;
	s8 =	simm.s32 @!p0 $0x1BF5;
	p2 =	por !p2, p0  }
0x20: {  	[sflag:s8] =	ssyncset.s32 @!p0 $0xFFFFF086;
	s6 =	sadd.s32 @!p0 s3, s7;
	s7 =	simm.s32 @!p0 $0x108  }
0x21: {  	s3 =	sadd.s32 s3, s9;
	s6 =	sadd.s32 @!p0 $0x88, s6;
	s7 =	simm.s32 @p2 $0x1082  }
0x22: {  	[simem:s7], [sflag:s8] =	dma.local @!p0 [hbm:s6], $0xF7A  }
0x23: {  	s9 =	sor.u32 $0xD0000000, s2;
	s6 =	simm.s32 $0x108;
	_ =	swait.ge @!p0 [sflag:s8], $0x0  }
0x24: {  	s3 =	sadd.s32 $0x88, s3;
	s6 =	simm.s32 @!p1 $0x1082;
	[sflag:s4] =	ssyncset.s32 $0xFFFFF086  }
0x25: {  	[simem:s6], [sflag:s4] =	dma.local [hbm:s3], $0xF7A  }
0x26: {  	[smem:$0x3F9C] =	sst s1;
	(tag) =	ssettag s2;
	_ =	strace s9  }
0x27: {  	s1 =	sld [smem:$0x3FAC]  }
0x28: {  	s2 =	sld [smem:$0x3FAD]  }
0x29: {  	s4 =	sld [smem:$0x3FAF]  }
0x2a: {  	p0 =	seq.s32 s5, $0x0;
	s5 =	sld [smem:$0x3FB0]  }
0x2b: {  	s6 =	sld [smem:$0x3FB1]  }
0x2c: {  	s7 =	sld [smem:$0x3FB2]  }
0x2d: {  	s3 =	simm.s32 $0x108;
	s8 =	sld [smem:$0x3FB3]  }
0x2e: {  	s3 =	simm.s32 @!p0 $0x1082;
	s9 =	sld [smem:$0x3FB4]  }
0x2f: {  	lr =	sadd.s32 s0, s3;
	s0 =	sld [smem:$0x3FAB]  }
0x30: {  	s3 =	sld [smem:$0x3FAE]  }
0x31: {  	[smem:$0x3FB7] =	sst s10  }
0x32: {  	s10 =	sld [smem:$0x3FB5];
	_ =	sdelay $0x3  }
0x33: {  	p0 =	seq.s32 s10, $0x1;
	s10 =	sld [smem:$0x3FB7];
	_ =	sdelay $0x3  }
0x34: {  	[smem:$0x3FB7] =	sst s10  }
0x35: {  	s10 =	sld [smem:$0x3FB6];
	_ =	sdelay $0x3  }
0x36: {  	p1 =	seq.s32 s10, $0x1;
	s10 =	sld [smem:$0x3FB7];
	_ =	sdelay $0x3  }
0x37: {  	[smem:$0x3FB7] =	sst s10  }
0x38: {  	s10 =	sld [smem:$0x3FB8]  }
0x39: {  	_ = 	snop;
	(pc) =	sbr.ind lr, $3  }
0x3a: {  	_ = 	snop  }
0x3b: {  	_ = 	snop  }
0x3c: {  	p2 =	seq.s32 s10, $0x1;
	s10 =	sld [smem:$0x3FB7]  }
0x3d: {  	_ =	shalt  }
0x3e: {  	_ =	shalt  }
0x3f: {  	_ =	shalt  }
0x40: {  	_ =	shalt  }
0x41: {  	_ =	shalt  }
0x42: {  	_ =	shalt  }
0x43: {  	_ =	shalt  }
0x44: {  	_ =	shalt  }
0x45: {  	_ =	shalt  }
0x46: {  	_ =	shalt  }
0x47: {  	_ =	shalt  }
0x48: {  	_ =	shalt  }
0x49: {  	_ =	shalt  }
0x4a: {  	_ =	shalt  }
0x4b: {  	_ =	shalt  }
0x4c: {  	_ =	shalt  }
0x4d: {  	_ =	shalt  }
0x4e: {  	_ =	shalt  }
0x4f: {  	_ =	shalt  }
0x50: {  	_ =	shalt  }
0x51: {  	_ =	shalt  }
0x52: {  	_ =	shalt  }
0x53: {  	_ =	shalt  }
0x54: {  	_ =	shalt  }
0x55: {  	_ =	shalt  }
0x56: {  	_ =	shalt  }
0x57: {  	_ =	shalt  }
0x58: {  	_ =	shalt  }
0x59: {  	_ =	shalt  }
0x5a: {  	_ =	shalt  }
0x5b: {  	_ =	shalt  }
0x5c: {  	_ =	shalt  }
0x5d: {  	_ =	shalt  }
0x5e: {  	_ =	shalt  }
0x5f: {  	_ =	shalt  }
0x60: {  	_ =	shalt  }
0x61: {  	_ =	shalt  }
0x62: {  	_ =	shalt  }
0x63: {  	_ =	shalt  }
0x64: {  	_ =	shalt  }
0x65: {  	_ =	shalt  }
0x66: {  	_ =	shalt  }
0x67: {  	_ =	shalt  }
0x68: {  	_ =	shalt  }
0x69: {  	_ =	shalt  }
0x6a: {  	_ =	shalt  }
0x6b: {  	_ =	shalt  }
0x6c: {  	_ =	shalt  }
0x6d: {  	_ =	shalt  }
0x6e: {  	_ =	shalt  }
0x6f: {  	_ =	shalt  }
0x70: {  	_ =	shalt  }
0x71: {  	_ =	shalt  }
0x72: {  	_ =	shalt  }
0x73: {  	_ =	shalt  }
0x74: {  	_ =	shalt  }
0x75: {  	_ =	shalt  }
0x76: {  	_ =	shalt  }
0x77: {  	_ =	shalt  }
0x78: {  	_ =	shalt  }
0x79: {  	_ =	shalt  }
0x7a: {  	_ =	shalt  }
0x7b: {  	_ =	shalt  }
0x7c: {  	_ =	shalt  }
0x7d: {  	_ =	shalt  }
0x7e: {  	_ =	shalt  }
0x7f: {  	_ =	shalt  }
0x80: {  	_ =	shalt  }
0x81: {  	_ =	shalt  }
0x82: {  	_ =	shalt  }
0x83: {  	_ =	shalt  }
0x84: {  	_ =	shalt  }
0x85: {  	_ =	shalt  }
0x86: {  	_ =	shalt  }
0x87: {  	_ =	shalt  }
.Lfunc_end0:
.L_simem_size_0:
called_computation.6_lowered:
.L_overlay_start_0:
0x88: {  	s2 =	sld [smem:$0x3FD9]  }
0x89: {  	s3 =	sld [smem:$0x3FFE];
	_ =	sdelay $0x1  }
0x8a: {  	s1 =	srdreg.scid  }
0x8b: {  	s0 =	sand.u32 $0x1, s1  }
0x8c: {  	s17 =	sshll.u32 s0, $0xA;
	s2 =	sadd.s32 s3, s2  }
0x8d: {  	s2 =	sadd.s32 s2, s17  }
0x8e: {  	[smem:$0x3FC3] =	sst s2  }
0x8f: {  	_ = 	snop  }
0x90: {  	s18 =	sld [smem:$0x3FC9];
	(tm) =	ssettm $0x1  }
0x91: {  	s19 =	sld [smem:$0x3FFB];
	_ =	sdelay $0x3  }
0x92: {  	_ =	strace s19  }
0x93: {  	s2 =	sld [smem:$0x3FFC];
	_ =	sdelay $0x3  }
0x94: {  	_ =	strace s2  }
0x95: {  	s2 =	sld [smem:$0x3FFD];
	_ =	sdelay $0x3  }
0x96: {  	_ =	strace s2  }
0x97: {  	_ =	strace $0x8FFFFFFF  }
0x98: {  	s20 =	sld [smem:$0x3FDB];
	_ =	sdelay $0x1  }
0x99: {  	s4 =	simm.s32 $_scs_section_size  }
0x9a: {  	s5 =	simm.s32 $_size__tile_overlayer_lowered;
	s6 =	simm.s32 $_tile_overlayer_lowered  }
0x9b: {  	s7 =	simm.s32 $0x1BFF;
	s21 =	sshll.u32 s6, $0x1;
	s4 =	sadd.s32 s4, s20  }
0x9c: {  	s22 =	simm.s32 $0x0;
	s5 =	sshll.u32 s5, $0x1;
	s6 =	sadd.s32 s21, s4  }
0x9d: {  	[timem:s22], [sflag:s7] =	dma.local [hbm:s6], s5  }
0x9e: {  	_ =	swait.ge [sflag:s7], s5  }
0x9f: {  	s5 =	ssub.s32 $0x0, s5;
	[sflag:s7] =	ssyncset.done $0x0  }
0xa0: {  	[sflag:s7] =	ssyncadd.s32 s5;
	_ =	sdelay $0x1  }
0xa1: {  	s23 =	simm.s32 $0x1B8B  }
0xa2: {  	_ =	swait.ge [sflag:s23], $0x1  }
0xa3: {  	[sflag:s23] =	ssyncset.done $0x0  }
0xa4: {  	[sflag:s23] =	ssyncadd.s32 $0xFFFFFFFF  }
0xa5: {  	s5 =	sld [smem:$0x0]  }
0xa6: {  	s6 =	sand.u32 $0xFFFFFFFE, s1  }
0xa7: {  	p0 =	sne.s32 s1, s6  }
0xa8: {  	s6 =	sshll.u32 @p0 s6, $0xE  }
0xa9: {  	s6 =	sadd.s32 @p0 $0x11B8D, s6;
	s7 =	sshll.u32 @p0 s5, $0x11  }
0xaa: {  	s6 =	sor.u32 @p0 s7, s6  }
0xab: {  	[sflag:s6] =	ssyncadd.remote.s32 @p0 $0x1;
	_ =	sdelay $0x1  }
0xac: {  	s6 =	simm.s32 @p0 $0x1B8D  }
0xad: {  	_ =	swait.eq @p0 [sflag:s6], $0x1  }
0xae: {  	[sflag:s6] =	ssyncadd.s32 @p0 $0xFFFFFFFF  }
0xaf: {  	s7 =	sshll.u32 @!p0 s1, $0xE  }
0xb0: {  	s7 =	sor.u32 @!p0 $0x4000, s7;
	s6 =	simm.s32 @!p0 $0x1B8D  }
0xb1: {  	s5 =	sshll.u32 @!p0 s5, $0x11;
	s7 =	sadd.s32 @!p0 $0x11B8D, s7;
	_ =	swait.eq @!p0 [sflag:s6], $0x1  }
0xb2: {  	s5 =	sor.u32 @!p0 s5, s7;
	[sflag:s6] =	ssyncadd.s32 @!p0 $0xFFFFFFFF  }
0xb3: {  	s25 =	simm.s32 $0x1B8E;
	s24 =	sld [smem:$0x3FFE];
	[sflag:s5] =	ssyncadd.remote.s32 @!p0 $0x1  }
0xb4: {  	s26 =	simm.s32 $execute0_lowered;
	[smem:$0x3FD2] =	sst s25  }
0xb5: {  	s6 =	sshll.u32 s26, $0x1;
	_ =	strace $0x8000004F;
	[dreg:$0x1] =	wrdreg $0xFFFFFFFF  }
0xb6: {  	s28 =	simm.s32 $_size_execute0_lowered;
	s4 =	sadd.s32 s4, s6;
	[dreg:$0x0] =	wrdreg $0x0  }
0xb7: {  	s6 =	sshll.u32 s28, $0x1;
	[dreg:$0x2] =	wrdreg s4  }
0xb8: {  	[dreg:$0x3] =	wrdreg s6  }
0xb9: {  	[dreg:$0x4] =	wrdreg $0xC0  }
0xba: {  	_ =	task [dreg:s22], $0x5FFFF  }
0xbb: {  	[dreg:$0x1] =	wrdreg $0xFFFFFFFF  }
0xbc: {  	[dreg:$0x0] =	wrdreg $0x60  }
0xbd: {  	[dreg:$0x2] =	wrdreg s18  }
0xbe: {  	[dreg:$0x3] =	wrdreg s24  }
0xbf: {  	[dreg:$0x4] =	wrdreg $0xD  }
0xc0: {  	_ =	task.clear_ibuf [dreg:s22], $0x5FFFF;
	_ =	strace $0x9000004F  }
0xc1: {  	s29 =	simm.s32 $0xD;
	_ =	strace $0x80000051  }
0xc2: {  	_ =	swait.ge [sflag:s29], $0x1  }
0xc3: {  	[sflag:s29] =	ssyncadd.s32 $0xFFFFFFFF  }
0xc4: {  	_ =	strace $0x90000051  }
0xc5: {  	_ =	sfence  }
0xc6: {  	s30 =	sld [smem:$0x0];
	_ =	sdelay $0x2  }
0xc7: {  	s31 =	sshll.u32 s1, $0xD;
	s1 =	sshrl.u32 s1, $0x2  }
0xc8: {  	s4 =	sand.u32 $0x4000, s31;
	s1 =	sadd.s32 s1, s30  }
0xc9: {  	s0 =	sor.u32 s4, s0;
	s1 =	sshll.u32 s1, $0x11  }
0xca: {  	s0 =	sor.u32 s1, s0  }
0xcb: {  	s0 =	sadd.s32 $0x8F2B, s0  }
0xcc: {  	[sflag:s0] =	ssyncadd.remote.s32 $0x1  }
0xcd: {  	_ =	sfence.sel $0xFFFF  }
0xce: {  	[dreg:$0x0] =	wrdreg $0xFFFFFFFF;
	(pc) =	sbr.abs _section_cstart, $3  }
0xcf: {  	[dreg:$0x1] =	wrdreg $0xFFFFFFFF  }
0xd0: {  	_ =	task.clear_ibuf [dreg:s22], $0x2FFFF;
	_ =	strace $0x9FFFFFFF  }
0xd1: {  	(tm) =	ssettm $0x7FFFFFFF  }
tec
execute0_lowered:
.L_overlay_start_1:
0x0: {  	(tag) =	ssettag $0x1  }
0x1: {  	s0 =	srdreg.scid;
	s2 =	rddreg [dreg:$0x0]  }
0x2: {  	s1 =	stileid.u32;
	s4 =	rddreg [dreg:$0x1];
	s3 =	simm.s32 $0x0  }
0x3: {  	s28 =	simm.s32 $0x3;
	s29 =	simm.s32 $0x2;
	s30 =	simm.s32 $0x4  }
0x4: {  	s31 =	simm.s32 $0x80;
	s13 =	simm.s32 $0x1880;
	s15 =	simm.s32 $0x2080  }
0x5: {  	s16 =	simm.s32 $0x2880;
	s17 =	simm.s32 $0x3080;
	s18 =	simm.s32 $0x3880  }
0x6: {  	s19 =	simm.s32 $0x4080;
	s20 =	simm.s32 $0x4880;
	s21 =	simm.s32 $0x5080  }
0x7: {  	s22 =	simm.s32 $0x5880;
	s0 =	sand.u32 $0x1, s0;
	s1 =	sshll.u32 s1, $0x1  }
0x8: {  	s23 =	simm.s32 $0x6080;
	s14 =	simm.s32 $0x7880;
	s1 =	sor.u32 s0, s1  }
0x9: {  	[smem:$0x7FF] =	sst s3;
	s6 =	sadd.s32 $0xC1E00, s4;
	s5 =	smul.u32 $0x60, s1  }
0xa: {  	s10 =	sadd.s32 $0x600, s2;
	s0 =	ssub.s32 $0x2, s0;
	s7 =	smul.u32 $0x6000, s1  }
0xb: {  	s11 =	sadd.s32 $0x700, s2;
	s24 =	sshrl.u32 s0, $0x1;
	s1 =	smul.u32 $0x30000, s1  }
0xc: {  	_ =	strace $0x80000050;
	s0 =	ssub.s32 s0, s24;
	s24 =	simm.s32 $0x6880  }
0xd: {  	s5 =	sshrl.u32 s5, $0x3;
	s8 =	sadd.s32 s6, s7;
	s1 =	sshrl.u32 s1, $0x3  }
0xe: {  	s4 =	sadd.s32 s4, s5;
	[dreg:$0x9] =	wrdreg s8;
	s9 =	sadd.s32 $0x1000, s8  }
0xf: {  	s1 =	sadd.s32 s6, s1;
	s4 =	sadd.s32 $0xF00, s4;
	[dreg:$0x4] =	wrdreg s9  }
0x10: {  	s7 =	sadd.s32 $0x300, s2;
	s6 =	sadd.s32 $0x2000, s1;
	[dreg:$0x3] =	wrdreg s4  }
0x11: {  	s12 =	smax.u32 s0, $0x1;
	s25 =	sadd.s32 $0x3000, s1;
	[dreg:$0x5] =	wrdreg s6  }
0x12: {  	s5 =	sadd.s32 $0x200, s2;
	s26 =	sadd.s32 $0x4000, s1;
	[dreg:$0x6] =	wrdreg s25  }
0x13: {  	v2 =	vlaneseq.u32;
	s8 =	sadd.s32 $0x400, s2;
	s1 =	sadd.s32 $0x5000, s1;
	[dreg:$0x7] =	wrdreg s26  }
0x14: {  	vm0 =	vmmov $0xffff;
	v1 =	vshrl.u32 v2, $0x3;
	s9 =	sadd.s32 $0x500, s2;
	s4 =	sadd.s32 $0x100, s2;
	[dreg:$0x8] =	wrdreg s1  }
0x15: {  	v0 =	vand.u32 $0x7, v2;
	v2 =	vor.u32 $0x8, v2;
	v1 =	vmul.u32 $0x8, v1;
	s26 =	simm.s32 $0x1;
	s6 =	simm.s32 $0x1080;
	s25 =	simm.s32 $0x7080  }
.LBB2_1:
0x16: {  	s1 =	rddreg [dreg:$0x3];
	s0 =	simm.s32 $0x5  }
0x17: {  	[tilespmem:s3], [sflag:$0x5] =	stream.linear.gather [hbm4b:s1+s3], $0x60, $0x38;
	[tilespmem:$0x10080] =	vst v63  }
0x18: {  	_ =	swait.ge [sflag:s0], $0x60  }
0x19: {  	[sflag:s0] =	ssyncset.done $0x0  }
0x1a: {  	[sflag:s0] =	ssyncadd.s32 $0xFFFFFFA0  }
0x1b: {  	v3 =	vld [tilespmem:$0x0];
	_ =	sdelay $0x4  }
0x1c: {  	v4 =	vshll.u32 v3, $0x4  }
0x1d: {  	v3 =	vand.u32 $0x7, v3;
	v4 =	vand.u32 $0xFFFFFF80, v4  }
0x1e: {  	v3 =	vor.u32 v3, v4  }
0x1f: {  	v4 =	vperm.xlane v3, v0;
	_ =	sdelay $0x1  }
0x20: {  	v4 =	vadd.s32 v1, v4;
	_ =	sdelay $0x4  }
0x21: {  	[tilespmem:s31], [sflag:$0x1] =	stream.indirect_vreg.gather [hbm4b:s2+s3], $0x80, v4, vm0, $0xb8;
	[tilespmem:$0x10080] =	vst v63  }
0x22: {  	s0 =	simm.s32 $0x880  }
0x23: {  	[tilespmem:s0], [sflag:$0x1] =	stream.indirect_vreg.gather [hbm4b:s4+s3], $0x80, v4, vm0, $0xb8;
	[tilespmem:$0x10080] =	vst v63  }
0x24: {  	_ = 	snop  }
0x25: {  	[tilespmem:s6], [sflag:$0x1] =	stream.indirect_vreg.gather [hbm4b:s5+s3], $0x80, v4, vm0, $0xb8;
	[tilespmem:$0x10080] =	vst v63  }
0x26: {  	_ = 	snop  }
0x27: {  	[tilespmem:s13], [sflag:$0x1] =	stream.indirect_vreg.gather [hbm4b:s7+s3], $0x80, v4, vm0, $0xb8;
	[tilespmem:$0x10080] =	vst v63  }
0x28: {  	_ = 	snop  }
0x29: {  	[tilespmem:s15], [sflag:$0x1] =	stream.indirect_vreg.gather [hbm4b:s8+s3], $0x80, v4, vm0, $0xb8;
	[tilespmem:$0x10080] =	vst v63  }
0x2a: {  	v3 =	vperm.xlane v3, v2  }
0x2b: {  	[tilespmem:s16], [sflag:$0x1] =	stream.indirect_vreg.gather [hbm4b:s9+s3], $0x80, v4, vm0, $0xb8;
	[tilespmem:$0x10080] =	vst v63  }
0x2c: {  	v3 =	vadd.s32 v1, v3  }
0x2d: {  	[tilespmem:s17], [sflag:$0x1] =	stream.indirect_vreg.gather [hbm4b:s10+s3], $0x80, v4, vm0, $0xb8;
	[tilespmem:$0x10080] =	vst v63  }
0x2e: {  	_ = 	snop  }
0x2f: {  	[tilespmem:s18], [sflag:$0x1] =	stream.indirect_vreg.gather [hbm4b:s11+s3], $0x80, v4, vm0, $0xb8;
	[tilespmem:$0x10080] =	vst v63  }
0x30: {  	_ = 	snop  }
0x31: {  	[tilespmem:s19], [sflag:$0x1] =	stream.indirect_vreg.gather [hbm4b:s2+s3], $0x80, v3, vm0, $0xb8;
	[tilespmem:$0x10080] =	vst v63  }
0x32: {  	_ = 	snop  }
0x33: {  	[tilespmem:s20], [sflag:$0x1] =	stream.indirect_vreg.gather [hbm4b:s4+s3], $0x80, v3, vm0, $0xb8;
	[tilespmem:$0x10080] =	vst v63  }
0x34: {  	_ = 	snop  }
0x35: {  	[tilespmem:s21], [sflag:$0x1] =	stream.indirect_vreg.gather [hbm4b:s5+s3], $0x80, v3, vm0, $0xb8;
	[tilespmem:$0x10080] =	vst v63  }
0x36: {  	_ = 	snop  }
0x37: {  	[tilespmem:s22], [sflag:$0x1] =	stream.indirect_vreg.gather [hbm4b:s7+s3], $0x80, v3, vm0, $0xb8;
	[tilespmem:$0x10080] =	vst v63  }
0x38: {  	_ = 	snop  }
0x39: {  	[tilespmem:s23], [sflag:$0x1] =	stream.indirect_vreg.gather [hbm4b:s8+s3], $0x80, v3, vm0, $0xb8;
	[tilespmem:$0x10080] =	vst v63  }
0x3a: {  	_ = 	snop  }
0x3b: {  	[tilespmem:s24], [sflag:$0x1] =	stream.indirect_vreg.gather [hbm4b:s9+s3], $0x80, v3, vm0, $0xb8;
	[tilespmem:$0x10080] =	vst v63  }
0x3c: {  	_ = 	snop  }
0x3d: {  	[tilespmem:s25], [sflag:$0x1] =	stream.indirect_vreg.gather [hbm4b:s10+s3], $0x80, v3, vm0, $0xb8;
	[tilespmem:$0x10080] =	vst v63  }
0x3e: {  	_ = 	snop  }
0x3f: {  	[tilespmem:s14], [sflag:$0x1] =	stream.indirect_vreg.gather [hbm4b:s11+s3], $0x80, v3, vm0, $0xb8;
	[tilespmem:$0x10080] =	vst v63  }
0x40: {  	v3 =	vld [tilespmem:$0x10];
	_ =	sdelay $0x4  }
0x41: {  	v59 =	vshll.u32 v3, $0x4  }
0x42: {  	v3 =	vand.u32 $0x7, v3;
	v4 =	vand.u32 $0xFFFFFF80, v59  }
0x43: {  	v3 =	vor.u32 v3, v4  }
0x44: {  	v4 =	vperm.xlane v3, v0;
	_ =	sdelay $0x1  }
0x45: {  	v4 =	vadd.s32 v1, v4;
	_ =	sdelay $0x3  }
0x46: {  	s0 =	simm.s32 $0x8080  }
0x47: {  	[tilespmem:s0], [sflag:$0x2] =	stream.indirect_vreg.gather [hbm4b:s2+s3], $0x80, v4, vm0, $0xb8;
	[tilespmem:$0x10080] =	vst v63  }
0x48: {  	s1 =	simm.s32 $0x8880  }
0x49: {  	[tilespmem:s1], [sflag:$0x2] =	stream.indirect_vreg.gather [hbm4b:s4+s3], $0x80, v4, vm0, $0xb8;
	[tilespmem:$0x10080] =	vst v63  }
0x4a: {  	s1 =	simm.s32 $0x9080  }
0x4b: {  	[tilespmem:s1], [sflag:$0x2] =	stream.indirect_vreg.gather [hbm4b:s5+s3], $0x80, v4, vm0, $0xb8;
	[tilespmem:$0x10080] =	vst v63  }
0x4c: {  	s1 =	simm.s32 $0x9880  }
0x4d: {  	[tilespmem:s1], [sflag:$0x2] =	stream.indirect_vreg.gather [hbm4b:s7+s3], $0x80, v4, vm0, $0xb8;
	[tilespmem:$0x10080] =	vst v63  }
0x4e: {  	s1 =	simm.s32 $0xA080  }
0x4f: {  	[tilespmem:s1], [sflag:$0x2] =	stream.indirect_vreg.gather [hbm4b:s8+s3], $0x80, v4, vm0, $0xb8;
	[tilespmem:$0x10080] =	vst v63  }
0x50: {  	v3 =	vperm.xlane v3, v2;
	s1 =	simm.s32 $0xA880  }
0x51: {  	[tilespmem:s1], [sflag:$0x2] =	stream.indirect_vreg.gather [hbm4b:s9+s3], $0x80, v4, vm0, $0xb8;
	[tilespmem:$0x10080] =	vst v63  }
0x52: {  	v3 =	vadd.s32 v1, v3;
	s1 =	simm.s32 $0xB080  }
0x53: {  	[tilespmem:s1], [sflag:$0x2] =	stream.indirect_vreg.gather [hbm4b:s10+s3], $0x80, v4, vm0, $0xb8;
	[tilespmem:$0x10080] =	vst v63  }
0x54: {  	s1 =	simm.s32 $0xB880  }
0x55: {  	[tilespmem:s1], [sflag:$0x2] =	stream.indirect_vreg.gather [hbm4b:s11+s3], $0x80, v4, vm0, $0xb8;
	[tilespmem:$0x10080] =	vst v63  }
0x56: {  	s1 =	simm.s32 $0xC080  }
0x57: {  	[tilespmem:s1], [sflag:$0x2] =	stream.indirect_vreg.gather [hbm4b:s2+s3], $0x80, v3, vm0, $0xb8;
	[tilespmem:$0x10080] =	vst v63  }
0x58: {  	s1 =	simm.s32 $0xC880  }
0x59: {  	[tilespmem:s1], [sflag:$0x2] =	stream.indirect_vreg.gather [hbm4b:s4+s3], $0x80, v3, vm0, $0xb8;
	[tilespmem:$0x10080] =	vst v63  }
0x5a: {  	s1 =	simm.s32 $0xD080  }
0x5b: {  	[tilespmem:s1], [sflag:$0x2] =	stream.indirect_vreg.gather [hbm4b:s5+s3], $0x80, v3, vm0, $0xb8;
	[tilespmem:$0x10080] =	vst v63  }
0x5c: {  	s1 =	simm.s32 $0xD880  }
0x5d: {  	[tilespmem:s1], [sflag:$0x2] =	stream.indirect_vreg.gather [hbm4b:s7+s3], $0x80, v3, vm0, $0xb8;
	[tilespmem:$0x10080] =	vst v63  }
0x5e: {  	s1 =	simm.s32 $0xE080  }
0x5f: {  	[tilespmem:s1], [sflag:$0x2] =	stream.indirect_vreg.gather [hbm4b:s8+s3], $0x80, v3, vm0, $0xb8;
	[tilespmem:$0x10080] =	vst v63  }
0x60: {  	s1 =	simm.s32 $0xE880  }
0x61: {  	[tilespmem:s1], [sflag:$0x2] =	stream.indirect_vreg.gather [hbm4b:s9+s3], $0x80, v3, vm0, $0xb8;
	[tilespmem:$0x10080] =	vst v63  }
0x62: {  	s1 =	simm.s32 $0xF080  }
0x63: {  	[tilespmem:s1], [sflag:$0x2] =	stream.indirect_vreg.gather [hbm4b:s10+s3], $0x80, v3, vm0, $0xb8;
	[tilespmem:$0x10080] =	vst v63  }
0x64: {  	s1 =	simm.s32 $0xF880  }
0x65: {  	[tilespmem:s1], [sflag:$0x2] =	stream.indirect_vreg.gather [hbm4b:s11+s3], $0x80, v3, vm0, $0xb8;
	[tilespmem:$0x10080] =	vst v63  }
0x66: {  	_ =	swait.ge [sflag:s26], $0x8000  }
0x67: {  	[sflag:s26] =	ssyncset.done $0x0  }
0x68: {  	s1 =	rddreg [dreg:$0x9];
	[sflag:s26] =	ssyncadd.s32 $0xFFFF8000  }
0x69: {  	[hbm4b:s1+s3] =	stream.linear.scatter [tilespmem:s31], [sflag:$0x3], $0x8000, $0x38;
	[tilespmem:$0x10080] =	vst v63  }
0x6a: {  	_ =	swait.ge [sflag:s28], $0x8000  }
0x6b: {  	[sflag:s28] =	ssyncset.done $0x0  }
0x6c: {  	[sflag:s28] =	ssyncadd.s32 $0xFFFF8000  }
0x6d: {  	v3 =	vld [tilespmem:$0x20];
	_ =	sdelay $0x4  }
0x6e: {  	v60 =	vshll.u32 v3, $0x4  }
0x6f: {  	v3 =	vand.u32 $0x7, v3;
	v4 =	vand.u32 $0xFFFFFF80, v60  }
0x70: {  	v3 =	vor.u32 v3, v4  }
0x71: {  	v4 =	vperm.xlane v3, v0;
	_ =	sdelay $0x1  }
0x72: {  	v4 =	vadd.s32 v1, v4;
	_ =	sdelay $0x4  }
0x73: {  	[tilespmem:s31], [sflag:$0x1] =	stream.indirect_vreg.gather [hbm4b:s2+s3], $0x80, v4, vm0, $0xb8;
	[tilespmem:$0x10080] =	vst v63  }
0x74: {  	s1 =	simm.s32 $0x880  }
0x75: {  	[tilespmem:s1], [sflag:$0x1] =	stream.indirect_vreg.gather [hbm4b:s4+s3], $0x80, v4, vm0, $0xb8;
	[tilespmem:$0x10080] =	vst v63  }
0x76: {  	_ = 	snop  }
0x77: {  	[tilespmem:s6], [sflag:$0x1] =	stream.indirect_vreg.gather [hbm4b:s5+s3], $0x80, v4, vm0, $0xb8;
	[tilespmem:$0x10080] =	vst v63  }
0x78: {  	_ = 	snop  }
0x79: {  	[tilespmem:s13], [sflag:$0x1] =	stream.indirect_vreg.gather [hbm4b:s7+s3], $0x80, v4, vm0, $0xb8;
	[tilespmem:$0x10080] =	vst v63  }
0x7a: {  	_ = 	snop  }
0x7b: {  	[tilespmem:s15], [sflag:$0x1] =	stream.indirect_vreg.gather [hbm4b:s8+s3], $0x80, v4, vm0, $0xb8;
	[tilespmem:$0x10080] =	vst v63  }
0x7c: {  	v3 =	vperm.xlane v3, v2  }
0x7d: {  	[tilespmem:s16], [sflag:$0x1] =	stream.indirect_vreg.gather [hbm4b:s9+s3], $0x80, v4, vm0, $0xb8;
	[tilespmem:$0x10080] =	vst v63  }
0x7e: {  	v3 =	vadd.s32 v1, v3  }
0x7f: {  	[tilespmem:s17], [sflag:$0x1] =	stream.indirect_vreg.gather [hbm4b:s10+s3], $0x80, v4, vm0, $0xb8;
	[tilespmem:$0x10080] =	vst v63  }
0x80: {  	_ = 	snop  }
0x81: {  	[tilespmem:s18], [sflag:$0x1] =	stream.indirect_vreg.gather [hbm4b:s11+s3], $0x80, v4, vm0, $0xb8;
	[tilespmem:$0x10080] =	vst v63  }
0x82: {  	_ = 	snop  }
0x83: {  	[tilespmem:s19], [sflag:$0x1] =	stream.indirect_vreg.gather [hbm4b:s2+s3], $0x80, v3, vm0, $0xb8;
	[tilespmem:$0x10080] =	vst v63  }
0x84: {  	_ = 	snop  }
0x85: {  	[tilespmem:s20], [sflag:$0x1] =	stream.indirect_vreg.gather [hbm4b:s4+s3], $0x80, v3, vm0, $0xb8;
	[tilespmem:$0x10080] =	vst v63  }
0x86: {  	_ = 	snop  }
0x87: {  	[tilespmem:s21], [sflag:$0x1] =	stream.indirect_vreg.gather [hbm4b:s5+s3], $0x80, v3, vm0, $0xb8;
	[tilespmem:$0x10080] =	vst v63  }
0x88: {  	_ = 	snop  }
0x89: {  	[tilespmem:s22], [sflag:$0x1] =	stream.indirect_vreg.gather [hbm4b:s7+s3], $0x80, v3, vm0, $0xb8;
	[tilespmem:$0x10080] =	vst v63  }
0x8a: {  	_ = 	snop  }
0x8b: {  	[tilespmem:s23], [sflag:$0x1] =	stream.indirect_vreg.gather [hbm4b:s8+s3], $0x80, v3, vm0, $0xb8;
	[tilespmem:$0x10080] =	vst v63  }
0x8c: {  	_ = 	snop  }
0x8d: {  	[tilespmem:s24], [sflag:$0x1] =	stream.indirect_vreg.gather [hbm4b:s9+s3], $0x80, v3, vm0, $0xb8;
	[tilespmem:$0x10080] =	vst v63  }
0x8e: {  	_ = 	snop  }
0x8f: {  	[tilespmem:s25], [sflag:$0x1] =	stream.indirect_vreg.gather [hbm4b:s10+s3], $0x80, v3, vm0, $0xb8;
	[tilespmem:$0x10080] =	vst v63  }
0x90: {  	_ = 	snop  }
0x91: {  	[tilespmem:s14], [sflag:$0x1] =	stream.indirect_vreg.gather [hbm4b:s11+s3], $0x80, v3, vm0, $0xb8;
	[tilespmem:$0x10080] =	vst v63  }
0x92: {  	_ =	swait.ge [sflag:s29], $0x8000  }
0x93: {  	[sflag:s29] =	ssyncset.done $0x0  }
0x94: {  	s1 =	rddreg [dreg:$0x4];
	[sflag:s29] =	ssyncadd.s32 $0xFFFF8000  }
0x95: {  	[hbm4b:s1+s3] =	stream.linear.scatter [tilespmem:s0], [sflag:$0x4], $0x8000, $0x38;
	[tilespmem:$0x10080] =	vst v63  }
0x96: {  	_ =	swait.ge [sflag:s30], $0x8000  }
0x97: {  	[sflag:s30] =	ssyncset.done $0x0  }
0x98: {  	[sflag:s30] =	ssyncadd.s32 $0xFFFF8000  }
0x99: {  	v3 =	vld [tilespmem:$0x30];
	_ =	sdelay $0x4  }
0x9a: {  	v61 =	vshll.u32 v3, $0x4  }
0x9b: {  	v3 =	vand.u32 $0x7, v3;
	v4 =	vand.u32 $0xFFFFFF80, v61  }
0x9c: {  	v3 =	vor.u32 v3, v4  }
0x9d: {  	v4 =	vperm.xlane v3, v0;
	_ =	sdelay $0x1  }
0x9e: {  	v4 =	vadd.s32 v1, v4;
	_ =	sdelay $0x4  }
0x9f: {  	[tilespmem:s0], [sflag:$0x2] =	stream.indirect_vreg.gather [hbm4b:s2+s3], $0x80, v4, vm0, $0xb8;
	[tilespmem:$0x10080] =	vst v63  }
0xa0: {  	s1 =	simm.s32 $0x8880  }
0xa1: {  	[tilespmem:s1], [sflag:$0x2] =	stream.indirect_vreg.gather [hbm4b:s4+s3], $0x80, v4, vm0, $0xb8;
	[tilespmem:$0x10080] =	vst v63  }
0xa2: {  	s1 =	simm.s32 $0x9080  }
0xa3: {  	[tilespmem:s1], [sflag:$0x2] =	stream.indirect_vreg.gather [hbm4b:s5+s3], $0x80, v4, vm0, $0xb8;
	[tilespmem:$0x10080] =	vst v63  }
0xa4: {  	s1 =	simm.s32 $0x9880  }
0xa5: {  	[tilespmem:s1], [sflag:$0x2] =	stream.indirect_vreg.gather [hbm4b:s7+s3], $0x80, v4, vm0, $0xb8;
	[tilespmem:$0x10080] =	vst v63  }
0xa6: {  	s1 =	simm.s32 $0xA080  }
0xa7: {  	[tilespmem:s1], [sflag:$0x2] =	stream.indirect_vreg.gather [hbm4b:s8+s3], $0x80, v4, vm0, $0xb8;
	[tilespmem:$0x10080] =	vst v63  }
0xa8: {  	v3 =	vperm.xlane v3, v2;
	s1 =	simm.s32 $0xA880  }
0xa9: {  	[tilespmem:s1], [sflag:$0x2] =	stream.indirect_vreg.gather [hbm4b:s9+s3], $0x80, v4, vm0, $0xb8;
	[tilespmem:$0x10080] =	vst v63  }
0xaa: {  	v3 =	vadd.s32 v1, v3;
	s1 =	simm.s32 $0xB080  }
0xab: {  	[tilespmem:s1], [sflag:$0x2] =	stream.indirect_vreg.gather [hbm4b:s10+s3], $0x80, v4, vm0, $0xb8;
	[tilespmem:$0x10080] =	vst v63  }
0xac: {  	s1 =	simm.s32 $0xB880  }
0xad: {  	[tilespmem:s1], [sflag:$0x2] =	stream.indirect_vreg.gather [hbm4b:s11+s3], $0x80, v4, vm0, $0xb8;
	[tilespmem:$0x10080] =	vst v63  }
0xae: {  	s1 =	simm.s32 $0xC080  }
0xaf: {  	[tilespmem:s1], [sflag:$0x2] =	stream.indirect_vreg.gather [hbm4b:s2+s3], $0x80, v3, vm0, $0xb8;
	[tilespmem:$0x10080] =	vst v63  }
0xb0: {  	s1 =	simm.s32 $0xC880  }
0xb1: {  	[tilespmem:s1], [sflag:$0x2] =	stream.indirect_vreg.gather [hbm4b:s4+s3], $0x80, v3, vm0, $0xb8;
	[tilespmem:$0x10080] =	vst v63  }
0xb2: {  	s1 =	simm.s32 $0xD080  }
0xb3: {  	[tilespmem:s1], [sflag:$0x2] =	stream.indirect_vreg.gather [hbm4b:s5+s3], $0x80, v3, vm0, $0xb8;
	[tilespmem:$0x10080] =	vst v63  }
0xb4: {  	s1 =	simm.s32 $0xD880  }
0xb5: {  	[tilespmem:s1], [sflag:$0x2] =	stream.indirect_vreg.gather [hbm4b:s7+s3], $0x80, v3, vm0, $0xb8;
	[tilespmem:$0x10080] =	vst v63  }
0xb6: {  	s1 =	simm.s32 $0xE080  }
0xb7: {  	[tilespmem:s1], [sflag:$0x2] =	stream.indirect_vreg.gather [hbm4b:s8+s3], $0x80, v3, vm0, $0xb8;
	[tilespmem:$0x10080] =	vst v63  }
0xb8: {  	s1 =	simm.s32 $0xE880  }
0xb9: {  	[tilespmem:s1], [sflag:$0x2] =	stream.indirect_vreg.gather [hbm4b:s9+s3], $0x80, v3, vm0, $0xb8;
	[tilespmem:$0x10080] =	vst v63  }
0xba: {  	s1 =	simm.s32 $0xF080  }
0xbb: {  	[tilespmem:s1], [sflag:$0x2] =	stream.indirect_vreg.gather [hbm4b:s10+s3], $0x80, v3, vm0, $0xb8;
	[tilespmem:$0x10080] =	vst v63  }
0xbc: {  	s1 =	simm.s32 $0xF880  }
0xbd: {  	[tilespmem:s1], [sflag:$0x2] =	stream.indirect_vreg.gather [hbm4b:s11+s3], $0x80, v3, vm0, $0xb8;
	[tilespmem:$0x10080] =	vst v63  }
0xbe: {  	_ =	swait.ge [sflag:s26], $0x8000  }
0xbf: {  	[sflag:s26] =	ssyncset.done $0x0  }
0xc0: {  	s1 =	rddreg [dreg:$0x5];
	[sflag:s26] =	ssyncadd.s32 $0xFFFF8000  }
0xc1: {  	[hbm4b:s1+s3] =	stream.linear.scatter [tilespmem:s31], [sflag:$0x3], $0x8000, $0x38;
	[tilespmem:$0x10080] =	vst v63  }
0xc2: {  	_ =	swait.ge [sflag:s28], $0x8000  }
0xc3: {  	[sflag:s28] =	ssyncset.done $0x0  }
0xc4: {  	[sflag:s28] =	ssyncadd.s32 $0xFFFF8000  }
0xc5: {  	v3 =	vld [tilespmem:$0x40];
	_ =	sdelay $0x4  }
0xc6: {  	v62 =	vshll.u32 v3, $0x4  }
0xc7: {  	v3 =	vand.u32 $0x7, v3;
	v4 =	vand.u32 $0xFFFFFF80, v62  }
0xc8: {  	v3 =	vor.u32 v3, v4  }
0xc9: {  	v4 =	vperm.xlane v3, v0;
	_ =	sdelay $0x1  }
0xca: {  	v4 =	vadd.s32 v1, v4;
	_ =	sdelay $0x4  }
0xcb: {  	[tilespmem:s31], [sflag:$0x1] =	stream.indirect_vreg.gather [hbm4b:s2+s3], $0x80, v4, vm0, $0xb8;
	[tilespmem:$0x10080] =	vst v63  }
0xcc: {  	s1 =	simm.s32 $0x880  }
0xcd: {  	[tilespmem:s1], [sflag:$0x1] =	stream.indirect_vreg.gather [hbm4b:s4+s3], $0x80, v4, vm0, $0xb8;
	[tilespmem:$0x10080] =	vst v63  }
0xce: {  	_ = 	snop  }
0xcf: {  	[tilespmem:s6], [sflag:$0x1] =	stream.indirect_vreg.gather [hbm4b:s5+s3], $0x80, v4, vm0, $0xb8;
	[tilespmem:$0x10080] =	vst v63  }
0xd0: {  	_ = 	snop  }
0xd1: {  	[tilespmem:s13], [sflag:$0x1] =	stream.indirect_vreg.gather [hbm4b:s7+s3], $0x80, v4, vm0, $0xb8;
	[tilespmem:$0x10080] =	vst v63  }
0xd2: {  	_ = 	snop  }
0xd3: {  	[tilespmem:s15], [sflag:$0x1] =	stream.indirect_vreg.gather [hbm4b:s8+s3], $0x80, v4, vm0, $0xb8;
	[tilespmem:$0x10080] =	vst v63  }
0xd4: {  	v3 =	vperm.xlane v3, v2  }
0xd5: {  	[tilespmem:s16], [sflag:$0x1] =	stream.indirect_vreg.gather [hbm4b:s9+s3], $0x80, v4, vm0, $0xb8;
	[tilespmem:$0x10080] =	vst v63  }
0xd6: {  	v3 =	vadd.s32 v1, v3  }
0xd7: {  	[tilespmem:s17], [sflag:$0x1] =	stream.indirect_vreg.gather [hbm4b:s10+s3], $0x80, v4, vm0, $0xb8;
	[tilespmem:$0x10080] =	vst v63  }
0xd8: {  	_ = 	snop  }
0xd9: {  	[tilespmem:s18], [sflag:$0x1] =	stream.indirect_vreg.gather [hbm4b:s11+s3], $0x80, v4, vm0, $0xb8;
	[tilespmem:$0x10080] =	vst v63  }
0xda: {  	_ = 	snop  }
0xdb: {  	[tilespmem:s19], [sflag:$0x1] =	stream.indirect_vreg.gather [hbm4b:s2+s3], $0x80, v3, vm0, $0xb8;
	[tilespmem:$0x10080] =	vst v63  }
0xdc: {  	_ = 	snop  }
0xdd: {  	[tilespmem:s20], [sflag:$0x1] =	stream.indirect_vreg.gather [hbm4b:s4+s3], $0x80, v3, vm0, $0xb8;
	[tilespmem:$0x10080] =	vst v63  }
0xde: {  	_ = 	snop  }
0xdf: {  	[tilespmem:s21], [sflag:$0x1] =	stream.indirect_vreg.gather [hbm4b:s5+s3], $0x80, v3, vm0, $0xb8;
	[tilespmem:$0x10080] =	vst v63  }
0xe0: {  	_ = 	snop  }
0xe1: {  	[tilespmem:s22], [sflag:$0x1] =	stream.indirect_vreg.gather [hbm4b:s7+s3], $0x80, v3, vm0, $0xb8;
	[tilespmem:$0x10080] =	vst v63  }
0xe2: {  	_ = 	snop  }
0xe3: {  	[tilespmem:s23], [sflag:$0x1] =	stream.indirect_vreg.gather [hbm4b:s8+s3], $0x80, v3, vm0, $0xb8;
	[tilespmem:$0x10080] =	vst v63  }
0xe4: {  	_ = 	snop  }
0xe5: {  	[tilespmem:s24], [sflag:$0x1] =	stream.indirect_vreg.gather [hbm4b:s9+s3], $0x80, v3, vm0, $0xb8;
	[tilespmem:$0x10080] =	vst v63  }
0xe6: {  	_ = 	snop  }
0xe7: {  	[tilespmem:s25], [sflag:$0x1] =	stream.indirect_vreg.gather [hbm4b:s10+s3], $0x80, v3, vm0, $0xb8;
	[tilespmem:$0x10080] =	vst v63  }
0xe8: {  	_ = 	snop  }
0xe9: {  	[tilespmem:s14], [sflag:$0x1] =	stream.indirect_vreg.gather [hbm4b:s11+s3], $0x80, v3, vm0, $0xb8;
	[tilespmem:$0x10080] =	vst v63  }
0xea: {  	_ =	swait.ge [sflag:s29], $0x8000  }
0xeb: {  	[sflag:s29] =	ssyncset.done $0x0  }
0xec: {  	s1 =	rddreg [dreg:$0x6];
	[sflag:s29] =	ssyncadd.s32 $0xFFFF8000  }
0xed: {  	[hbm4b:s1+s3] =	stream.linear.scatter [tilespmem:s0], [sflag:$0x4], $0x8000, $0x38;
	[tilespmem:$0x10080] =	vst v63  }
0xee: {  	_ =	swait.ge [sflag:s30], $0x8000  }
0xef: {  	[sflag:s30] =	ssyncset.done $0x0  }
0xf0: {  	[sflag:s30] =	ssyncadd.s32 $0xFFFF8000  }
0xf1: {  	v3 =	vld [tilespmem:$0x50];
	_ =	sdelay $0x4  }
0xf2: {  	v63 =	vshll.u32 v3, $0x4  }
0xf3: {  	v3 =	vand.u32 $0x7, v3;
	v4 =	vand.u32 $0xFFFFFF80, v63  }
0xf4: {  	v3 =	vor.u32 v3, v4  }
0xf5: {  	v4 =	vperm.xlane v3, v0;
	_ =	sdelay $0x1  }
0xf6: {  	v4 =	vadd.s32 v1, v4;
	_ =	sdelay $0x4  }
0xf7: {  	[tilespmem:s0], [sflag:$0x2] =	stream.indirect_vreg.gather [hbm4b:s2+s3], $0x80, v4, vm0, $0xb8;
	[tilespmem:$0x10080] =	vst v63  }
0xf8: {  	s1 =	simm.s32 $0x8880  }
0xf9: {  	[tilespmem:s1], [sflag:$0x2] =	stream.indirect_vreg.gather [hbm4b:s4+s3], $0x80, v4, vm0, $0xb8;
	[tilespmem:$0x10080] =	vst v63  }
0xfa: {  	s1 =	simm.s32 $0x9080  }
0xfb: {  	[tilespmem:s1], [sflag:$0x2] =	stream.indirect_vreg.gather [hbm4b:s5+s3], $0x80, v4, vm0, $0xb8;
	[tilespmem:$0x10080] =	vst v63  }
0xfc: {  	s1 =	simm.s32 $0x9880  }
0xfd: {  	[tilespmem:s1], [sflag:$0x2] =	stream.indirect_vreg.gather [hbm4b:s7+s3], $0x80, v4, vm0, $0xb8;
	[tilespmem:$0x10080] =	vst v63  }
0xfe: {  	s1 =	simm.s32 $0xA080  }
0xff: {  	[tilespmem:s1], [sflag:$0x2] =	stream.indirect_vreg.gather [hbm4b:s8+s3], $0x80, v4, vm0, $0xb8;
	[tilespmem:$0x10080] =	vst v63  }
0x100: {  	v3 =	vperm.xlane v3, v2;
	s1 =	simm.s32 $0xA880  }
0x101: {  	[tilespmem:s1], [sflag:$0x2] =	stream.indirect_vreg.gather [hbm4b:s9+s3], $0x80, v4, vm0, $0xb8;
	[tilespmem:$0x10080] =	vst v63  }
0x102: {  	v3 =	vadd.s32 v1, v3;
	s1 =	simm.s32 $0xB080  }
0x103: {  	[tilespmem:s1], [sflag:$0x2] =	stream.indirect_vreg.gather [hbm4b:s10+s3], $0x80, v4, vm0, $0xb8;
	[tilespmem:$0x10080] =	vst v63  }
0x104: {  	s1 =	simm.s32 $0xB880  }
0x105: {  	[tilespmem:s1], [sflag:$0x2] =	stream.indirect_vreg.gather [hbm4b:s11+s3], $0x80, v4, vm0, $0xb8;
	[tilespmem:$0x10080] =	vst v63  }
0x106: {  	s1 =	simm.s32 $0xC080  }
0x107: {  	[tilespmem:s1], [sflag:$0x2] =	stream.indirect_vreg.gather [hbm4b:s2+s3], $0x80, v3, vm0, $0xb8;
	[tilespmem:$0x10080] =	vst v63  }
0x108: {  	s1 =	simm.s32 $0xC880  }
0x109: {  	[tilespmem:s1], [sflag:$0x2] =	stream.indirect_vreg.gather [hbm4b:s4+s3], $0x80, v3, vm0, $0xb8;
	[tilespmem:$0x10080] =	vst v63  }
0x10a: {  	s1 =	simm.s32 $0xD080  }
0x10b: {  	[tilespmem:s1], [sflag:$0x2] =	stream.indirect_vreg.gather [hbm4b:s5+s3], $0x80, v3, vm0, $0xb8;
	[tilespmem:$0x10080] =	vst v63  }
0x10c: {  	s1 =	simm.s32 $0xD880  }
0x10d: {  	[tilespmem:s1], [sflag:$0x2] =	stream.indirect_vreg.gather [hbm4b:s7+s3], $0x80, v3, vm0, $0xb8;
	[tilespmem:$0x10080] =	vst v63  }
0x10e: {  	s1 =	simm.s32 $0xE080  }
0x10f: {  	[tilespmem:s1], [sflag:$0x2] =	stream.indirect_vreg.gather [hbm4b:s8+s3], $0x80, v3, vm0, $0xb8;
	[tilespmem:$0x10080] =	vst v63  }
0x110: {  	s1 =	simm.s32 $0xE880  }
0x111: {  	[tilespmem:s1], [sflag:$0x2] =	stream.indirect_vreg.gather [hbm4b:s9+s3], $0x80, v3, vm0, $0xb8;
	[tilespmem:$0x10080] =	vst v63  }
0x112: {  	s1 =	simm.s32 $0xF080  }
0x113: {  	[tilespmem:s1], [sflag:$0x2] =	stream.indirect_vreg.gather [hbm4b:s10+s3], $0x80, v3, vm0, $0xb8;
	[tilespmem:$0x10080] =	vst v63  }
0x114: {  	s1 =	simm.s32 $0xF880  }
0x115: {  	[tilespmem:s1], [sflag:$0x2] =	stream.indirect_vreg.gather [hbm4b:s11+s3], $0x80, v3, vm0, $0xb8;
	[tilespmem:$0x10080] =	vst v63  }
0x116: {  	_ =	swait.ge [sflag:s26], $0x8000  }
0x117: {  	[sflag:s26] =	ssyncset.done $0x0  }
0x118: {  	s1 =	rddreg [dreg:$0x7];
	[sflag:s26] =	ssyncadd.s32 $0xFFFF8000  }
0x119: {  	[hbm4b:s1+s3] =	stream.linear.scatter [tilespmem:s31], [sflag:$0x3], $0x8000, $0x38;
	[tilespmem:$0x10080] =	vst v63  }
0x11a: {  	_ =	swait.ge [sflag:s29], $0x8000  }
0x11b: {  	[sflag:s29] =	ssyncset.done $0x0  }
0x11c: {  	s1 =	rddreg [dreg:$0x8];
	[sflag:s29] =	ssyncadd.s32 $0xFFFF8000  }
0x11d: {  	[hbm4b:s1+s3] =	stream.linear.scatter [tilespmem:s0], [sflag:$0x4], $0x8000, $0x38;
	[tilespmem:$0x10080] =	vst v63  }
0x11e: {  	p0 =	sne.s32 s12, $0x1;
	_ =	swait.ge [sflag:s28], $0x8000  }
.Ltmp0:
0x11f: {  	[sflag:s28] =	ssyncset.done $0x0;
	(pc) =	sbr.rel @p0 .LBB2_1-.Ltmp0, $4  }
0x120: {  	[sflag:s28] =	ssyncadd.s32 $0xFFFF8000  }
0x121: {  	_ =	swait.ge [sflag:s30], $0x8000  }
0x122: {  	[sflag:s30] =	ssyncset.done $0x0  }
0x123: {  	s12 =	sadd.s32 $0xFFFFFFFF, s12;
	[sflag:s30] =	ssyncadd.s32 $0xFFFF8000  }
0x124: {  	_ =	sfence.sel $0x180000  }
0x125: {  	[bflag:$0x0] =	sbarrier.arrive $0xFFFF  }
0x126: {  	_ =	strace $0x90000050  }
0x127: {  	s0 =	stileid.u32;
	[bflag:$0x2] =	sbarrier.arrive $0xFFFF  }
0x128: {  	p0 =	sne.s32 s0, $0x0;
	s0 =	rddreg [dreg:$0x2]  }
0x129: {  	s0 =	sadd.s32 @!p0 $0x100000, s0  }
0x12a: {  	[sflag:s0] =	ssyncadd.tile.s32 @!p0 $0x1;
	_ =	shalt  }
.Lfunc_end2:
_tile_overlayer_lowered:
.L_overlay_start_2:
0x12b: {  	(tag) =	ssettag $0x2  }
0x12c: {  	s0 =	rddreg [dreg:$0x0];
	s2 =	stileid.u32  }
0x12d: {  	s1 =	rddreg [dreg:$0x1];
	p0 =	sne.s32 s2, $0x0  }
0x12e: {  	s3 =	rddreg [dreg:$0x2];
	[bflag:$0x3] =	sbarrier.arrive $0xFFFF;
	s2 =	simm.s32 @!p0 $0x1C05  }
0x12f: {  	[timem:s3], [sflag:s2] =	dma.local @!p0 [hbm:s0], s1  }
0x130: {  	s0 =	simm.s32 @!p0 $0x5  }
0x131: {  	_ =	swait.ge @!p0 [sflag:s0], s1  }
0x132: {  	s1 =	ssub.s32 @!p0 $0x0, s1;
	[sflag:s0] =	ssyncset.done @!p0 $0x0  }
0x133: {  	[sflag:s0] =	ssyncadd.s32 @!p0 s1  }
0x134: {  	[bflag:$0x3] =	sbarrier.arrive $0xFFFF  }
0x135: {  	_ =	shalt  }

</sc_bundles>
